<compile_context>
chip_gen: v7x
topology: tpu7x:2x2x1
jax: 0.10.2.dev20260603
libtpu: 0.0.44.dev20260713+nightly
codegen_flags: <defaults>
</compile_context>

<pallas_src>
import functools

import jax
import jax.numpy as jnp
from jax import lax
from jax.experimental import pallas as pl
from jax.experimental.pallas import tpu as pltpu
from jax.experimental.pallas import tpu_sc as plsc

N = 10000
NP = 10240
E = 320000
D = 128

NC = 2
NS = 16
NW = NC * NS
EPW = E // NW
C = 80
NCHUNK = EPW // C
RPT = NP // NS
ZR = 32
WB = 128
CW = 8


def _make_sc_agg(with_cnt: bool):
    mesh = plsc.VectorSubcoreMesh(core_axis_name="c", subcore_axis_name="s")

    out_type = [jax.ShapeDtypeStruct((2 * NP, D), jnp.float32)]
    scratch = [
        pltpu.VMEM((ZR, D), jnp.float32),
        pltpu.VMEM((C,), jnp.int32),
        pltpu.VMEM((C,), jnp.int32),
        pltpu.VMEM((C, D), jnp.float32),
        pltpu.VMEM((WB, D), jnp.float32),
        pltpu.VMEM_SHARED((NP, D), jnp.float32),
        pltpu.SemaphoreType.DMA,
    ]
    if with_cnt:
        out_type.append(jax.ShapeDtypeStruct((2 * NP, CW), jnp.float32))
        scratch += [
            pltpu.VMEM((RPT, CW), jnp.float32),
            pltpu.VMEM((C, CW), jnp.float32),
            pltpu.VMEM_SHARED((NP, CW), jnp.float32),
        ]

    def body(h_hbm, src_hbm, dst_hbm, zA_hbm, zC_hbm, ones_hbm,
             out_agg, out_cnt, zA_v, src_v, dst_v, rows_v, st_v, acc_sh, sem,
             zC_v=None, ones_v=None, cnt_sh=None):
        cid = lax.axis_index("c")
        sid = lax.axis_index("s")
        w = cid * NS + sid
        rbase = sid * RPT

        pltpu.sync_copy(zA_hbm, zA_v)
        for j in range(RPT // ZR):
            pltpu.sync_copy(zA_v, acc_sh.at[pl.ds(rbase + j * ZR, ZR)])
        if with_cnt:
            pltpu.sync_copy(zC_hbm, zC_v)
            pltpu.sync_copy(ones_hbm, ones_v)
            pltpu.sync_copy(zC_v, cnt_sh.at[pl.ds(rbase, RPT)])
        plsc.subcore_barrier()

        def chunk(i, carry):
            base = w * EPW + i * C
            pltpu.sync_copy(src_hbm.at[pl.ds(base, C)], src_v)
            pltpu.sync_copy(dst_hbm.at[pl.ds(base, C)], dst_v)
            pltpu.async_copy(h_hbm.at[src_v], rows_v, sem).wait()
            pltpu.sync_copy(rows_v, acc_sh.at[dst_v], add=True)
            if with_cnt:
                pltpu.sync_copy(ones_v, cnt_sh.at[dst_v], add=True)
            return carry

        lax.fori_loop(0, NCHUNK, chunk, 0)
        plsc.subcore_barrier()

        obase = cid * NP + rbase
        for j in range(RPT // WB):
            pltpu.sync_copy(acc_sh.at[pl.ds(rbase + j * WB, WB)], st_v)
            pltpu.sync_copy(st_v, out_agg.at[pl.ds(obase + j * WB, WB)])
        if with_cnt:
            pltpu.sync_copy(cnt_sh.at[pl.ds(rbase, RPT)], zC_v)
            pltpu.sync_copy(zC_v, out_cnt.at[pl.ds(obase, RPT)])

    params = pltpu.CompilerParams(use_tc_tiling_on_sc=False)
    if with_cnt:
        def body_cnt(h, s, d, zA, zC, on, oa, oc, *scr):
            body(h, s, d, zA, zC, on, oa, oc, *scr[:7],
                 zC_v=scr[7], ones_v=scr[8], cnt_sh=scr[9])
        return pl.kernel(body_cnt, mesh=mesh, out_type=out_type,
                         scratch_types=scratch, compiler_params=params)
    else:
        def body_nc(h, s, d, zA, oa, *scr):
            body(h, s, d, zA, None, None, oa, None, *scr)
        return pl.kernel(body_nc, mesh=mesh, out_type=out_type,
                         scratch_types=scratch, compiler_params=params)


_sc_agg_cnt = _make_sc_agg(True)
_sc_agg = _make_sc_agg(False)


def _tc_body(p0_ref, p1_ref, c0_ref, c1_ref, h_ref, wl_ref, bl_ref, wr_ref,
             g_ref, be_ref, o_ref, *, mode):
    cnt = jnp.maximum(c0_ref[:, 0:1] + c1_ref[:, 0:1], 1.0)
    mean = (p0_ref[...] + p1_ref[...]) / cnt
    y = jnp.dot(mean, wl_ref[...], preferred_element_type=jnp.float32)
    y = y + bl_ref[...]
    y = y + jnp.dot(h_ref[...], wr_ref[...], preferred_element_type=jnp.float32)
    if mode == 0:
        y = jnp.maximum(y * g_ref[...] + be_ref[...], 0.0)
    else:
        m = jnp.max(y, axis=1, keepdims=True)
        y = y - m
        y = y - jnp.log(jnp.sum(jnp.exp(y), axis=1, keepdims=True))
    o_ref[...] = y


_TB = 2000


def _tc_layer(p0, p1, c0, c1, h, Wl, bl, Wr, g, be, mode):
    grid = (N // _TB,)
    row = lambda i: (i, 0)
    rep = lambda i: (0, 0)
    return pl.pallas_call(
        functools.partial(_tc_body, mode=mode),
        grid=grid,
        in_specs=[
            pl.BlockSpec((_TB, D), row),
            pl.BlockSpec((_TB, D), row),
            pl.BlockSpec((_TB, CW), row),
            pl.BlockSpec((_TB, CW), row),
            pl.BlockSpec((_TB, D), row),
            pl.BlockSpec((D, D), rep),
            pl.BlockSpec((1, D), rep),
            pl.BlockSpec((D, D), rep),
            pl.BlockSpec((1, D), rep),
            pl.BlockSpec((1, D), rep),
        ],
        out_specs=pl.BlockSpec((_TB, D), row),
        out_shape=jax.ShapeDtypeStruct((N, D), jnp.float32),
    )(p0, p1, c0, c1, h, Wl, bl.reshape(1, D), Wr,
      g.reshape(1, D), be.reshape(1, D))


def kernel(x, edge_index, W1l, b1l, W1r, W2l, b2l, W2r, W3l, b3l, W3r,
           g1, be1, g2, be2):
    src = edge_index[0]
    dst = edge_index[1]
    zA = jnp.zeros((ZR, D), jnp.float32)
    zC = jnp.zeros((RPT, CW), jnp.float32)
    onesC = jnp.ones((C, CW), jnp.float32)

    agg, cnt = _sc_agg_cnt(x, src, dst, zA, zC, onesC)
    c0, c1 = cnt[:N], cnt[NP:NP + N]
    h = _tc_layer(agg[:N], agg[NP:NP + N], c0, c1, x, W1l, b1l, W1r, g1, be1, 0)
    (agg,) = _sc_agg(h, src, dst, zA)
    h = _tc_layer(agg[:N], agg[NP:NP + N], c0, c1, h, W2l, b2l, W2r, g2, be2, 0)
    (agg,) = _sc_agg(h, src, dst, zA)
    return _tc_layer(agg[:N], agg[NP:NP + N], c0, c1, h, W3l, b3l, W3r, g1, be1, 1)

# --- scband reference (transcript-rebuilt; emitter-appended) ---
"""Pipeline reference for scband-gcn-40200893890739 (READ-ONLY COPY).

The authoritative reference and input builder live on the scoring server;
editing this copy changes nothing except your own understanding.
"""

import jax, jax.numpy as jnp
import numpy as np

N = 10000
E = 320000
D = 128


def setup_inputs(seed: int = 0) -> dict:
    key = jax.random.key(seed)
    ks = jax.random.split(key, 20)
    x = jax.random.normal(ks[0], (N, D), dtype=jnp.float32)
    edge_index = jax.random.randint(ks[1], (2, E), 0, N, dtype=jnp.int32)
    s = 0.05
    inp = {"x": x, "edge_index": edge_index}
    # SAGEConv params: lin_l (applied to aggregated neighbors, with bias), lin_r (applied to root, no bias)
    for i, k in zip((1, 2, 3), (2, 5, 8)):
        inp[f"W{i}l"] = jax.random.normal(ks[k], (D, D), dtype=jnp.float32) * s
        inp[f"b{i}l"] = jnp.zeros((D,), dtype=jnp.float32)
        inp[f"W{i}r"] = jax.random.normal(ks[k + 1], (D, D), dtype=jnp.float32) * s
    # BatchNorm affine params (eval mode: running_mean=0, running_var=1)
    inp["g1"] = jnp.ones((D,), dtype=jnp.float32)
    inp["be1"] = jnp.zeros((D,), dtype=jnp.float32)
    inp["g2"] = jnp.ones((D,), dtype=jnp.float32)
    inp["be2"] = jnp.zeros((D,), dtype=jnp.float32)
    return inp


def _sage(x, src, dst, Wl, bl, Wr):
    # mean aggregation of source features at destination nodes
    msg = jnp.take(x, src, axis=0)
    agg = jax.ops.segment_sum(msg, dst, num_segments=x.shape[0])
    cnt = jax.ops.segment_sum(jnp.ones((src.shape[0],), dtype=x.dtype), dst, num_segments=x.shape[0])
    mean = agg / jnp.maximum(cnt, 1.0)[:, None]
    return mean @ Wl + bl + x @ Wr


def reference(x, edge_index, W1l, b1l, W1r, W2l, b2l, W2r, W3l, b3l, W3r, g1, be1, g2, be2):
    # mask edges with out-of-range endpoints (all in range here, kept for faithfulness)
    src, dst = edge_index[0], edge_index[1]
    h = _sage(x, src, dst, W1l, b1l, W1r)
    h = h * g1 + be1  # BN eval mode (running_mean=0, running_var=1)
    h = jax.nn.relu(h)
    # dropout is identity in eval mode
    h = _sage(h, src, dst, W2l, b2l, W2r)
    h = h * g2 + be2
    h = jax.nn.relu(h)
    h = _sage(h, src, dst, W3l, b3l, W3r)
    return jax.nn.log_softmax(h, axis=1)

if __name__ == "__main__":
    import jax
    _d = setup_inputs()
    print(jax.jit(kernel)(*tuple(_d.values())))

</pallas_src>

<mosaic_0001>
#map = affine_map<(d0, d1) -> (0, 0)>
#map1 = affine_map<(d0, d1) -> (0)>
module attributes {stable_mosaic.version = 14 : i64} {
  func.func @body_nc(%arg0: i32, %arg1: i32, %arg2: memref<10000x128xf32, #tpu.memory_space<hbm>>, %arg3: memref<320000xi32, #tpu.memory_space<hbm>>, %arg4: memref<320000xi32, #tpu.memory_space<hbm>>, %arg5: memref<32x128xf32, #tpu.memory_space<hbm>>, %arg6: memref<20480x128xf32, #tpu.memory_space<hbm>>, %arg7: memref<32x128xf32, #tpu.memory_space<vmem>>, %arg8: memref<80xi32, #tpu.memory_space<vmem>>, %arg9: memref<80xi32, #tpu.memory_space<vmem>>, %arg10: memref<80x128xf32, #tpu.memory_space<vmem>>, %arg11: memref<128x128xf32, #tpu.memory_space<vmem>>, %arg12: memref<10240x128xf32, #tpu.memory_space<vmem_shared>>, %arg13: memref<!tpu.dma_semaphore, #tpu.memory_space<semaphore_mem>>) attributes {dimension_semantics = [#tpu.dimension_semantics<core_parallel>, #tpu.dimension_semantics<subcore_parallel>], iteration_bounds = array<i64: 2, 16>, scalar_prefetch = 0 : i64, scratch_operands = 7 : i64, tpu.core_type = #tpu.core_type<sc_vector_subcore>, window_params = [{transform_indices = #map}, {transform_indices = #map1}, {transform_indices = #map1}, {transform_indices = #map}, {transform_indices = #map}]} {
    %mul3A = arith.constant 16 : i32
    %mul3A_0 = arith.muli %arg0, %mul3A : i32
    %add3A = arith.addi %mul3A_0, %arg1 : i32
    %mul3A_1 = arith.constant 640 : i32
    %mul3A_2 = arith.muli %arg1, %mul3A_1 : i32
    "tpu.region"() ({
      %run_scoped3A = tpu.sem_alloc : memref<!tpu.dma_semaphore, #tpu.memory_space<semaphore_mem>>
      tpu.enqueue_dma source(%arg5 : memref<32x128xf32, #tpu.memory_space<hbm>>) target(%arg7 : memref<32x128xf32, #tpu.memory_space<vmem>>) target_semaphore(%run_scoped3A : memref<!tpu.dma_semaphore, #tpu.memory_space<semaphore_mem>>)
      tpu.wait_dma2 semaphore(%run_scoped3A : memref<!tpu.dma_semaphore, #tpu.memory_space<semaphore_mem>>) src(%arg5 : memref<32x128xf32, #tpu.memory_space<hbm>>) dst(%arg7 : memref<32x128xf32, #tpu.memory_space<vmem>>)
      tpu.yield
    }) : () -> ()
    %add3A_3 = arith.constant 0 : i32
    %add3A_4 = arith.addi %mul3A_2, %add3A_3 : i32
    "tpu.region"() ({
      %run_scoped3A = tpu.sem_alloc : memref<!tpu.dma_semaphore, #tpu.memory_space<semaphore_mem>>
      %dma_start3A = arith.constant 0 : i32
      %dma_start3A_72 = tpu.memref_slice %arg12[%add3A_4, %dma_start3A] : memref<10240x128xf32, #tpu.memory_space<vmem_shared>> -> memref<32x128xf32, #tpu.memory_space<vmem_shared>>
      %dma_start3A_73 = arith.constant 0 : i32
      %dma_start3A_74 = tpu.memref_slice %arg12[%add3A_4, %dma_start3A_73] : memref<10240x128xf32, #tpu.memory_space<vmem_shared>> -> memref<32x128xf32, #tpu.memory_space<vmem_shared>>
      tpu.enqueue_dma source(%arg7 : memref<32x128xf32, #tpu.memory_space<vmem>>) target(%dma_start3A_74 : memref<32x128xf32, #tpu.memory_space<vmem_shared>>) target_semaphore(%run_scoped3A : memref<!tpu.dma_semaphore, #tpu.memory_space<semaphore_mem>>)
      %dma_wait3A = arith.constant 0 : i32
      %dma_wait3A_75 = tpu.memref_slice %arg12[%add3A_4, %dma_wait3A] : memref<10240x128xf32, #tpu.memory_space<vmem_shared>> -> memref<32x128xf32, #tpu.memory_space<vmem_shared>>
      %dma_wait3A_76 = arith.constant 0 : i32
      %dma_wait3A_77 = tpu.memref_slice %arg12[%add3A_4, %dma_wait3A_76] : memref<10240x128xf32, #tpu.memory_space<vmem_shared>> -> memref<32x128xf32, #tpu.memory_space<vmem_shared>>
      tpu.wait_dma2 semaphore(%run_scoped3A : memref<!tpu.dma_semaphore, #tpu.memory_space<semaphore_mem>>) src(%arg7 : memref<32x128xf32, #tpu.memory_space<vmem>>) dst(%dma_wait3A_77 : memref<32x128xf32, #tpu.memory_space<vmem_shared>>)
      tpu.yield
    }) : () -> ()
    %add3A_5 = arith.constant 32 : i32
    %add3A_6 = arith.addi %mul3A_2, %add3A_5 : i32
    "tpu.region"() ({
      %run_scoped3A = tpu.sem_alloc : memref<!tpu.dma_semaphore, #tpu.memory_space<semaphore_mem>>
      %dma_start3A = arith.constant 0 : i32
      %dma_start3A_72 = tpu.memref_slice %arg12[%add3A_6, %dma_start3A] : memref<10240x128xf32, #tpu.memory_space<vmem_shared>> -> memref<32x128xf32, #tpu.memory_space<vmem_shared>>
      %dma_start3A_73 = arith.constant 0 : i32
      %dma_start3A_74 = tpu.memref_slice %arg12[%add3A_6, %dma_start3A_73] : memref<10240x128xf32, #tpu.memory_space<vmem_shared>> -> memref<32x128xf32, #tpu.memory_space<vmem_shared>>
      tpu.enqueue_dma source(%arg7 : memref<32x128xf32, #tpu.memory_space<vmem>>) target(%dma_start3A_74 : memref<32x128xf32, #tpu.memory_space<vmem_shared>>) target_semaphore(%run_scoped3A : memref<!tpu.dma_semaphore, #tpu.memory_space<semaphore_mem>>)
      %dma_wait3A = arith.constant 0 : i32
      %dma_wait3A_75 = tpu.memref_slice %arg12[%add3A_6, %dma_wait3A] : memref<10240x128xf32, #tpu.memory_space<vmem_shared>> -> memref<32x128xf32, #tpu.memory_space<vmem_shared>>
      %dma_wait3A_76 = arith.constant 0 : i32
      %dma_wait3A_77 = tpu.memref_slice %arg12[%add3A_6, %dma_wait3A_76] : memref<10240x128xf32, #tpu.memory_space<vmem_shared>> -> memref<32x128xf32, #tpu.memory_space<vmem_shared>>
      tpu.wait_dma2 semaphore(%run_scoped3A : memref<!tpu.dma_semaphore, #tpu.memory_space<semaphore_mem>>) src(%arg7 : memref<32x128xf32, #tpu.memory_space<vmem>>) dst(%dma_wait3A_77 : memref<32x128xf32, #tpu.memory_space<vmem_shared>>)
      tpu.yield
    }) : () -> ()
    %add3A_7 = arith.constant 64 : i32
    %add3A_8 = arith.addi %mul3A_2, %add3A_7 : i32
    "tpu.region"() ({
      %run_scoped3A = tpu.sem_alloc : memref<!tpu.dma_semaphore, #tpu.memory_space<semaphore_mem>>
      %dma_start3A = arith.constant 0 : i32
      %dma_start3A_72 = tpu.memref_slice %arg12[%add3A_8, %dma_start3A] : memref<10240x128xf32, #tpu.memory_space<vmem_shared>> -> memref<32x128xf32, #tpu.memory_space<vmem_shared>>
      %dma_start3A_73 = arith.constant 0 : i32
      %dma_start3A_74 = tpu.memref_slice %arg12[%add3A_8, %dma_start3A_73] : memref<10240x128xf32, #tpu.memory_space<vmem_shared>> -> memref<32x128xf32, #tpu.memory_space<vmem_shared>>
      tpu.enqueue_dma source(%arg7 : memref<32x128xf32, #tpu.memory_space<vmem>>) target(%dma_start3A_74 : memref<32x128xf32, #tpu.memory_space<vmem_shared>>) target_semaphore(%run_scoped3A : memref<!tpu.dma_semaphore, #tpu.memory_space<semaphore_mem>>)
      %dma_wait3A = arith.constant 0 : i32
      %dma_wait3A_75 = tpu.memref_slice %arg12[%add3A_8, %dma_wait3A] : memref<10240x128xf32, #tpu.memory_space<vmem_shared>> -> memref<32x128xf32, #tpu.memory_space<vmem_shared>>
      %dma_wait3A_76 = arith.constant 0 : i32
      %dma_wait3A_77 = tpu.memref_slice %arg12[%add3A_8, %dma_wait3A_76] : memref<10240x128xf32, #tpu.memory_space<vmem_shared>> -> memref<32x128xf32, #tpu.memory_space<vmem_shared>>
      tpu.wait_dma2 semaphore(%run_scoped3A : memref<!tpu.dma_semaphore, #tpu.memory_space<semaphore_mem>>) src(%arg7 : memref<32x128xf32, #tpu.memory_space<vmem>>) dst(%dma_wait3A_77 : memref<32x128xf32, #tpu.memory_space<vmem_shared>>)
      tpu.yield
    }) : () -> ()
    %add3A_9 = arith.constant 96 : i32
    %add3A_10 = arith.addi %mul3A_2, %add3A_9 : i32
    "tpu.region"() ({
      %run_scoped3A = tpu.sem_alloc : memref<!tpu.dma_semaphore, #tpu.memory_space<semaphore_mem>>
      %dma_start3A = arith.constant 0 : i32
      %dma_start3A_72 = tpu.memref_slice %arg12[%add3A_10, %dma_start3A] : memref<10240x128xf32, #tpu.memory_space<vmem_shared>> -> memref<32x128xf32, #tpu.memory_space<vmem_shared>>
      %dma_start3A_73 = arith.constant 0 : i32
      %dma_start3A_74 = tpu.memref_slice %arg12[%add3A_10, %dma_start3A_73] : memref<10240x128xf32, #tpu.memory_space<vmem_shared>> -> memref<32x128xf32, #tpu.memory_space<vmem_shared>>
      tpu.enqueue_dma source(%arg7 : memref<32x128xf32, #tpu.memory_space<vmem>>) target(%dma_start3A_74 : memref<32x128xf32, #tpu.memory_space<vmem_shared>>) target_semaphore(%run_scoped3A : memref<!tpu.dma_semaphore, #tpu.memory_space<semaphore_mem>>)
      %dma_wait3A = arith.constant 0 : i32
      %dma_wait3A_75 = tpu.memref_slice %arg12[%add3A_10, %dma_wait3A] : memref<10240x128xf32, #tpu.memory_space<vmem_shared>> -> memref<32x128xf32, #tpu.memory_space<vmem_shared>>
      %dma_wait3A_76 = arith.constant 0 : i32
      %dma_wait3A_77 = tpu.memref_slice %arg12[%add3A_10, %dma_wait3A_76] : memref<10240x128xf32, #tpu.memory_space<vmem_shared>> -> memref<32x128xf32, #tpu.memory_space<vmem_shared>>
      tpu.wait_dma2 semaphore(%run_scoped3A : memref<!tpu.dma_semaphore, #tpu.memory_space<semaphore_mem>>) src(%arg7 : memref<32x128xf32, #tpu.memory_space<vmem>>) dst(%dma_wait3A_77 : memref<32x128xf32, #tpu.memory_space<vmem_shared>>)
      tpu.yield
    }) : () -> ()
    %add3A_11 = arith.constant 128 : i32
    %add3A_12 = arith.addi %mul3A_2, %add3A_11 : i32
    "tpu.region"() ({
      %run_scoped3A = tpu.sem_alloc : memref<!tpu.dma_semaphore, #tpu.memory_space<semaphore_mem>>
      %dma_start3A = arith.constant 0 : i32
      %dma_start3A_72 = tpu.memref_slice %arg12[%add3A_12, %dma_start3A] : memref<10240x128xf32, #tpu.memory_space<vmem_shared>> -> memref<32x128xf32, #tpu.memory_space<vmem_shared>>
      %dma_start3A_73 = arith.constant 0 : i32
      %dma_start3A_74 = tpu.memref_slice %arg12[%add3A_12, %dma_start3A_73] : memref<10240x128xf32, #tpu.memory_space<vmem_shared>> -> memref<32x128xf32, #tpu.memory_space<vmem_shared>>
      tpu.enqueue_dma source(%arg7 : memref<32x128xf32, #tpu.memory_space<vmem>>) target(%dma_start3A_74 : memref<32x128xf32, #tpu.memory_space<vmem_shared>>) target_semaphore(%run_scoped3A : memref<!tpu.dma_semaphore, #tpu.memory_space<semaphore_mem>>)
      %dma_wait3A = arith.constant 0 : i32
      %dma_wait3A_75 = tpu.memref_slice %arg12[%add3A_12, %dma_wait3A] : memref<10240x128xf32, #tpu.memory_space<vmem_shared>> -> memref<32x128xf32, #tpu.memory_space<vmem_shared>>
      %dma_wait3A_76 = arith.constant 0 : i32
      %dma_wait3A_77 = tpu.memref_slice %arg12[%add3A_12, %dma_wait3A_76] : memref<10240x128xf32, #tpu.memory_space<vmem_shared>> -> memref<32x128xf32, #tpu.memory_space<vmem_shared>>
      tpu.wait_dma2 semaphore(%run_scoped3A : memref<!tpu.dma_semaphore, #tpu.memory_space<semaphore_mem>>) src(%arg7 : memref<32x128xf32, #tpu.memory_space<vmem>>) dst(%dma_wait3A_77 : memref<32x128xf32, #tpu.memory_space<vmem_shared>>)
      tpu.yield
    }) : () -> ()
    %add3A_13 = arith.constant 160 : i32
    %add3A_14 = arith.addi %mul3A_2, %add3A_13 : i32
    "tpu.region"() ({
      %run_scoped3A = tpu.sem_alloc : memref<!tpu.dma_semaphore, #tpu.memory_space<semaphore_mem>>
      %dma_start3A = arith.constant 0 : i32
      %dma_start3A_72 = tpu.memref_slice %arg12[%add3A_14, %dma_start3A] : memref<10240x128xf32, #tpu.memory_space<vmem_shared>> -> memref<32x128xf32, #tpu.memory_space<vmem_shared>>
      %dma_start3A_73 = arith.constant 0 : i32
      %dma_start3A_74 = tpu.memref_slice %arg12[%add3A_14, %dma_start3A_73] : memref<10240x128xf32, #tpu.memory_space<vmem_shared>> -> memref<32x128xf32, #tpu.memory_space<vmem_shared>>
      tpu.enqueue_dma source(%arg7 : memref<32x128xf32, #tpu.memory_space<vmem>>) target(%dma_start3A_74 : memref<32x128xf32, #tpu.memory_space<vmem_shared>>) target_semaphore(%run_scoped3A : memref<!tpu.dma_semaphore, #tpu.memory_space<semaphore_mem>>)
      %dma_wait3A = arith.constant 0 : i32
      %dma_wait3A_75 = tpu.memref_slice %arg12[%add3A_14, %dma_wait3A] : memref<10240x128xf32, #tpu.memory_space<vmem_shared>> -> memref<32x128xf32, #tpu.memory_space<vmem_shared>>
      %dma_wait3A_76 = arith.constant 0 : i32
      %dma_wait3A_77 = tpu.memref_slice %arg12[%add3A_14, %dma_wait3A_76] : memref<10240x128xf32, #tpu.memory_space<vmem_shared>> -> memref<32x128xf32, #tpu.memory_space<vmem_shared>>
      tpu.wait_dma2 semaphore(%run_scoped3A : memref<!tpu.dma_semaphore, #tpu.memory_space<semaphore_mem>>) src(%arg7 : memref<32x128xf32, #tpu.memory_space<vmem>>) dst(%dma_wait3A_77 : memref<32x128xf32, #tpu.memory_space<vmem_shared>>)
      tpu.yield
    }) : () -> ()
    %add3A_15 = arith.constant 192 : i32
    %add3A_16 = arith.addi %mul3A_2, %add3A_15 : i32
    "tpu.region"() ({
      %run_scoped3A = tpu.sem_alloc : memref<!tpu.dma_semaphore, #tpu.memory_space<semaphore_mem>>
      %dma_start3A = arith.constant 0 : i32
      %dma_start3A_72 = tpu.memref_slice %arg12[%add3A_16, %dma_start3A] : memref<10240x128xf32, #tpu.memory_space<vmem_shared>> -> memref<32x128xf32, #tpu.memory_space<vmem_shared>>
      %dma_start3A_73 = arith.constant 0 : i32
      %dma_start3A_74 = tpu.memref_slice %arg12[%add3A_16, %dma_start3A_73] : memref<10240x128xf32, #tpu.memory_space<vmem_shared>> -> memref<32x128xf32, #tpu.memory_space<vmem_shared>>
      tpu.enqueue_dma source(%arg7 : memref<32x128xf32, #tpu.memory_space<vmem>>) target(%dma_start3A_74 : memref<32x128xf32, #tpu.memory_space<vmem_shared>>) target_semaphore(%run_scoped3A : memref<!tpu.dma_semaphore, #tpu.memory_space<semaphore_mem>>)
      %dma_wait3A = arith.constant 0 : i32
      %dma_wait3A_75 = tpu.memref_slice %arg12[%add3A_16, %dma_wait3A] : memref<10240x128xf32, #tpu.memory_space<vmem_shared>> -> memref<32x128xf32, #tpu.memory_space<vmem_shared>>
      %dma_wait3A_76 = arith.constant 0 : i32
      %dma_wait3A_77 = tpu.memref_slice %arg12[%add3A_16, %dma_wait3A_76] : memref<10240x128xf32, #tpu.memory_space<vmem_shared>> -> memref<32x128xf32, #tpu.memory_space<vmem_shared>>
      tpu.wait_dma2 semaphore(%run_scoped3A : memref<!tpu.dma_semaphore, #tpu.memory_space<semaphore_mem>>) src(%arg7 : memref<32x128xf32, #tpu.memory_space<vmem>>) dst(%dma_wait3A_77 : memref<32x128xf32, #tpu.memory_space<vmem_shared>>)
      tpu.yield
    }) : () -> ()
    %add3A_17 = arith.constant 224 : i32
    %add3A_18 = arith.addi %mul3A_2, %add3A_17 : i32
    "tpu.region"() ({
      %run_scoped3A = tpu.sem_alloc : memref<!tpu.dma_semaphore, #tpu.memory_space<semaphore_mem>>
      %dma_start3A = arith.constant 0 : i32
      %dma_start3A_72 = tpu.memref_slice %arg12[%add3A_18, %dma_start3A] : memref<10240x128xf32, #tpu.memory_space<vmem_shared>> -> memref<32x128xf32, #tpu.memory_space<vmem_shared>>
      %dma_start3A_73 = arith.constant 0 : i32
      %dma_start3A_74 = tpu.memref_slice %arg12[%add3A_18, %dma_start3A_73] : memref<10240x128xf32, #tpu.memory_space<vmem_shared>> -> memref<32x128xf32, #tpu.memory_space<vmem_shared>>
      tpu.enqueue_dma source(%arg7 : memref<32x128xf32, #tpu.memory_space<vmem>>) target(%dma_start3A_74 : memref<32x128xf32, #tpu.memory_space<vmem_shared>>) target_semaphore(%run_scoped3A : memref<!tpu.dma_semaphore, #tpu.memory_space<semaphore_mem>>)
      %dma_wait3A = arith.constant 0 : i32
      %dma_wait3A_75 = tpu.memref_slice %arg12[%add3A_18, %dma_wait3A] : memref<10240x128xf32, #tpu.memory_space<vmem_shared>> -> memref<32x128xf32, #tpu.memory_space<vmem_shared>>
      %dma_wait3A_76 = arith.constant 0 : i32
      %dma_wait3A_77 = tpu.memref_slice %arg12[%add3A_18, %dma_wait3A_76] : memref<10240x128xf32, #tpu.memory_space<vmem_shared>> -> memref<32x128xf32, #tpu.memory_space<vmem_shared>>
      tpu.wait_dma2 semaphore(%run_scoped3A : memref<!tpu.dma_semaphore, #tpu.memory_space<semaphore_mem>>) src(%arg7 : memref<32x128xf32, #tpu.memory_space<vmem>>) dst(%dma_wait3A_77 : memref<32x128xf32, #tpu.memory_space<vmem_shared>>)
      tpu.yield
    }) : () -> ()
    %add3A_19 = arith.constant 256 : i32
    %add3A_20 = arith.addi %mul3A_2, %add3A_19 : i32
    "tpu.region"() ({
      %run_scoped3A = tpu.sem_alloc : memref<!tpu.dma_semaphore, #tpu.memory_space<semaphore_mem>>
      %dma_start3A = arith.constant 0 : i32
      %dma_start3A_72 = tpu.memref_slice %arg12[%add3A_20, %dma_start3A] : memref<10240x128xf32, #tpu.memory_space<vmem_shared>> -> memref<32x128xf32, #tpu.memory_space<vmem_shared>>
      %dma_start3A_73 = arith.constant 0 : i32
      %dma_start3A_74 = tpu.memref_slice %arg12[%add3A_20, %dma_start3A_73] : memref<10240x128xf32, #tpu.memory_space<vmem_shared>> -> memref<32x128xf32, #tpu.memory_space<vmem_shared>>
      tpu.enqueue_dma source(%arg7 : memref<32x128xf32, #tpu.memory_space<vmem>>) target(%dma_start3A_74 : memref<32x128xf32, #tpu.memory_space<vmem_shared>>) target_semaphore(%run_scoped3A : memref<!tpu.dma_semaphore, #tpu.memory_space<semaphore_mem>>)
      %dma_wait3A = arith.constant 0 : i32
      %dma_wait3A_75 = tpu.memref_slice %arg12[%add3A_20, %dma_wait3A] : memref<10240x128xf32, #tpu.memory_space<vmem_shared>> -> memref<32x128xf32, #tpu.memory_space<vmem_shared>>
      %dma_wait3A_76 = arith.constant 0 : i32
      %dma_wait3A_77 = tpu.memref_slice %arg12[%add3A_20, %dma_wait3A_76] : memref<10240x128xf32, #tpu.memory_space<vmem_shared>> -> memref<32x128xf32, #tpu.memory_space<vmem_shared>>
      tpu.wait_dma2 semaphore(%run_scoped3A : memref<!tpu.dma_semaphore, #tpu.memory_space<semaphore_mem>>) src(%arg7 : memref<32x128xf32, #tpu.memory_space<vmem>>) dst(%dma_wait3A_77 : memref<32x128xf32, #tpu.memory_space<vmem_shared>>)
      tpu.yield
    }) : () -> ()
    %add3A_21 = arith.constant 288 : i32
    %add3A_22 = arith.addi %mul3A_2, %add3A_21 : i32
    "tpu.region"() ({
      %run_scoped3A = tpu.sem_alloc : memref<!tpu.dma_semaphore, #tpu.memory_space<semaphore_mem>>
      %dma_start3A = arith.constant 0 : i32
      %dma_start3A_72 = tpu.memref_slice %arg12[%add3A_22, %dma_start3A] : memref<10240x128xf32, #tpu.memory_space<vmem_shared>> -> memref<32x128xf32, #tpu.memory_space<vmem_shared>>
      %dma_start3A_73 = arith.constant 0 : i32
      %dma_start3A_74 = tpu.memref_slice %arg12[%add3A_22, %dma_start3A_73] : memref<10240x128xf32, #tpu.memory_space<vmem_shared>> -> memref<32x128xf32, #tpu.memory_space<vmem_shared>>
      tpu.enqueue_dma source(%arg7 : memref<32x128xf32, #tpu.memory_space<vmem>>) target(%dma_start3A_74 : memref<32x128xf32, #tpu.memory_space<vmem_shared>>) target_semaphore(%run_scoped3A : memref<!tpu.dma_semaphore, #tpu.memory_space<semaphore_mem>>)
      %dma_wait3A = arith.constant 0 : i32
      %dma_wait3A_75 = tpu.memref_slice %arg12[%add3A_22, %dma_wait3A] : memref<10240x128xf32, #tpu.memory_space<vmem_shared>> -> memref<32x128xf32, #tpu.memory_space<vmem_shared>>
      %dma_wait3A_76 = arith.constant 0 : i32
      %dma_wait3A_77 = tpu.memref_slice %arg12[%add3A_22, %dma_wait3A_76] : memref<10240x128xf32, #tpu.memory_space<vmem_shared>> -> memref<32x128xf32, #tpu.memory_space<vmem_shared>>
      tpu.wait_dma2 semaphore(%run_scoped3A : memref<!tpu.dma_semaphore, #tpu.memory_space<semaphore_mem>>) src(%arg7 : memref<32x128xf32, #tpu.memory_space<vmem>>) dst(%dma_wait3A_77 : memref<32x128xf32, #tpu.memory_space<vmem_shared>>)
      tpu.yield
    }) : () -> ()
    %add3A_23 = arith.constant 320 : i32
    %add3A_24 = arith.addi %mul3A_2, %add3A_23 : i32
    "tpu.region"() ({
      %run_scoped3A = tpu.sem_alloc : memref<!tpu.dma_semaphore, #tpu.memory_space<semaphore_mem>>
      %dma_start3A = arith.constant 0 : i32
      %dma_start3A_72 = tpu.memref_slice %arg12[%add3A_24, %dma_start3A] : memref<10240x128xf32, #tpu.memory_space<vmem_shared>> -> memref<32x128xf32, #tpu.memory_space<vmem_shared>>
      %dma_start3A_73 = arith.constant 0 : i32
      %dma_start3A_74 = tpu.memref_slice %arg12[%add3A_24, %dma_start3A_73] : memref<10240x128xf32, #tpu.memory_space<vmem_shared>> -> memref<32x128xf32, #tpu.memory_space<vmem_shared>>
      tpu.enqueue_dma source(%arg7 : memref<32x128xf32, #tpu.memory_space<vmem>>) target(%dma_start3A_74 : memref<32x128xf32, #tpu.memory_space<vmem_shared>>) target_semaphore(%run_scoped3A : memref<!tpu.dma_semaphore, #tpu.memory_space<semaphore_mem>>)
      %dma_wait3A = arith.constant 0 : i32
      %dma_wait3A_75 = tpu.memref_slice %arg12[%add3A_24, %dma_wait3A] : memref<10240x128xf32, #tpu.memory_space<vmem_shared>> -> memref<32x128xf32, #tpu.memory_space<vmem_shared>>
      %dma_wait3A_76 = arith.constant 0 : i32
      %dma_wait3A_77 = tpu.memref_slice %arg12[%add3A_24, %dma_wait3A_76] : memref<10240x128xf32, #tpu.memory_space<vmem_shared>> -> memref<32x128xf32, #tpu.memory_space<vmem_shared>>
      tpu.wait_dma2 semaphore(%run_scoped3A : memref<!tpu.dma_semaphore, #tpu.memory_space<semaphore_mem>>) src(%arg7 : memref<32x128xf32, #tpu.memory_space<vmem>>) dst(%dma_wait3A_77 : memref<32x128xf32, #tpu.memory_space<vmem_shared>>)
      tpu.yield
    }) : () -> ()
    %add3A_25 = arith.constant 352 : i32
    %add3A_26 = arith.addi %mul3A_2, %add3A_25 : i32
    "tpu.region"() ({
      %run_scoped3A = tpu.sem_alloc : memref<!tpu.dma_semaphore, #tpu.memory_space<semaphore_mem>>
      %dma_start3A = arith.constant 0 : i32
      %dma_start3A_72 = tpu.memref_slice %arg12[%add3A_26, %dma_start3A] : memref<10240x128xf32, #tpu.memory_space<vmem_shared>> -> memref<32x128xf32, #tpu.memory_space<vmem_shared>>
      %dma_start3A_73 = arith.constant 0 : i32
      %dma_start3A_74 = tpu.memref_slice %arg12[%add3A_26, %dma_start3A_73] : memref<10240x128xf32, #tpu.memory_space<vmem_shared>> -> memref<32x128xf32, #tpu.memory_space<vmem_shared>>
      tpu.enqueue_dma source(%arg7 : memref<32x128xf32, #tpu.memory_space<vmem>>) target(%dma_start3A_74 : memref<32x128xf32, #tpu.memory_space<vmem_shared>>) target_semaphore(%run_scoped3A : memref<!tpu.dma_semaphore, #tpu.memory_space<semaphore_mem>>)
      %dma_wait3A = arith.constant 0 : i32
      %dma_wait3A_75 = tpu.memref_slice %arg12[%add3A_26, %dma_wait3A] : memref<10240x128xf32, #tpu.memory_space<vmem_shared>> -> memref<32x128xf32, #tpu.memory_space<vmem_shared>>
      %dma_wait3A_76 = arith.constant 0 : i32
      %dma_wait3A_77 = tpu.memref_slice %arg12[%add3A_26, %dma_wait3A_76] : memref<10240x128xf32, #tpu.memory_space<vmem_shared>> -> memref<32x128xf32, #tpu.memory_space<vmem_shared>>
      tpu.wait_dma2 semaphore(%run_scoped3A : memref<!tpu.dma_semaphore, #tpu.memory_space<semaphore_mem>>) src(%arg7 : memref<32x128xf32, #tpu.memory_space<vmem>>) dst(%dma_wait3A_77 : memref<32x128xf32, #tpu.memory_space<vmem_shared>>)
      tpu.yield
    }) : () -> ()
    %add3A_27 = arith.constant 384 : i32
    %add3A_28 = arith.addi %mul3A_2, %add3A_27 : i32
    "tpu.region"() ({
      %run_scoped3A = tpu.sem_alloc : memref<!tpu.dma_semaphore, #tpu.memory_space<semaphore_mem>>
      %dma_start3A = arith.constant 0 : i32
      %dma_start3A_72 = tpu.memref_slice %arg12[%add3A_28, %dma_start3A] : memref<10240x128xf32, #tpu.memory_space<vmem_shared>> -> memref<32x128xf32, #tpu.memory_space<vmem_shared>>
      %dma_start3A_73 = arith.constant 0 : i32
      %dma_start3A_74 = tpu.memref_slice %arg12[%add3A_28, %dma_start3A_73] : memref<10240x128xf32, #tpu.memory_space<vmem_shared>> -> memref<32x128xf32, #tpu.memory_space<vmem_shared>>
      tpu.enqueue_dma source(%arg7 : memref<32x128xf32, #tpu.memory_space<vmem>>) target(%dma_start3A_74 : memref<32x128xf32, #tpu.memory_space<vmem_shared>>) target_semaphore(%run_scoped3A : memref<!tpu.dma_semaphore, #tpu.memory_space<semaphore_mem>>)
      %dma_wait3A = arith.constant 0 : i32
      %dma_wait3A_75 = tpu.memref_slice %arg12[%add3A_28, %dma_wait3A] : memref<10240x128xf32, #tpu.memory_space<vmem_shared>> -> memref<32x128xf32, #tpu.memory_space<vmem_shared>>
      %dma_wait3A_76 = arith.constant 0 : i32
      %dma_wait3A_77 = tpu.memref_slice %arg12[%add3A_28, %dma_wait3A_76] : memref<10240x128xf32, #tpu.memory_space<vmem_shared>> -> memref<32x128xf32, #tpu.memory_space<vmem_shared>>
      tpu.wait_dma2 semaphore(%run_scoped3A : memref<!tpu.dma_semaphore, #tpu.memory_space<semaphore_mem>>) src(%arg7 : memref<32x128xf32, #tpu.memory_space<vmem>>) dst(%dma_wait3A_77 : memref<32x128xf32, #tpu.memory_space<vmem_shared>>)
      tpu.yield
    }) : () -> ()
    %add3A_29 = arith.constant 416 : i32
    %add3A_30 = arith.addi %mul3A_2, %add3A_29 : i32
    "tpu.region"() ({
      %run_scoped3A = tpu.sem_alloc : memref<!tpu.dma_semaphore, #tpu.memory_space<semaphore_mem>>
      %dma_start3A = arith.constant 0 : i32
      %dma_start3A_72 = tpu.memref_slice %arg12[%add3A_30, %dma_start3A] : memref<10240x128xf32, #tpu.memory_space<vmem_shared>> -> memref<32x128xf32, #tpu.memory_space<vmem_shared>>
      %dma_start3A_73 = arith.constant 0 : i32
      %dma_start3A_74 = tpu.memref_slice %arg12[%add3A_30, %dma_start3A_73] : memref<10240x128xf32, #tpu.memory_space<vmem_shared>> -> memref<32x128xf32, #tpu.memory_space<vmem_shared>>
      tpu.enqueue_dma source(%arg7 : memref<32x128xf32, #tpu.memory_space<vmem>>) target(%dma_start3A_74 : memref<32x128xf32, #tpu.memory_space<vmem_shared>>) target_semaphore(%run_scoped3A : memref<!tpu.dma_semaphore, #tpu.memory_space<semaphore_mem>>)
      %dma_wait3A = arith.constant 0 : i32
      %dma_wait3A_75 = tpu.memref_slice %arg12[%add3A_30, %dma_wait3A] : memref<10240x128xf32, #tpu.memory_space<vmem_shared>> -> memref<32x128xf32, #tpu.memory_space<vmem_shared>>
      %dma_wait3A_76 = arith.constant 0 : i32
      %dma_wait3A_77 = tpu.memref_slice %arg12[%add3A_30, %dma_wait3A_76] : memref<10240x128xf32, #tpu.memory_space<vmem_shared>> -> memref<32x128xf32, #tpu.memory_space<vmem_shared>>
      tpu.wait_dma2 semaphore(%run_scoped3A : memref<!tpu.dma_semaphore, #tpu.memory_space<semaphore_mem>>) src(%arg7 : memref<32x128xf32, #tpu.memory_space<vmem>>) dst(%dma_wait3A_77 : memref<32x128xf32, #tpu.memory_space<vmem_shared>>)
      tpu.yield
    }) : () -> ()
    %add3A_31 = arith.constant 448 : i32
    %add3A_32 = arith.addi %mul3A_2, %add3A_31 : i32
    "tpu.region"() ({
      %run_scoped3A = tpu.sem_alloc : memref<!tpu.dma_semaphore, #tpu.memory_space<semaphore_mem>>
      %dma_start3A = arith.constant 0 : i32
      %dma_start3A_72 = tpu.memref_slice %arg12[%add3A_32, %dma_start3A] : memref<10240x128xf32, #tpu.memory_space<vmem_shared>> -> memref<32x128xf32, #tpu.memory_space<vmem_shared>>
      %dma_start3A_73 = arith.constant 0 : i32
      %dma_start3A_74 = tpu.memref_slice %arg12[%add3A_32, %dma_start3A_73] : memref<10240x128xf32, #tpu.memory_space<vmem_shared>> -> memref<32x128xf32, #tpu.memory_space<vmem_shared>>
      tpu.enqueue_dma source(%arg7 : memref<32x128xf32, #tpu.memory_space<vmem>>) target(%dma_start3A_74 : memref<32x128xf32, #tpu.memory_space<vmem_shared>>) target_semaphore(%run_scoped3A : memref<!tpu.dma_semaphore, #tpu.memory_space<semaphore_mem>>)
      %dma_wait3A = arith.constant 0 : i32
      %dma_wait3A_75 = tpu.memref_slice %arg12[%add3A_32, %dma_wait3A] : memref<10240x128xf32, #tpu.memory_space<vmem_shared>> -> memref<32x128xf32, #tpu.memory_space<vmem_shared>>
      %dma_wait3A_76 = arith.constant 0 : i32
      %dma_wait3A_77 = tpu.memref_slice %arg12[%add3A_32, %dma_wait3A_76] : memref<10240x128xf32, #tpu.memory_space<vmem_shared>> -> memref<32x128xf32, #tpu.memory_space<vmem_shared>>
      tpu.wait_dma2 semaphore(%run_scoped3A : memref<!tpu.dma_semaphore, #tpu.memory_space<semaphore_mem>>) src(%arg7 : memref<32x128xf32, #tpu.memory_space<vmem>>) dst(%dma_wait3A_77 : memref<32x128xf32, #tpu.memory_space<vmem_shared>>)
      tpu.yield
    }) : () -> ()
    %add3A_33 = arith.constant 480 : i32
    %add3A_34 = arith.addi %mul3A_2, %add3A_33 : i32
    "tpu.region"() ({
      %run_scoped3A = tpu.sem_alloc : memref<!tpu.dma_semaphore, #tpu.memory_space<semaphore_mem>>
      %dma_start3A = arith.constant 0 : i32
      %dma_start3A_72 = tpu.memref_slice %arg12[%add3A_34, %dma_start3A] : memref<10240x128xf32, #tpu.memory_space<vmem_shared>> -> memref<32x128xf32, #tpu.memory_space<vmem_shared>>
      %dma_start3A_73 = arith.constant 0 : i32
      %dma_start3A_74 = tpu.memref_slice %arg12[%add3A_34, %dma_start3A_73] : memref<10240x128xf32, #tpu.memory_space<vmem_shared>> -> memref<32x128xf32, #tpu.memory_space<vmem_shared>>
      tpu.enqueue_dma source(%arg7 : memref<32x128xf32, #tpu.memory_space<vmem>>) target(%dma_start3A_74 : memref<32x128xf32, #tpu.memory_space<vmem_shared>>) target_semaphore(%run_scoped3A : memref<!tpu.dma_semaphore, #tpu.memory_space<semaphore_mem>>)
      %dma_wait3A = arith.constant 0 : i32
      %dma_wait3A_75 = tpu.memref_slice %arg12[%add3A_34, %dma_wait3A] : memref<10240x128xf32, #tpu.memory_space<vmem_shared>> -> memref<32x128xf32, #tpu.memory_space<vmem_shared>>
      %dma_wait3A_76 = arith.constant 0 : i32
      %dma_wait3A_77 = tpu.memref_slice %arg12[%add3A_34, %dma_wait3A_76] : memref<10240x128xf32, #tpu.memory_space<vmem_shared>> -> memref<32x128xf32, #tpu.memory_space<vmem_shared>>
      tpu.wait_dma2 semaphore(%run_scoped3A : memref<!tpu.dma_semaphore, #tpu.memory_space<semaphore_mem>>) src(%arg7 : memref<32x128xf32, #tpu.memory_space<vmem>>) dst(%dma_wait3A_77 : memref<32x128xf32, #tpu.memory_space<vmem_shared>>)
      tpu.yield
    }) : () -> ()
    %add3A_35 = arith.constant 512 : i32
    %add3A_36 = arith.addi %mul3A_2, %add3A_35 : i32
    "tpu.region"() ({
      %run_scoped3A = tpu.sem_alloc : memref<!tpu.dma_semaphore, #tpu.memory_space<semaphore_mem>>
      %dma_start3A = arith.constant 0 : i32
      %dma_start3A_72 = tpu.memref_slice %arg12[%add3A_36, %dma_start3A] : memref<10240x128xf32, #tpu.memory_space<vmem_shared>> -> memref<32x128xf32, #tpu.memory_space<vmem_shared>>
      %dma_start3A_73 = arith.constant 0 : i32
      %dma_start3A_74 = tpu.memref_slice %arg12[%add3A_36, %dma_start3A_73] : memref<10240x128xf32, #tpu.memory_space<vmem_shared>> -> memref<32x128xf32, #tpu.memory_space<vmem_shared>>
      tpu.enqueue_dma source(%arg7 : memref<32x128xf32, #tpu.memory_space<vmem>>) target(%dma_start3A_74 : memref<32x128xf32, #tpu.memory_space<vmem_shared>>) target_semaphore(%run_scoped3A : memref<!tpu.dma_semaphore, #tpu.memory_space<semaphore_mem>>)
      %dma_wait3A = arith.constant 0 : i32
      %dma_wait3A_75 = tpu.memref_slice %arg12[%add3A_36, %dma_wait3A] : memref<10240x128xf32, #tpu.memory_space<vmem_shared>> -> memref<32x128xf32, #tpu.memory_space<vmem_shared>>
      %dma_wait3A_76 = arith.constant 0 : i32
      %dma_wait3A_77 = tpu.memref_slice %arg12[%add3A_36, %dma_wait3A_76] : memref<10240x128xf32, #tpu.memory_space<vmem_shared>> -> memref<32x128xf32, #tpu.memory_space<vmem_shared>>
      tpu.wait_dma2 semaphore(%run_scoped3A : memref<!tpu.dma_semaphore, #tpu.memory_space<semaphore_mem>>) src(%arg7 : memref<32x128xf32, #tpu.memory_space<vmem>>) dst(%dma_wait3A_77 : memref<32x128xf32, #tpu.memory_space<vmem_shared>>)
      tpu.yield
    }) : () -> ()
    %add3A_37 = arith.constant 544 : i32
    %add3A_38 = arith.addi %mul3A_2, %add3A_37 : i32
    "tpu.region"() ({
      %run_scoped3A = tpu.sem_alloc : memref<!tpu.dma_semaphore, #tpu.memory_space<semaphore_mem>>
      %dma_start3A = arith.constant 0 : i32
      %dma_start3A_72 = tpu.memref_slice %arg12[%add3A_38, %dma_start3A] : memref<10240x128xf32, #tpu.memory_space<vmem_shared>> -> memref<32x128xf32, #tpu.memory_space<vmem_shared>>
      %dma_start3A_73 = arith.constant 0 : i32
      %dma_start3A_74 = tpu.memref_slice %arg12[%add3A_38, %dma_start3A_73] : memref<10240x128xf32, #tpu.memory_space<vmem_shared>> -> memref<32x128xf32, #tpu.memory_space<vmem_shared>>
      tpu.enqueue_dma source(%arg7 : memref<32x128xf32, #tpu.memory_space<vmem>>) target(%dma_start3A_74 : memref<32x128xf32, #tpu.memory_space<vmem_shared>>) target_semaphore(%run_scoped3A : memref<!tpu.dma_semaphore, #tpu.memory_space<semaphore_mem>>)
      %dma_wait3A = arith.constant 0 : i32
      %dma_wait3A_75 = tpu.memref_slice %arg12[%add3A_38, %dma_wait3A] : memref<10240x128xf32, #tpu.memory_space<vmem_shared>> -> memref<32x128xf32, #tpu.memory_space<vmem_shared>>
      %dma_wait3A_76 = arith.constant 0 : i32
      %dma_wait3A_77 = tpu.memref_slice %arg12[%add3A_38, %dma_wait3A_76] : memref<10240x128xf32, #tpu.memory_space<vmem_shared>> -> memref<32x128xf32, #tpu.memory_space<vmem_shared>>
      tpu.wait_dma2 semaphore(%run_scoped3A : memref<!tpu.dma_semaphore, #tpu.memory_space<semaphore_mem>>) src(%arg7 : memref<32x128xf32, #tpu.memory_space<vmem>>) dst(%dma_wait3A_77 : memref<32x128xf32, #tpu.memory_space<vmem_shared>>)
      tpu.yield
    }) : () -> ()
    %add3A_39 = arith.constant 576 : i32
    %add3A_40 = arith.addi %mul3A_2, %add3A_39 : i32
    "tpu.region"() ({
      %run_scoped3A = tpu.sem_alloc : memref<!tpu.dma_semaphore, #tpu.memory_space<semaphore_mem>>
      %dma_start3A = arith.constant 0 : i32
      %dma_start3A_72 = tpu.memref_slice %arg12[%add3A_40, %dma_start3A] : memref<10240x128xf32, #tpu.memory_space<vmem_shared>> -> memref<32x128xf32, #tpu.memory_space<vmem_shared>>
      %dma_start3A_73 = arith.constant 0 : i32
      %dma_start3A_74 = tpu.memref_slice %arg12[%add3A_40, %dma_start3A_73] : memref<10240x128xf32, #tpu.memory_space<vmem_shared>> -> memref<32x128xf32, #tpu.memory_space<vmem_shared>>
      tpu.enqueue_dma source(%arg7 : memref<32x128xf32, #tpu.memory_space<vmem>>) target(%dma_start3A_74 : memref<32x128xf32, #tpu.memory_space<vmem_shared>>) target_semaphore(%run_scoped3A : memref<!tpu.dma_semaphore, #tpu.memory_space<semaphore_mem>>)
      %dma_wait3A = arith.constant 0 : i32
      %dma_wait3A_75 = tpu.memref_slice %arg12[%add3A_40, %dma_wait3A] : memref<10240x128xf32, #tpu.memory_space<vmem_shared>> -> memref<32x128xf32, #tpu.memory_space<vmem_shared>>
      %dma_wait3A_76 = arith.constant 0 : i32
      %dma_wait3A_77 = tpu.memref_slice %arg12[%add3A_40, %dma_wait3A_76] : memref<10240x128xf32, #tpu.memory_space<vmem_shared>> -> memref<32x128xf32, #tpu.memory_space<vmem_shared>>
      tpu.wait_dma2 semaphore(%run_scoped3A : memref<!tpu.dma_semaphore, #tpu.memory_space<semaphore_mem>>) src(%arg7 : memref<32x128xf32, #tpu.memory_space<vmem>>) dst(%dma_wait3A_77 : memref<32x128xf32, #tpu.memory_space<vmem_shared>>)
      tpu.yield
    }) : () -> ()
    %add3A_41 = arith.constant 608 : i32
    %add3A_42 = arith.addi %mul3A_2, %add3A_41 : i32
    "tpu.region"() ({
      %run_scoped3A = tpu.sem_alloc : memref<!tpu.dma_semaphore, #tpu.memory_space<semaphore_mem>>
      %dma_start3A = arith.constant 0 : i32
      %dma_start3A_72 = tpu.memref_slice %arg12[%add3A_42, %dma_start3A] : memref<10240x128xf32, #tpu.memory_space<vmem_shared>> -> memref<32x128xf32, #tpu.memory_space<vmem_shared>>
      %dma_start3A_73 = arith.constant 0 : i32
      %dma_start3A_74 = tpu.memref_slice %arg12[%add3A_42, %dma_start3A_73] : memref<10240x128xf32, #tpu.memory_space<vmem_shared>> -> memref<32x128xf32, #tpu.memory_space<vmem_shared>>
      tpu.enqueue_dma source(%arg7 : memref<32x128xf32, #tpu.memory_space<vmem>>) target(%dma_start3A_74 : memref<32x128xf32, #tpu.memory_space<vmem_shared>>) target_semaphore(%run_scoped3A : memref<!tpu.dma_semaphore, #tpu.memory_space<semaphore_mem>>)
      %dma_wait3A = arith.constant 0 : i32
      %dma_wait3A_75 = tpu.memref_slice %arg12[%add3A_42, %dma_wait3A] : memref<10240x128xf32, #tpu.memory_space<vmem_shared>> -> memref<32x128xf32, #tpu.memory_space<vmem_shared>>
      %dma_wait3A_76 = arith.constant 0 : i32
      %dma_wait3A_77 = tpu.memref_slice %arg12[%add3A_42, %dma_wait3A_76] : memref<10240x128xf32, #tpu.memory_space<vmem_shared>> -> memref<32x128xf32, #tpu.memory_space<vmem_shared>>
      tpu.wait_dma2 semaphore(%run_scoped3A : memref<!tpu.dma_semaphore, #tpu.memory_space<semaphore_mem>>) src(%arg7 : memref<32x128xf32, #tpu.memory_space<vmem>>) dst(%dma_wait3A_77 : memref<32x128xf32, #tpu.memory_space<vmem_shared>>)
      tpu.yield
    }) : () -> ()
    %barrier3A = arith.constant 0 : index
    tpu.barrier barrier_id(%barrier3A)
    %scan3A = arith.constant 0 : i32
    %scan3A_43 = arith.constant 0 : i32
    %scan3A_44 = arith.constant 125 : i32
    %scan3A_45 = arith.addi %scan3A_43, %scan3A_44 : i32
    %scan3A_46 = arith.constant 1 : i32
    scf.for %scan3A_72 = %scan3A_43 to %scan3A_45 step %scan3A_46  : i32 {
      %mul3A_73 = arith.constant 10000 : i32
      %mul3A_74 = arith.muli %add3A, %mul3A_73 : i32
      %mul3A_75 = arith.constant 80 : i32
      %mul3A_76 = arith.muli %scan3A_72, %mul3A_75 : i32
      %add3A_77 = arith.addi %mul3A_74, %mul3A_76 : i32
      "tpu.region"() ({
        %run_scoped3A = tpu.sem_alloc : memref<!tpu.dma_semaphore, #tpu.memory_space<semaphore_mem>>
        %dma_start3A_82 = tpu.memref_slice %arg3[%add3A_77] : memref<320000xi32, #tpu.memory_space<hbm>> -> memref<80xi32, #tpu.memory_space<hbm>>
        %dma_start3A_83 = tpu.memref_slice %arg3[%add3A_77] : memref<320000xi32, #tpu.memory_space<hbm>> -> memref<80xi32, #tpu.memory_space<hbm>>
        tpu.enqueue_dma source(%dma_start3A_83 : memref<80xi32, #tpu.memory_space<hbm>>) target(%arg8 : memref<80xi32, #tpu.memory_space<vmem>>) target_semaphore(%run_scoped3A : memref<!tpu.dma_semaphore, #tpu.memory_space<semaphore_mem>>)
        %dma_wait3A_84 = tpu.memref_slice %arg3[%add3A_77] : memref<320000xi32, #tpu.memory_space<hbm>> -> memref<80xi32, #tpu.memory_space<hbm>>
        %dma_wait3A_85 = tpu.memref_slice %arg3[%add3A_77] : memref<320000xi32, #tpu.memory_space<hbm>> -> memref<80xi32, #tpu.memory_space<hbm>>
        tpu.wait_dma2 semaphore(%run_scoped3A : memref<!tpu.dma_semaphore, #tpu.memory_space<semaphore_mem>>) src(%dma_wait3A_85 : memref<80xi32, #tpu.memory_space<hbm>>) dst(%arg8 : memref<80xi32, #tpu.memory_space<vmem>>)
        tpu.yield
      }) : () -> ()
      "tpu.region"() ({
        %run_scoped3A = tpu.sem_alloc : memref<!tpu.dma_semaphore, #tpu.memory_space<semaphore_mem>>
        %dma_start3A_82 = tpu.memref_slice %arg4[%add3A_77] : memref<320000xi32, #tpu.memory_space<hbm>> -> memref<80xi32, #tpu.memory_space<hbm>>
        %dma_start3A_83 = tpu.memref_slice %arg4[%add3A_77] : memref<320000xi32, #tpu.memory_space<hbm>> -> memref<80xi32, #tpu.memory_space<hbm>>
        tpu.enqueue_dma source(%dma_start3A_83 : memref<80xi32, #tpu.memory_space<hbm>>) target(%arg9 : memref<80xi32, #tpu.memory_space<vmem>>) target_semaphore(%run_scoped3A : memref<!tpu.dma_semaphore, #tpu.memory_space<semaphore_mem>>)
        %dma_wait3A_84 = tpu.memref_slice %arg4[%add3A_77] : memref<320000xi32, #tpu.memory_space<hbm>> -> memref<80xi32, #tpu.memory_space<hbm>>
        %dma_wait3A_85 = tpu.memref_slice %arg4[%add3A_77] : memref<320000xi32, #tpu.memory_space<hbm>> -> memref<80xi32, #tpu.memory_space<hbm>>
        tpu.wait_dma2 semaphore(%run_scoped3A : memref<!tpu.dma_semaphore, #tpu.memory_space<semaphore_mem>>) src(%dma_wait3A_85 : memref<80xi32, #tpu.memory_space<hbm>>) dst(%arg9 : memref<80xi32, #tpu.memory_space<vmem>>)
        tpu.yield
      }) : () -> ()
      %dma_start3A = arith.constant 0 : i32
      %dma_start3A_78 = arith.constant 0 : i32
      %dma_start3A_79 = tpu.memref_slice %arg2[%dma_start3A, %dma_start3A_78] : memref<10000x128xf32, #tpu.memory_space<hbm>> -> memref<10000x128xf32, #tpu.memory_space<hbm>>
      tpu.enqueue_indirect_dma source(%dma_start3A_79 : memref<10000x128xf32, #tpu.memory_space<hbm>>) target(%arg10 : memref<80x128xf32, #tpu.memory_space<vmem>>) offsets(%arg8 : memref<80xi32, #tpu.memory_space<vmem>>) semaphore(%arg13 : memref<!tpu.dma_semaphore, #tpu.memory_space<semaphore_mem>>)
      %dma_wait3A = arith.constant 0 : i32
      %dma_wait3A_80 = arith.constant 0 : i32
      %dma_wait3A_81 = tpu.memref_slice %arg2[%dma_wait3A, %dma_wait3A_80] : memref<10000x128xf32, #tpu.memory_space<hbm>> -> memref<10000x128xf32, #tpu.memory_space<hbm>>
      tpu.wait_indirect_dma semaphore(%arg13 : memref<!tpu.dma_semaphore, #tpu.memory_space<semaphore_mem>>) src(%dma_wait3A_81 : memref<10000x128xf32, #tpu.memory_space<hbm>>) dst(%arg10 : memref<80x128xf32, #tpu.memory_space<vmem>>)
      "tpu.region"() ({
        %run_scoped3A = tpu.sem_alloc : memref<!tpu.dma_semaphore, #tpu.memory_space<semaphore_mem>>
        %dma_start3A_82 = arith.constant 0 : i32
        %dma_start3A_83 = arith.constant 0 : i32
        %dma_start3A_84 = tpu.memref_slice %arg12[%dma_start3A_82, %dma_start3A_83] : memref<10240x128xf32, #tpu.memory_space<vmem_shared>> -> memref<10240x128xf32, #tpu.memory_space<vmem_shared>>
        tpu.enqueue_indirect_dma source(%arg10 : memref<80x128xf32, #tpu.memory_space<vmem>>) target(%dma_start3A_84 : memref<10240x128xf32, #tpu.memory_space<vmem_shared>>) offsets(%arg9 : memref<80xi32, #tpu.memory_space<vmem>>) semaphore(%run_scoped3A : memref<!tpu.dma_semaphore, #tpu.memory_space<semaphore_mem>>) {add = true}
        %dma_wait3A_85 = arith.constant 0 : i32
        %dma_wait3A_86 = arith.constant 0 : i32
        %dma_wait3A_87 = tpu.memref_slice %arg12[%dma_wait3A_85, %dma_wait3A_86] : memref<10240x128xf32, #tpu.memory_space<vmem_shared>> -> memref<10240x128xf32, #tpu.memory_space<vmem_shared>>
        tpu.wait_indirect_dma semaphore(%run_scoped3A : memref<!tpu.dma_semaphore, #tpu.memory_space<semaphore_mem>>) src(%arg10 : memref<80x128xf32, #tpu.memory_space<vmem>>) dst(%dma_wait3A_87 : memref<10240x128xf32, #tpu.memory_space<vmem_shared>>)
        tpu.yield
      }) : () -> ()
    }
    %scan3A_47 = arith.constant 125 : i32
    %barrier3A_48 = arith.constant 0 : index
    tpu.barrier barrier_id(%barrier3A_48)
    %mul3A_49 = arith.constant 10240 : i32
    %mul3A_50 = arith.muli %arg0, %mul3A_49 : i32
    %add3A_51 = arith.addi %mul3A_50, %mul3A_2 : i32
    %add3A_52 = arith.constant 0 : i32
    %add3A_53 = arith.addi %mul3A_2, %add3A_52 : i32
    "tpu.region"() ({
      %run_scoped3A = tpu.sem_alloc : memref<!tpu.dma_semaphore, #tpu.memory_space<semaphore_mem>>
      %dma_start3A = arith.constant 0 : i32
      %dma_start3A_72 = tpu.memref_slice %arg12[%add3A_53, %dma_start3A] : memref<10240x128xf32, #tpu.memory_space<vmem_shared>> -> memref<128x128xf32, #tpu.memory_space<vmem_shared>>
      %dma_start3A_73 = arith.constant 0 : i32
      %dma_start3A_74 = tpu.memref_slice %arg12[%add3A_53, %dma_start3A_73] : memref<10240x128xf32, #tpu.memory_space<vmem_shared>> -> memref<128x128xf32, #tpu.memory_space<vmem_shared>>
      tpu.enqueue_dma source(%dma_start3A_74 : memref<128x128xf32, #tpu.memory_space<vmem_shared>>) target(%arg11 : memref<128x128xf32, #tpu.memory_space<vmem>>) target_semaphore(%run_scoped3A : memref<!tpu.dma_semaphore, #tpu.memory_space<semaphore_mem>>)
      %dma_wait3A = arith.constant 0 : i32
      %dma_wait3A_75 = tpu.memref_slice %arg12[%add3A_53, %dma_wait3A] : memref<10240x128xf32, #tpu.memory_space<vmem_shared>> -> memref<128x128xf32, #tpu.memory_space<vmem_shared>>
      %dma_wait3A_76 = arith.constant 0 : i32
      %dma_wait3A_77 = tpu.memref_slice %arg12[%add3A_53, %dma_wait3A_76] : memref<10240x128xf32, #tpu.memory_space<vmem_shared>> -> memref<128x128xf32, #tpu.memory_space<vmem_shared>>
      tpu.wait_dma2 semaphore(%run_scoped3A : memref<!tpu.dma_semaphore, #tpu.memory_space<semaphore_mem>>) src(%dma_wait3A_77 : memref<128x128xf32, #tpu.memory_space<vmem_shared>>) dst(%arg11 : memref<128x128xf32, #tpu.memory_space<vmem>>)
      tpu.yield
    }) : () -> ()
    %add3A_54 = arith.constant 0 : i32
    %add3A_55 = arith.addi %add3A_51, %add3A_54 : i32
    "tpu.region"() ({
      %run_scoped3A = tpu.sem_alloc : memref<!tpu.dma_semaphore, #tpu.memory_space<semaphore_mem>>
      %dma_start3A = arith.constant 0 : i32
      %dma_start3A_72 = tpu.memref_slice %arg6[%add3A_55, %dma_start3A] : memref<20480x128xf32, #tpu.memory_space<hbm>> -> memref<128x128xf32, #tpu.memory_space<hbm>>
      %dma_start3A_73 = arith.constant 0 : i32
      %dma_start3A_74 = tpu.memref_slice %arg6[%add3A_55, %dma_start3A_73] : memref<20480x128xf32, #tpu.memory_space<hbm>> -> memref<128x128xf32, #tpu.memory_space<hbm>>
      tpu.enqueue_dma source(%arg11 : memref<128x128xf32, #tpu.memory_space<vmem>>) target(%dma_start3A_74 : memref<128x128xf32, #tpu.memory_space<hbm>>) target_semaphore(%run_scoped3A : memref<!tpu.dma_semaphore, #tpu.memory_space<semaphore_mem>>)
      %dma_wait3A = arith.constant 0 : i32
      %dma_wait3A_75 = tpu.memref_slice %arg6[%add3A_55, %dma_wait3A] : memref<20480x128xf32, #tpu.memory_space<hbm>> -> memref<128x128xf32, #tpu.memory_space<hbm>>
      %dma_wait3A_76 = arith.constant 0 : i32
      %dma_wait3A_77 = tpu.memref_slice %arg6[%add3A_55, %dma_wait3A_76] : memref<20480x128xf32, #tpu.memory_space<hbm>> -> memref<128x128xf32, #tpu.memory_space<hbm>>
      tpu.wait_dma2 semaphore(%run_scoped3A : memref<!tpu.dma_semaphore, #tpu.memory_space<semaphore_mem>>) src(%arg11 : memref<128x128xf32, #tpu.memory_space<vmem>>) dst(%dma_wait3A_77 : memref<128x128xf32, #tpu.memory_space<hbm>>)
      tpu.yield
    }) : () -> ()
    %add3A_56 = arith.constant 128 : i32
    %add3A_57 = arith.addi %mul3A_2, %add3A_56 : i32
    "tpu.region"() ({
      %run_scoped3A = tpu.sem_alloc : memref<!tpu.dma_semaphore, #tpu.memory_space<semaphore_mem>>
      %dma_start3A = arith.constant 0 : i32
      %dma_start3A_72 = tpu.memref_slice %arg12[%add3A_57, %dma_start3A] : memref<10240x128xf32, #tpu.memory_space<vmem_shared>> -> memref<128x128xf32, #tpu.memory_space<vmem_shared>>
      %dma_start3A_73 = arith.constant 0 : i32
      %dma_start3A_74 = tpu.memref_slice %arg12[%add3A_57, %dma_start3A_73] : memref<10240x128xf32, #tpu.memory_space<vmem_shared>> -> memref<128x128xf32, #tpu.memory_space<vmem_shared>>
      tpu.enqueue_dma source(%dma_start3A_74 : memref<128x128xf32, #tpu.memory_space<vmem_shared>>) target(%arg11 : memref<128x128xf32, #tpu.memory_space<vmem>>) target_semaphore(%run_scoped3A : memref<!tpu.dma_semaphore, #tpu.memory_space<semaphore_mem>>)
      %dma_wait3A = arith.constant 0 : i32
      %dma_wait3A_75 = tpu.memref_slice %arg12[%add3A_57, %dma_wait3A] : memref<10240x128xf32, #tpu.memory_space<vmem_shared>> -> memref<128x128xf32, #tpu.memory_space<vmem_shared>>
      %dma_wait3A_76 = arith.constant 0 : i32
      %dma_wait3A_77 = tpu.memref_slice %arg12[%add3A_57, %dma_wait3A_76] : memref<10240x128xf32, #tpu.memory_space<vmem_shared>> -> memref<128x128xf32, #tpu.memory_space<vmem_shared>>
      tpu.wait_dma2 semaphore(%run_scoped3A : memref<!tpu.dma_semaphore, #tpu.memory_space<semaphore_mem>>) src(%dma_wait3A_77 : memref<128x128xf32, #tpu.memory_space<vmem_shared>>) dst(%arg11 : memref<128x128xf32, #tpu.memory_space<vmem>>)
      tpu.yield
    }) : () -> ()
    %add3A_58 = arith.constant 128 : i32
    %add3A_59 = arith.addi %add3A_51, %add3A_58 : i32
    "tpu.region"() ({
      %run_scoped3A = tpu.sem_alloc : memref<!tpu.dma_semaphore, #tpu.memory_space<semaphore_mem>>
      %dma_start3A = arith.constant 0 : i32
      %dma_start3A_72 = tpu.memref_slice %arg6[%add3A_59, %dma_start3A] : memref<20480x128xf32, #tpu.memory_space<hbm>> -> memref<128x128xf32, #tpu.memory_space<hbm>>
      %dma_start3A_73 = arith.constant 0 : i32
      %dma_start3A_74 = tpu.memref_slice %arg6[%add3A_59, %dma_start3A_73] : memref<20480x128xf32, #tpu.memory_space<hbm>> -> memref<128x128xf32, #tpu.memory_space<hbm>>
      tpu.enqueue_dma source(%arg11 : memref<128x128xf32, #tpu.memory_space<vmem>>) target(%dma_start3A_74 : memref<128x128xf32, #tpu.memory_space<hbm>>) target_semaphore(%run_scoped3A : memref<!tpu.dma_semaphore, #tpu.memory_space<semaphore_mem>>)
      %dma_wait3A = arith.constant 0 : i32
      %dma_wait3A_75 = tpu.memref_slice %arg6[%add3A_59, %dma_wait3A] : memref<20480x128xf32, #tpu.memory_space<hbm>> -> memref<128x128xf32, #tpu.memory_space<hbm>>
      %dma_wait3A_76 = arith.constant 0 : i32
      %dma_wait3A_77 = tpu.memref_slice %arg6[%add3A_59, %dma_wait3A_76] : memref<20480x128xf32, #tpu.memory_space<hbm>> -> memref<128x128xf32, #tpu.memory_space<hbm>>
      tpu.wait_dma2 semaphore(%run_scoped3A : memref<!tpu.dma_semaphore, #tpu.memory_space<semaphore_mem>>) src(%arg11 : memref<128x128xf32, #tpu.memory_space<vmem>>) dst(%dma_wait3A_77 : memref<128x128xf32, #tpu.memory_space<hbm>>)
      tpu.yield
    }) : () -> ()
    %add3A_60 = arith.constant 256 : i32
    %add3A_61 = arith.addi %mul3A_2, %add3A_60 : i32
    "tpu.region"() ({
      %run_scoped3A = tpu.sem_alloc : memref<!tpu.dma_semaphore, #tpu.memory_space<semaphore_mem>>
      %dma_start3A = arith.constant 0 : i32
      %dma_start3A_72 = tpu.memref_slice %arg12[%add3A_61, %dma_start3A] : memref<10240x128xf32, #tpu.memory_space<vmem_shared>> -> memref<128x128xf32, #tpu.memory_space<vmem_shared>>
      %dma_start3A_73 = arith.constant 0 : i32
      %dma_start3A_74 = tpu.memref_slice %arg12[%add3A_61, %dma_start3A_73] : memref<10240x128xf32, #tpu.memory_space<vmem_shared>> -> memref<128x128xf32, #tpu.memory_space<vmem_shared>>
      tpu.enqueue_dma source(%dma_start3A_74 : memref<128x128xf32, #tpu.memory_space<vmem_shared>>) target(%arg11 : memref<128x128xf32, #tpu.memory_space<vmem>>) target_semaphore(%run_scoped3A : memref<!tpu.dma_semaphore, #tpu.memory_space<semaphore_mem>>)
      %dma_wait3A = arith.constant 0 : i32
      %dma_wait3A_75 = tpu.memref_slice %arg12[%add3A_61, %dma_wait3A] : memref<10240x128xf32, #tpu.memory_space<vmem_shared>> -> memref<128x128xf32, #tpu.memory_space<vmem_shared>>
      %dma_wait3A_76 = arith.constant 0 : i32
      %dma_wait3A_77 = tpu.memref_slice %arg12[%add3A_61, %dma_wait3A_76] : memref<10240x128xf32, #tpu.memory_space<vmem_shared>> -> memref<128x128xf32, #tpu.memory_space<vmem_shared>>
      tpu.wait_dma2 semaphore(%run_scoped3A : memref<!tpu.dma_semaphore, #tpu.memory_space<semaphore_mem>>) src(%dma_wait3A_77 : memref<128x128xf32, #tpu.memory_space<vmem_shared>>) dst(%arg11 : memref<128x128xf32, #tpu.memory_space<vmem>>)
      tpu.yield
    }) : () -> ()
    %add3A_62 = arith.constant 256 : i32
    %add3A_63 = arith.addi %add3A_51, %add3A_62 : i32
    "tpu.region"() ({
      %run_scoped3A = tpu.sem_alloc : memref<!tpu.dma_semaphore, #tpu.memory_space<semaphore_mem>>
      %dma_start3A = arith.constant 0 : i32
      %dma_start3A_72 = tpu.memref_slice %arg6[%add3A_63, %dma_start3A] : memref<20480x128xf32, #tpu.memory_space<hbm>> -> memref<128x128xf32, #tpu.memory_space<hbm>>
      %dma_start3A_73 = arith.constant 0 : i32
      %dma_start3A_74 = tpu.memref_slice %arg6[%add3A_63, %dma_start3A_73] : memref<20480x128xf32, #tpu.memory_space<hbm>> -> memref<128x128xf32, #tpu.memory_space<hbm>>
      tpu.enqueue_dma source(%arg11 : memref<128x128xf32, #tpu.memory_space<vmem>>) target(%dma_start3A_74 : memref<128x128xf32, #tpu.memory_space<hbm>>) target_semaphore(%run_scoped3A : memref<!tpu.dma_semaphore, #tpu.memory_space<semaphore_mem>>)
      %dma_wait3A = arith.constant 0 : i32
      %dma_wait3A_75 = tpu.memref_slice %arg6[%add3A_63, %dma_wait3A] : memref<20480x128xf32, #tpu.memory_space<hbm>> -> memref<128x128xf32, #tpu.memory_space<hbm>>
      %dma_wait3A_76 = arith.constant 0 : i32
      %dma_wait3A_77 = tpu.memref_slice %arg6[%add3A_63, %dma_wait3A_76] : memref<20480x128xf32, #tpu.memory_space<hbm>> -> memref<128x128xf32, #tpu.memory_space<hbm>>
      tpu.wait_dma2 semaphore(%run_scoped3A : memref<!tpu.dma_semaphore, #tpu.memory_space<semaphore_mem>>) src(%arg11 : memref<128x128xf32, #tpu.memory_space<vmem>>) dst(%dma_wait3A_77 : memref<128x128xf32, #tpu.memory_space<hbm>>)
      tpu.yield
    }) : () -> ()
    %add3A_64 = arith.constant 384 : i32
    %add3A_65 = arith.addi %mul3A_2, %add3A_64 : i32
    "tpu.region"() ({
      %run_scoped3A = tpu.sem_alloc : memref<!tpu.dma_semaphore, #tpu.memory_space<semaphore_mem>>
      %dma_start3A = arith.constant 0 : i32
      %dma_start3A_72 = tpu.memref_slice %arg12[%add3A_65, %dma_start3A] : memref<10240x128xf32, #tpu.memory_space<vmem_shared>> -> memref<128x128xf32, #tpu.memory_space<vmem_shared>>
      %dma_start3A_73 = arith.constant 0 : i32
      %dma_start3A_74 = tpu.memref_slice %arg12[%add3A_65, %dma_start3A_73] : memref<10240x128xf32, #tpu.memory_space<vmem_shared>> -> memref<128x128xf32, #tpu.memory_space<vmem_shared>>
      tpu.enqueue_dma source(%dma_start3A_74 : memref<128x128xf32, #tpu.memory_space<vmem_shared>>) target(%arg11 : memref<128x128xf32, #tpu.memory_space<vmem>>) target_semaphore(%run_scoped3A : memref<!tpu.dma_semaphore, #tpu.memory_space<semaphore_mem>>)
      %dma_wait3A = arith.constant 0 : i32
      %dma_wait3A_75 = tpu.memref_slice %arg12[%add3A_65, %dma_wait3A] : memref<10240x128xf32, #tpu.memory_space<vmem_shared>> -> memref<128x128xf32, #tpu.memory_space<vmem_shared>>
      %dma_wait3A_76 = arith.constant 0 : i32
      %dma_wait3A_77 = tpu.memref_slice %arg12[%add3A_65, %dma_wait3A_76] : memref<10240x128xf32, #tpu.memory_space<vmem_shared>> -> memref<128x128xf32, #tpu.memory_space<vmem_shared>>
      tpu.wait_dma2 semaphore(%run_scoped3A : memref<!tpu.dma_semaphore, #tpu.memory_space<semaphore_mem>>) src(%dma_wait3A_77 : memref<128x128xf32, #tpu.memory_space<vmem_shared>>) dst(%arg11 : memref<128x128xf32, #tpu.memory_space<vmem>>)
      tpu.yield
    }) : () -> ()
    %add3A_66 = arith.constant 384 : i32
    %add3A_67 = arith.addi %add3A_51, %add3A_66 : i32
    "tpu.region"() ({
      %run_scoped3A = tpu.sem_alloc : memref<!tpu.dma_semaphore, #tpu.memory_space<semaphore_mem>>
      %dma_start3A = arith.constant 0 : i32
      %dma_start3A_72 = tpu.memref_slice %arg6[%add3A_67, %dma_start3A] : memref<20480x128xf32, #tpu.memory_space<hbm>> -> memref<128x128xf32, #tpu.memory_space<hbm>>
      %dma_start3A_73 = arith.constant 0 : i32
      %dma_start3A_74 = tpu.memref_slice %arg6[%add3A_67, %dma_start3A_73] : memref<20480x128xf32, #tpu.memory_space<hbm>> -> memref<128x128xf32, #tpu.memory_space<hbm>>
      tpu.enqueue_dma source(%arg11 : memref<128x128xf32, #tpu.memory_space<vmem>>) target(%dma_start3A_74 : memref<128x128xf32, #tpu.memory_space<hbm>>) target_semaphore(%run_scoped3A : memref<!tpu.dma_semaphore, #tpu.memory_space<semaphore_mem>>)
      %dma_wait3A = arith.constant 0 : i32
      %dma_wait3A_75 = tpu.memref_slice %arg6[%add3A_67, %dma_wait3A] : memref<20480x128xf32, #tpu.memory_space<hbm>> -> memref<128x128xf32, #tpu.memory_space<hbm>>
      %dma_wait3A_76 = arith.constant 0 : i32
      %dma_wait3A_77 = tpu.memref_slice %arg6[%add3A_67, %dma_wait3A_76] : memref<20480x128xf32, #tpu.memory_space<hbm>> -> memref<128x128xf32, #tpu.memory_space<hbm>>
      tpu.wait_dma2 semaphore(%run_scoped3A : memref<!tpu.dma_semaphore, #tpu.memory_space<semaphore_mem>>) src(%arg11 : memref<128x128xf32, #tpu.memory_space<vmem>>) dst(%dma_wait3A_77 : memref<128x128xf32, #tpu.memory_space<hbm>>)
      tpu.yield
    }) : () -> ()
    %add3A_68 = arith.constant 512 : i32
    %add3A_69 = arith.addi %mul3A_2, %add3A_68 : i32
    "tpu.region"() ({
      %run_scoped3A = tpu.sem_alloc : memref<!tpu.dma_semaphore, #tpu.memory_space<semaphore_mem>>
      %dma_start3A = arith.constant 0 : i32
      %dma_start3A_72 = tpu.memref_slice %arg12[%add3A_69, %dma_start3A] : memref<10240x128xf32, #tpu.memory_space<vmem_shared>> -> memref<128x128xf32, #tpu.memory_space<vmem_shared>>
      %dma_start3A_73 = arith.constant 0 : i32
      %dma_start3A_74 = tpu.memref_slice %arg12[%add3A_69, %dma_start3A_73] : memref<10240x128xf32, #tpu.memory_space<vmem_shared>> -> memref<128x128xf32, #tpu.memory_space<vmem_shared>>
      tpu.enqueue_dma source(%dma_start3A_74 : memref<128x128xf32, #tpu.memory_space<vmem_shared>>) target(%arg11 : memref<128x128xf32, #tpu.memory_space<vmem>>) target_semaphore(%run_scoped3A : memref<!tpu.dma_semaphore, #tpu.memory_space<semaphore_mem>>)
      %dma_wait3A = arith.constant 0 : i32
      %dma_wait3A_75 = tpu.memref_slice %arg12[%add3A_69, %dma_wait3A] : memref<10240x128xf32, #tpu.memory_space<vmem_shared>> -> memref<128x128xf32, #tpu.memory_space<vmem_shared>>
      %dma_wait3A_76 = arith.constant 0 : i32
      %dma_wait3A_77 = tpu.memref_slice %arg12[%add3A_69, %dma_wait3A_76] : memref<10240x128xf32, #tpu.memory_space<vmem_shared>> -> memref<128x128xf32, #tpu.memory_space<vmem_shared>>
      tpu.wait_dma2 semaphore(%run_scoped3A : memref<!tpu.dma_semaphore, #tpu.memory_space<semaphore_mem>>) src(%dma_wait3A_77 : memref<128x128xf32, #tpu.memory_space<vmem_shared>>) dst(%arg11 : memref<128x128xf32, #tpu.memory_space<vmem>>)
      tpu.yield
    }) : () -> ()
    %add3A_70 = arith.constant 512 : i32
    %add3A_71 = arith.addi %add3A_51, %add3A_70 : i32
    "tpu.region"() ({
      %run_scoped3A = tpu.sem_alloc : memref<!tpu.dma_semaphore, #tpu.memory_space<semaphore_mem>>
      %dma_start3A = arith.constant 0 : i32
      %dma_start3A_72 = tpu.memref_slice %arg6[%add3A_71, %dma_start3A] : memref<20480x128xf32, #tpu.memory_space<hbm>> -> memref<128x128xf32, #tpu.memory_space<hbm>>
      %dma_start3A_73 = arith.constant 0 : i32
      %dma_start3A_74 = tpu.memref_slice %arg6[%add3A_71, %dma_start3A_73] : memref<20480x128xf32, #tpu.memory_space<hbm>> -> memref<128x128xf32, #tpu.memory_space<hbm>>
      tpu.enqueue_dma source(%arg11 : memref<128x128xf32, #tpu.memory_space<vmem>>) target(%dma_start3A_74 : memref<128x128xf32, #tpu.memory_space<hbm>>) target_semaphore(%run_scoped3A : memref<!tpu.dma_semaphore, #tpu.memory_space<semaphore_mem>>)
      %dma_wait3A = arith.constant 0 : i32
      %dma_wait3A_75 = tpu.memref_slice %arg6[%add3A_71, %dma_wait3A] : memref<20480x128xf32, #tpu.memory_space<hbm>> -> memref<128x128xf32, #tpu.memory_space<hbm>>
      %dma_wait3A_76 = arith.constant 0 : i32
      %dma_wait3A_77 = tpu.memref_slice %arg6[%add3A_71, %dma_wait3A_76] : memref<20480x128xf32, #tpu.memory_space<hbm>> -> memref<128x128xf32, #tpu.memory_space<hbm>>
      tpu.wait_dma2 semaphore(%run_scoped3A : memref<!tpu.dma_semaphore, #tpu.memory_space<semaphore_mem>>) src(%arg11 : memref<128x128xf32, #tpu.memory_space<vmem>>) dst(%dma_wait3A_77 : memref<128x128xf32, #tpu.memory_space<hbm>>)
      tpu.yield
    }) : () -> ()
    return
  }
}

#map = affine_map<(d0, d1) -> (0, 0)>
#map1 = affine_map<(d0, d1) -> (0)>
module attributes {stable_mosaic.version = 14 : i64} {
  func.func @body_cnt(%arg0: i32, %arg1: i32, %arg2: memref<10000x128xf32, #tpu.memory_space<hbm>>, %arg3: memref<320000xi32, #tpu.memory_space<hbm>>, %arg4: memref<320000xi32, #tpu.memory_space<hbm>>, %arg5: memref<32x128xf32, #tpu.memory_space<hbm>>, %arg6: memref<640x8xf32, #tpu.memory_space<hbm>>, %arg7: memref<80x8xf32, #tpu.memory_space<hbm>>, %arg8: memref<20480x128xf32, #tpu.memory_space<hbm>>, %arg9: memref<20480x8xf32, #tpu.memory_space<hbm>>, %arg10: memref<32x128xf32, #tpu.memory_space<vmem>>, %arg11: memref<80xi32, #tpu.memory_space<vmem>>, %arg12: memref<80xi32, #tpu.memory_space<vmem>>, %arg13: memref<80x128xf32, #tpu.memory_space<vmem>>, %arg14: memref<128x128xf32, #tpu.memory_space<vmem>>, %arg15: memref<10240x128xf32, #tpu.memory_space<vmem_shared>>, %arg16: memref<!tpu.dma_semaphore, #tpu.memory_space<semaphore_mem>>, %arg17: memref<640x8xf32, #tpu.memory_space<vmem>>, %arg18: memref<80x8xf32, #tpu.memory_space<vmem>>, %arg19: memref<10240x8xf32, #tpu.memory_space<vmem_shared>>) attributes {dimension_semantics = [#tpu.dimension_semantics<core_parallel>, #tpu.dimension_semantics<subcore_parallel>], iteration_bounds = array<i64: 2, 16>, scalar_prefetch = 0 : i64, scratch_operands = 10 : i64, tpu.core_type = #tpu.core_type<sc_vector_subcore>, window_params = [{transform_indices = #map}, {transform_indices = #map1}, {transform_indices = #map1}, {transform_indices = #map}, {transform_indices = #map}, {transform_indices = #map}, {transform_indices = #map}, {transform_indices = #map}]} {
    %mul3A = arith.constant 16 : i32
    %mul3A_0 = arith.muli %arg0, %mul3A : i32
    %add3A = arith.addi %mul3A_0, %arg1 : i32
    %mul3A_1 = arith.constant 640 : i32
    %mul3A_2 = arith.muli %arg1, %mul3A_1 : i32
    "tpu.region"() ({
      %run_scoped3A = tpu.sem_alloc : memref<!tpu.dma_semaphore, #tpu.memory_space<semaphore_mem>>
      tpu.enqueue_dma source(%arg5 : memref<32x128xf32, #tpu.memory_space<hbm>>) target(%arg10 : memref<32x128xf32, #tpu.memory_space<vmem>>) target_semaphore(%run_scoped3A : memref<!tpu.dma_semaphore, #tpu.memory_space<semaphore_mem>>)
      tpu.wait_dma2 semaphore(%run_scoped3A : memref<!tpu.dma_semaphore, #tpu.memory_space<semaphore_mem>>) src(%arg5 : memref<32x128xf32, #tpu.memory_space<hbm>>) dst(%arg10 : memref<32x128xf32, #tpu.memory_space<vmem>>)
      tpu.yield
    }) : () -> ()
    %add3A_3 = arith.constant 0 : i32
    %add3A_4 = arith.addi %mul3A_2, %add3A_3 : i32
    "tpu.region"() ({
      %run_scoped3A = tpu.sem_alloc : memref<!tpu.dma_semaphore, #tpu.memory_space<semaphore_mem>>
      %dma_start3A = arith.constant 0 : i32
      %dma_start3A_72 = tpu.memref_slice %arg15[%add3A_4, %dma_start3A] : memref<10240x128xf32, #tpu.memory_space<vmem_shared>> -> memref<32x128xf32, #tpu.memory_space<vmem_shared>>
      %dma_start3A_73 = arith.constant 0 : i32
      %dma_start3A_74 = tpu.memref_slice %arg15[%add3A_4, %dma_start3A_73] : memref<10240x128xf32, #tpu.memory_space<vmem_shared>> -> memref<32x128xf32, #tpu.memory_space<vmem_shared>>
      tpu.enqueue_dma source(%arg10 : memref<32x128xf32, #tpu.memory_space<vmem>>) target(%dma_start3A_74 : memref<32x128xf32, #tpu.memory_space<vmem_shared>>) target_semaphore(%run_scoped3A : memref<!tpu.dma_semaphore, #tpu.memory_space<semaphore_mem>>)
      %dma_wait3A = arith.constant 0 : i32
      %dma_wait3A_75 = tpu.memref_slice %arg15[%add3A_4, %dma_wait3A] : memref<10240x128xf32, #tpu.memory_space<vmem_shared>> -> memref<32x128xf32, #tpu.memory_space<vmem_shared>>
      %dma_wait3A_76 = arith.constant 0 : i32
      %dma_wait3A_77 = tpu.memref_slice %arg15[%add3A_4, %dma_wait3A_76] : memref<10240x128xf32, #tpu.memory_space<vmem_shared>> -> memref<32x128xf32, #tpu.memory_space<vmem_shared>>
      tpu.wait_dma2 semaphore(%run_scoped3A : memref<!tpu.dma_semaphore, #tpu.memory_space<semaphore_mem>>) src(%arg10 : memref<32x128xf32, #tpu.memory_space<vmem>>) dst(%dma_wait3A_77 : memref<32x128xf32, #tpu.memory_space<vmem_shared>>)
      tpu.yield
    }) : () -> ()
    %add3A_5 = arith.constant 32 : i32
    %add3A_6 = arith.addi %mul3A_2, %add3A_5 : i32
    "tpu.region"() ({
      %run_scoped3A = tpu.sem_alloc : memref<!tpu.dma_semaphore, #tpu.memory_space<semaphore_mem>>
      %dma_start3A = arith.constant 0 : i32
      %dma_start3A_72 = tpu.memref_slice %arg15[%add3A_6, %dma_start3A] : memref<10240x128xf32, #tpu.memory_space<vmem_shared>> -> memref<32x128xf32, #tpu.memory_space<vmem_shared>>
      %dma_start3A_73 = arith.constant 0 : i32
      %dma_start3A_74 = tpu.memref_slice %arg15[%add3A_6, %dma_start3A_73] : memref<10240x128xf32, #tpu.memory_space<vmem_shared>> -> memref<32x128xf32, #tpu.memory_space<vmem_shared>>
      tpu.enqueue_dma source(%arg10 : memref<32x128xf32, #tpu.memory_space<vmem>>) target(%dma_start3A_74 : memref<32x128xf32, #tpu.memory_space<vmem_shared>>) target_semaphore(%run_scoped3A : memref<!tpu.dma_semaphore, #tpu.memory_space<semaphore_mem>>)
      %dma_wait3A = arith.constant 0 : i32
      %dma_wait3A_75 = tpu.memref_slice %arg15[%add3A_6, %dma_wait3A] : memref<10240x128xf32, #tpu.memory_space<vmem_shared>> -> memref<32x128xf32, #tpu.memory_space<vmem_shared>>
      %dma_wait3A_76 = arith.constant 0 : i32
      %dma_wait3A_77 = tpu.memref_slice %arg15[%add3A_6, %dma_wait3A_76] : memref<10240x128xf32, #tpu.memory_space<vmem_shared>> -> memref<32x128xf32, #tpu.memory_space<vmem_shared>>
      tpu.wait_dma2 semaphore(%run_scoped3A : memref<!tpu.dma_semaphore, #tpu.memory_space<semaphore_mem>>) src(%arg10 : memref<32x128xf32, #tpu.memory_space<vmem>>) dst(%dma_wait3A_77 : memref<32x128xf32, #tpu.memory_space<vmem_shared>>)
      tpu.yield
    }) : () -> ()
    %add3A_7 = arith.constant 64 : i32
    %add3A_8 = arith.addi %mul3A_2, %add3A_7 : i32
    "tpu.region"() ({
      %run_scoped3A = tpu.sem_alloc : memref<!tpu.dma_semaphore, #tpu.memory_space<semaphore_mem>>
      %dma_start3A = arith.constant 0 : i32
      %dma_start3A_72 = tpu.memref_slice %arg15[%add3A_8, %dma_start3A] : memref<10240x128xf32, #tpu.memory_space<vmem_shared>> -> memref<32x128xf32, #tpu.memory_space<vmem_shared>>
      %dma_start3A_73 = arith.constant 0 : i32
      %dma_start3A_74 = tpu.memref_slice %arg15[%add3A_8, %dma_start3A_73] : memref<10240x128xf32, #tpu.memory_space<vmem_shared>> -> memref<32x128xf32, #tpu.memory_space<vmem_shared>>
      tpu.enqueue_dma source(%arg10 : memref<32x128xf32, #tpu.memory_space<vmem>>) target(%dma_start3A_74 : memref<32x128xf32, #tpu.memory_space<vmem_shared>>) target_semaphore(%run_scoped3A : memref<!tpu.dma_semaphore, #tpu.memory_space<semaphore_mem>>)
      %dma_wait3A = arith.constant 0 : i32
      %dma_wait3A_75 = tpu.memref_slice %arg15[%add3A_8, %dma_wait3A] : memref<10240x128xf32, #tpu.memory_space<vmem_shared>> -> memref<32x128xf32, #tpu.memory_space<vmem_shared>>
      %dma_wait3A_76 = arith.constant 0 : i32
      %dma_wait3A_77 = tpu.memref_slice %arg15[%add3A_8, %dma_wait3A_76] : memref<10240x128xf32, #tpu.memory_space<vmem_shared>> -> memref<32x128xf32, #tpu.memory_space<vmem_shared>>
      tpu.wait_dma2 semaphore(%run_scoped3A : memref<!tpu.dma_semaphore, #tpu.memory_space<semaphore_mem>>) src(%arg10 : memref<32x128xf32, #tpu.memory_space<vmem>>) dst(%dma_wait3A_77 : memref<32x128xf32, #tpu.memory_space<vmem_shared>>)
      tpu.yield
    }) : () -> ()
    %add3A_9 = arith.constant 96 : i32
    %add3A_10 = arith.addi %mul3A_2, %add3A_9 : i32
    "tpu.region"() ({
      %run_scoped3A = tpu.sem_alloc : memref<!tpu.dma_semaphore, #tpu.memory_space<semaphore_mem>>
      %dma_start3A = arith.constant 0 : i32
      %dma_start3A_72 = tpu.memref_slice %arg15[%add3A_10, %dma_start3A] : memref<10240x128xf32, #tpu.memory_space<vmem_shared>> -> memref<32x128xf32, #tpu.memory_space<vmem_shared>>
      %dma_start3A_73 = arith.constant 0 : i32
      %dma_start3A_74 = tpu.memref_slice %arg15[%add3A_10, %dma_start3A_73] : memref<10240x128xf32, #tpu.memory_space<vmem_shared>> -> memref<32x128xf32, #tpu.memory_space<vmem_shared>>
      tpu.enqueue_dma source(%arg10 : memref<32x128xf32, #tpu.memory_space<vmem>>) target(%dma_start3A_74 : memref<32x128xf32, #tpu.memory_space<vmem_shared>>) target_semaphore(%run_scoped3A : memref<!tpu.dma_semaphore, #tpu.memory_space<semaphore_mem>>)
      %dma_wait3A = arith.constant 0 : i32
      %dma_wait3A_75 = tpu.memref_slice %arg15[%add3A_10, %dma_wait3A] : memref<10240x128xf32, #tpu.memory_space<vmem_shared>> -> memref<32x128xf32, #tpu.memory_space<vmem_shared>>
      %dma_wait3A_76 = arith.constant 0 : i32
      %dma_wait3A_77 = tpu.memref_slice %arg15[%add3A_10, %dma_wait3A_76] : memref<10240x128xf32, #tpu.memory_space<vmem_shared>> -> memref<32x128xf32, #tpu.memory_space<vmem_shared>>
      tpu.wait_dma2 semaphore(%run_scoped3A : memref<!tpu.dma_semaphore, #tpu.memory_space<semaphore_mem>>) src(%arg10 : memref<32x128xf32, #tpu.memory_space<vmem>>) dst(%dma_wait3A_77 : memref<32x128xf32, #tpu.memory_space<vmem_shared>>)
      tpu.yield
    }) : () -> ()
    %add3A_11 = arith.constant 128 : i32
    %add3A_12 = arith.addi %mul3A_2, %add3A_11 : i32
    "tpu.region"() ({
      %run_scoped3A = tpu.sem_alloc : memref<!tpu.dma_semaphore, #tpu.memory_space<semaphore_mem>>
      %dma_start3A = arith.constant 0 : i32
      %dma_start3A_72 = tpu.memref_slice %arg15[%add3A_12, %dma_start3A] : memref<10240x128xf32, #tpu.memory_space<vmem_shared>> -> memref<32x128xf32, #tpu.memory_space<vmem_shared>>
      %dma_start3A_73 = arith.constant 0 : i32
      %dma_start3A_74 = tpu.memref_slice %arg15[%add3A_12, %dma_start3A_73] : memref<10240x128xf32, #tpu.memory_space<vmem_shared>> -> memref<32x128xf32, #tpu.memory_space<vmem_shared>>
      tpu.enqueue_dma source(%arg10 : memref<32x128xf32, #tpu.memory_space<vmem>>) target(%dma_start3A_74 : memref<32x128xf32, #tpu.memory_space<vmem_shared>>) target_semaphore(%run_scoped3A : memref<!tpu.dma_semaphore, #tpu.memory_space<semaphore_mem>>)
      %dma_wait3A = arith.constant 0 : i32
      %dma_wait3A_75 = tpu.memref_slice %arg15[%add3A_12, %dma_wait3A] : memref<10240x128xf32, #tpu.memory_space<vmem_shared>> -> memref<32x128xf32, #tpu.memory_space<vmem_shared>>
      %dma_wait3A_76 = arith.constant 0 : i32
      %dma_wait3A_77 = tpu.memref_slice %arg15[%add3A_12, %dma_wait3A_76] : memref<10240x128xf32, #tpu.memory_space<vmem_shared>> -> memref<32x128xf32, #tpu.memory_space<vmem_shared>>
      tpu.wait_dma2 semaphore(%run_scoped3A : memref<!tpu.dma_semaphore, #tpu.memory_space<semaphore_mem>>) src(%arg10 : memref<32x128xf32, #tpu.memory_space<vmem>>) dst(%dma_wait3A_77 : memref<32x128xf32, #tpu.memory_space<vmem_shared>>)
      tpu.yield
    }) : () -> ()
    %add3A_13 = arith.constant 160 : i32
    %add3A_14 = arith.addi %mul3A_2, %add3A_13 : i32
    "tpu.region"() ({
      %run_scoped3A = tpu.sem_alloc : memref<!tpu.dma_semaphore, #tpu.memory_space<semaphore_mem>>
      %dma_start3A = arith.constant 0 : i32
      %dma_start3A_72 = tpu.memref_slice %arg15[%add3A_14, %dma_start3A] : memref<10240x128xf32, #tpu.memory_space<vmem_shared>> -> memref<32x128xf32, #tpu.memory_space<vmem_shared>>
      %dma_start3A_73 = arith.constant 0 : i32
      %dma_start3A_74 = tpu.memref_slice %arg15[%add3A_14, %dma_start3A_73] : memref<10240x128xf32, #tpu.memory_space<vmem_shared>> -> memref<32x128xf32, #tpu.memory_space<vmem_shared>>
      tpu.enqueue_dma source(%arg10 : memref<32x128xf32, #tpu.memory_space<vmem>>) target(%dma_start3A_74 : memref<32x128xf32, #tpu.memory_space<vmem_shared>>) target_semaphore(%run_scoped3A : memref<!tpu.dma_semaphore, #tpu.memory_space<semaphore_mem>>)
      %dma_wait3A = arith.constant 0 : i32
      %dma_wait3A_75 = tpu.memref_slice %arg15[%add3A_14, %dma_wait3A] : memref<10240x128xf32, #tpu.memory_space<vmem_shared>> -> memref<32x128xf32, #tpu.memory_space<vmem_shared>>
      %dma_wait3A_76 = arith.constant 0 : i32
      %dma_wait3A_77 = tpu.memref_slice %arg15[%add3A_14, %dma_wait3A_76] : memref<10240x128xf32, #tpu.memory_space<vmem_shared>> -> memref<32x128xf32, #tpu.memory_space<vmem_shared>>
      tpu.wait_dma2 semaphore(%run_scoped3A : memref<!tpu.dma_semaphore, #tpu.memory_space<semaphore_mem>>) src(%arg10 : memref<32x128xf32, #tpu.memory_space<vmem>>) dst(%dma_wait3A_77 : memref<32x128xf32, #tpu.memory_space<vmem_shared>>)
      tpu.yield
    }) : () -> ()
    %add3A_15 = arith.constant 192 : i32
    %add3A_16 = arith.addi %mul3A_2, %add3A_15 : i32
    "tpu.region"() ({
      %run_scoped3A = tpu.sem_alloc : memref<!tpu.dma_semaphore, #tpu.memory_space<semaphore_mem>>
      %dma_start3A = arith.constant 0 : i32
      %dma_start3A_72 = tpu.memref_slice %arg15[%add3A_16, %dma_start3A] : memref<10240x128xf32, #tpu.memory_space<vmem_shared>> -> memref<32x128xf32, #tpu.memory_space<vmem_shared>>
      %dma_start3A_73 = arith.constant 0 : i32
      %dma_start3A_74 = tpu.memref_slice %arg15[%add3A_16, %dma_start3A_73] : memref<10240x128xf32, #tpu.memory_space<vmem_shared>> -> memref<32x128xf32, #tpu.memory_space<vmem_shared>>
      tpu.enqueue_dma source(%arg10 : memref<32x128xf32, #tpu.memory_space<vmem>>) target(%dma_start3A_74 : memref<32x128xf32, #tpu.memory_space<vmem_shared>>) target_semaphore(%run_scoped3A : memref<!tpu.dma_semaphore, #tpu.memory_space<semaphore_mem>>)
      %dma_wait3A = arith.constant 0 : i32
      %dma_wait3A_75 = tpu.memref_slice %arg15[%add3A_16, %dma_wait3A] : memref<10240x128xf32, #tpu.memory_space<vmem_shared>> -> memref<32x128xf32, #tpu.memory_space<vmem_shared>>
      %dma_wait3A_76 = arith.constant 0 : i32
      %dma_wait3A_77 = tpu.memref_slice %arg15[%add3A_16, %dma_wait3A_76] : memref<10240x128xf32, #tpu.memory_space<vmem_shared>> -> memref<32x128xf32, #tpu.memory_space<vmem_shared>>
      tpu.wait_dma2 semaphore(%run_scoped3A : memref<!tpu.dma_semaphore, #tpu.memory_space<semaphore_mem>>) src(%arg10 : memref<32x128xf32, #tpu.memory_space<vmem>>) dst(%dma_wait3A_77 : memref<32x128xf32, #tpu.memory_space<vmem_shared>>)
      tpu.yield
    }) : () -> ()
    %add3A_17 = arith.constant 224 : i32
    %add3A_18 = arith.addi %mul3A_2, %add3A_17 : i32
    "tpu.region"() ({
      %run_scoped3A = tpu.sem_alloc : memref<!tpu.dma_semaphore, #tpu.memory_space<semaphore_mem>>
      %dma_start3A = arith.constant 0 : i32
      %dma_start3A_72 = tpu.memref_slice %arg15[%add3A_18, %dma_start3A] : memref<10240x128xf32, #tpu.memory_space<vmem_shared>> -> memref<32x128xf32, #tpu.memory_space<vmem_shared>>
      %dma_start3A_73 = arith.constant 0 : i32
      %dma_start3A_74 = tpu.memref_slice %arg15[%add3A_18, %dma_start3A_73] : memref<10240x128xf32, #tpu.memory_space<vmem_shared>> -> memref<32x128xf32, #tpu.memory_space<vmem_shared>>
      tpu.enqueue_dma source(%arg10 : memref<32x128xf32, #tpu.memory_space<vmem>>) target(%dma_start3A_74 : memref<32x128xf32, #tpu.memory_space<vmem_shared>>) target_semaphore(%run_scoped3A : memref<!tpu.dma_semaphore, #tpu.memory_space<semaphore_mem>>)
      %dma_wait3A = arith.constant 0 : i32
      %dma_wait3A_75 = tpu.memref_slice %arg15[%add3A_18, %dma_wait3A] : memref<10240x128xf32, #tpu.memory_space<vmem_shared>> -> memref<32x128xf32, #tpu.memory_space<vmem_shared>>
      %dma_wait3A_76 = arith.constant 0 : i32
      %dma_wait3A_77 = tpu.memref_slice %arg15[%add3A_18, %dma_wait3A_76] : memref<10240x128xf32, #tpu.memory_space<vmem_shared>> -> memref<32x128xf32, #tpu.memory_space<vmem_shared>>
      tpu.wait_dma2 semaphore(%run_scoped3A : memref<!tpu.dma_semaphore, #tpu.memory_space<semaphore_mem>>) src(%arg10 : memref<32x128xf32, #tpu.memory_space<vmem>>) dst(%dma_wait3A_77 : memref<32x128xf32, #tpu.memory_space<vmem_shared>>)
      tpu.yield
    }) : () -> ()
    %add3A_19 = arith.constant 256 : i32
    %add3A_20 = arith.addi %mul3A_2, %add3A_19 : i32
    "tpu.region"() ({
      %run_scoped3A = tpu.sem_alloc : memref<!tpu.dma_semaphore, #tpu.memory_space<semaphore_mem>>
      %dma_start3A = arith.constant 0 : i32
      %dma_start3A_72 = tpu.memref_slice %arg15[%add3A_20, %dma_start3A] : memref<10240x128xf32, #tpu.memory_space<vmem_shared>> -> memref<32x128xf32, #tpu.memory_space<vmem_shared>>
      %dma_start3A_73 = arith.constant 0 : i32
      %dma_start3A_74 = tpu.memref_slice %arg15[%add3A_20, %dma_start3A_73] : memref<10240x128xf32, #tpu.memory_space<vmem_shared>> -> memref<32x128xf32, #tpu.memory_space<vmem_shared>>
      tpu.enqueue_dma source(%arg10 : memref<32x128xf32, #tpu.memory_space<vmem>>) target(%dma_start3A_74 : memref<32x128xf32, #tpu.memory_space<vmem_shared>>) target_semaphore(%run_scoped3A : memref<!tpu.dma_semaphore, #tpu.memory_space<semaphore_mem>>)
      %dma_wait3A = arith.constant 0 : i32
      %dma_wait3A_75 = tpu.memref_slice %arg15[%add3A_20, %dma_wait3A] : memref<10240x128xf32, #tpu.memory_space<vmem_shared>> -> memref<32x128xf32, #tpu.memory_space<vmem_shared>>
      %dma_wait3A_76 = arith.constant 0 : i32
      %dma_wait3A_77 = tpu.memref_slice %arg15[%add3A_20, %dma_wait3A_76] : memref<10240x128xf32, #tpu.memory_space<vmem_shared>> -> memref<32x128xf32, #tpu.memory_space<vmem_shared>>
      tpu.wait_dma2 semaphore(%run_scoped3A : memref<!tpu.dma_semaphore, #tpu.memory_space<semaphore_mem>>) src(%arg10 : memref<32x128xf32, #tpu.memory_space<vmem>>) dst(%dma_wait3A_77 : memref<32x128xf32, #tpu.memory_space<vmem_shared>>)
      tpu.yield
    }) : () -> ()
    %add3A_21 = arith.constant 288 : i32
    %add3A_22 = arith.addi %mul3A_2, %add3A_21 : i32
    "tpu.region"() ({
      %run_scoped3A = tpu.sem_alloc : memref<!tpu.dma_semaphore, #tpu.memory_space<semaphore_mem>>
      %dma_start3A = arith.constant 0 : i32
      %dma_start3A_72 = tpu.memref_slice %arg15[%add3A_22, %dma_start3A] : memref<10240x128xf32, #tpu.memory_space<vmem_shared>> -> memref<32x128xf32, #tpu.memory_space<vmem_shared>>
      %dma_start3A_73 = arith.constant 0 : i32
      %dma_start3A_74 = tpu.memref_slice %arg15[%add3A_22, %dma_start3A_73] : memref<10240x128xf32, #tpu.memory_space<vmem_shared>> -> memref<32x128xf32, #tpu.memory_space<vmem_shared>>
      tpu.enqueue_dma source(%arg10 : memref<32x128xf32, #tpu.memory_space<vmem>>) target(%dma_start3A_74 : memref<32x128xf32, #tpu.memory_space<vmem_shared>>) target_semaphore(%run_scoped3A : memref<!tpu.dma_semaphore, #tpu.memory_space<semaphore_mem>>)
      %dma_wait3A = arith.constant 0 : i32
      %dma_wait3A_75 = tpu.memref_slice %arg15[%add3A_22, %dma_wait3A] : memref<10240x128xf32, #tpu.memory_space<vmem_shared>> -> memref<32x128xf32, #tpu.memory_space<vmem_shared>>
      %dma_wait3A_76 = arith.constant 0 : i32
      %dma_wait3A_77 = tpu.memref_slice %arg15[%add3A_22, %dma_wait3A_76] : memref<10240x128xf32, #tpu.memory_space<vmem_shared>> -> memref<32x128xf32, #tpu.memory_space<vmem_shared>>
      tpu.wait_dma2 semaphore(%run_scoped3A : memref<!tpu.dma_semaphore, #tpu.memory_space<semaphore_mem>>) src(%arg10 : memref<32x128xf32, #tpu.memory_space<vmem>>) dst(%dma_wait3A_77 : memref<32x128xf32, #tpu.memory_space<vmem_shared>>)
      tpu.yield
    }) : () -> ()
    %add3A_23 = arith.constant 320 : i32
    %add3A_24 = arith.addi %mul3A_2, %add3A_23 : i32
    "tpu.region"() ({
      %run_scoped3A = tpu.sem_alloc : memref<!tpu.dma_semaphore, #tpu.memory_space<semaphore_mem>>
      %dma_start3A = arith.constant 0 : i32
      %dma_start3A_72 = tpu.memref_slice %arg15[%add3A_24, %dma_start3A] : memref<10240x128xf32, #tpu.memory_space<vmem_shared>> -> memref<32x128xf32, #tpu.memory_space<vmem_shared>>
      %dma_start3A_73 = arith.constant 0 : i32
      %dma_start3A_74 = tpu.memref_slice %arg15[%add3A_24, %dma_start3A_73] : memref<10240x128xf32, #tpu.memory_space<vmem_shared>> -> memref<32x128xf32, #tpu.memory_space<vmem_shared>>
      tpu.enqueue_dma source(%arg10 : memref<32x128xf32, #tpu.memory_space<vmem>>) target(%dma_start3A_74 : memref<32x128xf32, #tpu.memory_space<vmem_shared>>) target_semaphore(%run_scoped3A : memref<!tpu.dma_semaphore, #tpu.memory_space<semaphore_mem>>)
      %dma_wait3A = arith.constant 0 : i32
      %dma_wait3A_75 = tpu.memref_slice %arg15[%add3A_24, %dma_wait3A] : memref<10240x128xf32, #tpu.memory_space<vmem_shared>> -> memref<32x128xf32, #tpu.memory_space<vmem_shared>>
      %dma_wait3A_76 = arith.constant 0 : i32
      %dma_wait3A_77 = tpu.memref_slice %arg15[%add3A_24, %dma_wait3A_76] : memref<10240x128xf32, #tpu.memory_space<vmem_shared>> -> memref<32x128xf32, #tpu.memory_space<vmem_shared>>
      tpu.wait_dma2 semaphore(%run_scoped3A : memref<!tpu.dma_semaphore, #tpu.memory_space<semaphore_mem>>) src(%arg10 : memref<32x128xf32, #tpu.memory_space<vmem>>) dst(%dma_wait3A_77 : memref<32x128xf32, #tpu.memory_space<vmem_shared>>)
      tpu.yield
    }) : () -> ()
    %add3A_25 = arith.constant 352 : i32
    %add3A_26 = arith.addi %mul3A_2, %add3A_25 : i32
    "tpu.region"() ({
      %run_scoped3A = tpu.sem_alloc : memref<!tpu.dma_semaphore, #tpu.memory_space<semaphore_mem>>
      %dma_start3A = arith.constant 0 : i32
      %dma_start3A_72 = tpu.memref_slice %arg15[%add3A_26, %dma_start3A] : memref<10240x128xf32, #tpu.memory_space<vmem_shared>> -> memref<32x128xf32, #tpu.memory_space<vmem_shared>>
      %dma_start3A_73 = arith.constant 0 : i32
      %dma_start3A_74 = tpu.memref_slice %arg15[%add3A_26, %dma_start3A_73] : memref<10240x128xf32, #tpu.memory_space<vmem_shared>> -> memref<32x128xf32, #tpu.memory_space<vmem_shared>>
      tpu.enqueue_dma source(%arg10 : memref<32x128xf32, #tpu.memory_space<vmem>>) target(%dma_start3A_74 : memref<32x128xf32, #tpu.memory_space<vmem_shared>>) target_semaphore(%run_scoped3A : memref<!tpu.dma_semaphore, #tpu.memory_space<semaphore_mem>>)
      %dma_wait3A = arith.constant 0 : i32
      %dma_wait3A_75 = tpu.memref_slice %arg15[%add3A_26, %dma_wait3A] : memref<10240x128xf32, #tpu.memory_space<vmem_shared>> -> memref<32x128xf32, #tpu.memory_space<vmem_shared>>
      %dma_wait3A_76 = arith.constant 0 : i32
      %dma_wait3A_77 = tpu.memref_slice %arg15[%add3A_26, %dma_wait3A_76] : memref<10240x128xf32, #tpu.memory_space<vmem_shared>> -> memref<32x128xf32, #tpu.memory_space<vmem_shared>>
      tpu.wait_dma2 semaphore(%run_scoped3A : memref<!tpu.dma_semaphore, #tpu.memory_space<semaphore_mem>>) src(%arg10 : memref<32x128xf32, #tpu.memory_space<vmem>>) dst(%dma_wait3A_77 : memref<32x128xf32, #tpu.memory_space<vmem_shared>>)
      tpu.yield
    }) : () -> ()
    %add3A_27 = arith.constant 384 : i32
    %add3A_28 = arith.addi %mul3A_2, %add3A_27 : i32
    "tpu.region"() ({
      %run_scoped3A = tpu.sem_alloc : memref<!tpu.dma_semaphore, #tpu.memory_space<semaphore_mem>>
      %dma_start3A = arith.constant 0 : i32
      %dma_start3A_72 = tpu.memref_slice %arg15[%add3A_28, %dma_start3A] : memref<10240x128xf32, #tpu.memory_space<vmem_shared>> -> memref<32x128xf32, #tpu.memory_space<vmem_shared>>
      %dma_start3A_73 = arith.constant 0 : i32
      %dma_start3A_74 = tpu.memref_slice %arg15[%add3A_28, %dma_start3A_73] : memref<10240x128xf32, #tpu.memory_space<vmem_shared>> -> memref<32x128xf32, #tpu.memory_space<vmem_shared>>
      tpu.enqueue_dma source(%arg10 : memref<32x128xf32, #tpu.memory_space<vmem>>) target(%dma_start3A_74 : memref<32x128xf32, #tpu.memory_space<vmem_shared>>) target_semaphore(%run_scoped3A : memref<!tpu.dma_semaphore, #tpu.memory_space<semaphore_mem>>)
      %dma_wait3A = arith.constant 0 : i32
      %dma_wait3A_75 = tpu.memref_slice %arg15[%add3A_28, %dma_wait3A] : memref<10240x128xf32, #tpu.memory_space<vmem_shared>> -> memref<32x128xf32, #tpu.memory_space<vmem_shared>>
      %dma_wait3A_76 = arith.constant 0 : i32
      %dma_wait3A_77 = tpu.memref_slice %arg15[%add3A_28, %dma_wait3A_76] : memref<10240x128xf32, #tpu.memory_space<vmem_shared>> -> memref<32x128xf32, #tpu.memory_space<vmem_shared>>
      tpu.wait_dma2 semaphore(%run_scoped3A : memref<!tpu.dma_semaphore, #tpu.memory_space<semaphore_mem>>) src(%arg10 : memref<32x128xf32, #tpu.memory_space<vmem>>) dst(%dma_wait3A_77 : memref<32x128xf32, #tpu.memory_space<vmem_shared>>)
      tpu.yield
    }) : () -> ()
    %add3A_29 = arith.constant 416 : i32
    %add3A_30 = arith.addi %mul3A_2, %add3A_29 : i32
    "tpu.region"() ({
      %run_scoped3A = tpu.sem_alloc : memref<!tpu.dma_semaphore, #tpu.memory_space<semaphore_mem>>
      %dma_start3A = arith.constant 0 : i32
      %dma_start3A_72 = tpu.memref_slice %arg15[%add3A_30, %dma_start3A] : memref<10240x128xf32, #tpu.memory_space<vmem_shared>> -> memref<32x128xf32, #tpu.memory_space<vmem_shared>>
      %dma_start3A_73 = arith.constant 0 : i32
      %dma_start3A_74 = tpu.memref_slice %arg15[%add3A_30, %dma_start3A_73] : memref<10240x128xf32, #tpu.memory_space<vmem_shared>> -> memref<32x128xf32, #tpu.memory_space<vmem_shared>>
      tpu.enqueue_dma source(%arg10 : memref<32x128xf32, #tpu.memory_space<vmem>>) target(%dma_start3A_74 : memref<32x128xf32, #tpu.memory_space<vmem_shared>>) target_semaphore(%run_scoped3A : memref<!tpu.dma_semaphore, #tpu.memory_space<semaphore_mem>>)
      %dma_wait3A = arith.constant 0 : i32
      %dma_wait3A_75 = tpu.memref_slice %arg15[%add3A_30, %dma_wait3A] : memref<10240x128xf32, #tpu.memory_space<vmem_shared>> -> memref<32x128xf32, #tpu.memory_space<vmem_shared>>
      %dma_wait3A_76 = arith.constant 0 : i32
      %dma_wait3A_77 = tpu.memref_slice %arg15[%add3A_30, %dma_wait3A_76] : memref<10240x128xf32, #tpu.memory_space<vmem_shared>> -> memref<32x128xf32, #tpu.memory_space<vmem_shared>>
      tpu.wait_dma2 semaphore(%run_scoped3A : memref<!tpu.dma_semaphore, #tpu.memory_space<semaphore_mem>>) src(%arg10 : memref<32x128xf32, #tpu.memory_space<vmem>>) dst(%dma_wait3A_77 : memref<32x128xf32, #tpu.memory_space<vmem_shared>>)
      tpu.yield
    }) : () -> ()
    %add3A_31 = arith.constant 448 : i32
    %add3A_32 = arith.addi %mul3A_2, %add3A_31 : i32
    "tpu.region"() ({
      %run_scoped3A = tpu.sem_alloc : memref<!tpu.dma_semaphore, #tpu.memory_space<semaphore_mem>>
      %dma_start3A = arith.constant 0 : i32
      %dma_start3A_72 = tpu.memref_slice %arg15[%add3A_32, %dma_start3A] : memref<10240x128xf32, #tpu.memory_space<vmem_shared>> -> memref<32x128xf32, #tpu.memory_space<vmem_shared>>
      %dma_start3A_73 = arith.constant 0 : i32
      %dma_start3A_74 = tpu.memref_slice %arg15[%add3A_32, %dma_start3A_73] : memref<10240x128xf32, #tpu.memory_space<vmem_shared>> -> memref<32x128xf32, #tpu.memory_space<vmem_shared>>
      tpu.enqueue_dma source(%arg10 : memref<32x128xf32, #tpu.memory_space<vmem>>) target(%dma_start3A_74 : memref<32x128xf32, #tpu.memory_space<vmem_shared>>) target_semaphore(%run_scoped3A : memref<!tpu.dma_semaphore, #tpu.memory_space<semaphore_mem>>)
      %dma_wait3A = arith.constant 0 : i32
      %dma_wait3A_75 = tpu.memref_slice %arg15[%add3A_32, %dma_wait3A] : memref<10240x128xf32, #tpu.memory_space<vmem_shared>> -> memref<32x128xf32, #tpu.memory_space<vmem_shared>>
      %dma_wait3A_76 = arith.constant 0 : i32
      %dma_wait3A_77 = tpu.memref_slice %arg15[%add3A_32, %dma_wait3A_76] : memref<10240x128xf32, #tpu.memory_space<vmem_shared>> -> memref<32x128xf32, #tpu.memory_space<vmem_shared>>
      tpu.wait_dma2 semaphore(%run_scoped3A : memref<!tpu.dma_semaphore, #tpu.memory_space<semaphore_mem>>) src(%arg10 : memref<32x128xf32, #tpu.memory_space<vmem>>) dst(%dma_wait3A_77 : memref<32x128xf32, #tpu.memory_space<vmem_shared>>)
      tpu.yield
    }) : () -> ()
    %add3A_33 = arith.constant 480 : i32
    %add3A_34 = arith.addi %mul3A_2, %add3A_33 : i32
    "tpu.region"() ({
      %run_scoped3A = tpu.sem_alloc : memref<!tpu.dma_semaphore, #tpu.memory_space<semaphore_mem>>
      %dma_start3A = arith.constant 0 : i32
      %dma_start3A_72 = tpu.memref_slice %arg15[%add3A_34, %dma_start3A] : memref<10240x128xf32, #tpu.memory_space<vmem_shared>> -> memref<32x128xf32, #tpu.memory_space<vmem_shared>>
      %dma_start3A_73 = arith.constant 0 : i32
      %dma_start3A_74 = tpu.memref_slice %arg15[%add3A_34, %dma_start3A_73] : memref<10240x128xf32, #tpu.memory_space<vmem_shared>> -> memref<32x128xf32, #tpu.memory_space<vmem_shared>>
      tpu.enqueue_dma source(%arg10 : memref<32x128xf32, #tpu.memory_space<vmem>>) target(%dma_start3A_74 : memref<32x128xf32, #tpu.memory_space<vmem_shared>>) target_semaphore(%run_scoped3A : memref<!tpu.dma_semaphore, #tpu.memory_space<semaphore_mem>>)
      %dma_wait3A = arith.constant 0 : i32
      %dma_wait3A_75 = tpu.memref_slice %arg15[%add3A_34, %dma_wait3A] : memref<10240x128xf32, #tpu.memory_space<vmem_shared>> -> memref<32x128xf32, #tpu.memory_space<vmem_shared>>
      %dma_wait3A_76 = arith.constant 0 : i32
      %dma_wait3A_77 = tpu.memref_slice %arg15[%add3A_34, %dma_wait3A_76] : memref<10240x128xf32, #tpu.memory_space<vmem_shared>> -> memref<32x128xf32, #tpu.memory_space<vmem_shared>>
      tpu.wait_dma2 semaphore(%run_scoped3A : memref<!tpu.dma_semaphore, #tpu.memory_space<semaphore_mem>>) src(%arg10 : memref<32x128xf32, #tpu.memory_space<vmem>>) dst(%dma_wait3A_77 : memref<32x128xf32, #tpu.memory_space<vmem_shared>>)
      tpu.yield
    }) : () -> ()
    %add3A_35 = arith.constant 512 : i32
    %add3A_36 = arith.addi %mul3A_2, %add3A_35 : i32
    "tpu.region"() ({
      %run_scoped3A = tpu.sem_alloc : memref<!tpu.dma_semaphore, #tpu.memory_space<semaphore_mem>>
      %dma_start3A = arith.constant 0 : i32
      %dma_start3A_72 = tpu.memref_slice %arg15[%add3A_36, %dma_start3A] : memref<10240x128xf32, #tpu.memory_space<vmem_shared>> -> memref<32x128xf32, #tpu.memory_space<vmem_shared>>
      %dma_start3A_73 = arith.constant 0 : i32
      %dma_start3A_74 = tpu.memref_slice %arg15[%add3A_36, %dma_start3A_73] : memref<10240x128xf32, #tpu.memory_space<vmem_shared>> -> memref<32x128xf32, #tpu.memory_space<vmem_shared>>
      tpu.enqueue_dma source(%arg10 : memref<32x128xf32, #tpu.memory_space<vmem>>) target(%dma_start3A_74 : memref<32x128xf32, #tpu.memory_space<vmem_shared>>) target_semaphore(%run_scoped3A : memref<!tpu.dma_semaphore, #tpu.memory_space<semaphore_mem>>)
      %dma_wait3A = arith.constant 0 : i32
      %dma_wait3A_75 = tpu.memref_slice %arg15[%add3A_36, %dma_wait3A] : memref<10240x128xf32, #tpu.memory_space<vmem_shared>> -> memref<32x128xf32, #tpu.memory_space<vmem_shared>>
      %dma_wait3A_76 = arith.constant 0 : i32
      %dma_wait3A_77 = tpu.memref_slice %arg15[%add3A_36, %dma_wait3A_76] : memref<10240x128xf32, #tpu.memory_space<vmem_shared>> -> memref<32x128xf32, #tpu.memory_space<vmem_shared>>
      tpu.wait_dma2 semaphore(%run_scoped3A : memref<!tpu.dma_semaphore, #tpu.memory_space<semaphore_mem>>) src(%arg10 : memref<32x128xf32, #tpu.memory_space<vmem>>) dst(%dma_wait3A_77 : memref<32x128xf32, #tpu.memory_space<vmem_shared>>)
      tpu.yield
    }) : () -> ()
    %add3A_37 = arith.constant 544 : i32
    %add3A_38 = arith.addi %mul3A_2, %add3A_37 : i32
    "tpu.region"() ({
      %run_scoped3A = tpu.sem_alloc : memref<!tpu.dma_semaphore, #tpu.memory_space<semaphore_mem>>
      %dma_start3A = arith.constant 0 : i32
      %dma_start3A_72 = tpu.memref_slice %arg15[%add3A_38, %dma_start3A] : memref<10240x128xf32, #tpu.memory_space<vmem_shared>> -> memref<32x128xf32, #tpu.memory_space<vmem_shared>>
      %dma_start3A_73 = arith.constant 0 : i32
      %dma_start3A_74 = tpu.memref_slice %arg15[%add3A_38, %dma_start3A_73] : memref<10240x128xf32, #tpu.memory_space<vmem_shared>> -> memref<32x128xf32, #tpu.memory_space<vmem_shared>>
      tpu.enqueue_dma source(%arg10 : memref<32x128xf32, #tpu.memory_space<vmem>>) target(%dma_start3A_74 : memref<32x128xf32, #tpu.memory_space<vmem_shared>>) target_semaphore(%run_scoped3A : memref<!tpu.dma_semaphore, #tpu.memory_space<semaphore_mem>>)
      %dma_wait3A = arith.constant 0 : i32
      %dma_wait3A_75 = tpu.memref_slice %arg15[%add3A_38, %dma_wait3A] : memref<10240x128xf32, #tpu.memory_space<vmem_shared>> -> memref<32x128xf32, #tpu.memory_space<vmem_shared>>
      %dma_wait3A_76 = arith.constant 0 : i32
      %dma_wait3A_77 = tpu.memref_slice %arg15[%add3A_38, %dma_wait3A_76] : memref<10240x128xf32, #tpu.memory_space<vmem_shared>> -> memref<32x128xf32, #tpu.memory_space<vmem_shared>>
      tpu.wait_dma2 semaphore(%run_scoped3A : memref<!tpu.dma_semaphore, #tpu.memory_space<semaphore_mem>>) src(%arg10 : memref<32x128xf32, #tpu.memory_space<vmem>>) dst(%dma_wait3A_77 : memref<32x128xf32, #tpu.memory_space<vmem_shared>>)
      tpu.yield
    }) : () -> ()
    %add3A_39 = arith.constant 576 : i32
    %add3A_40 = arith.addi %mul3A_2, %add3A_39 : i32
    "tpu.region"() ({
      %run_scoped3A = tpu.sem_alloc : memref<!tpu.dma_semaphore, #tpu.memory_space<semaphore_mem>>
      %dma_start3A = arith.constant 0 : i32
      %dma_start3A_72 = tpu.memref_slice %arg15[%add3A_40, %dma_start3A] : memref<10240x128xf32, #tpu.memory_space<vmem_shared>> -> memref<32x128xf32, #tpu.memory_space<vmem_shared>>
      %dma_start3A_73 = arith.constant 0 : i32
      %dma_start3A_74 = tpu.memref_slice %arg15[%add3A_40, %dma_start3A_73] : memref<10240x128xf32, #tpu.memory_space<vmem_shared>> -> memref<32x128xf32, #tpu.memory_space<vmem_shared>>
      tpu.enqueue_dma source(%arg10 : memref<32x128xf32, #tpu.memory_space<vmem>>) target(%dma_start3A_74 : memref<32x128xf32, #tpu.memory_space<vmem_shared>>) target_semaphore(%run_scoped3A : memref<!tpu.dma_semaphore, #tpu.memory_space<semaphore_mem>>)
      %dma_wait3A = arith.constant 0 : i32
      %dma_wait3A_75 = tpu.memref_slice %arg15[%add3A_40, %dma_wait3A] : memref<10240x128xf32, #tpu.memory_space<vmem_shared>> -> memref<32x128xf32, #tpu.memory_space<vmem_shared>>
      %dma_wait3A_76 = arith.constant 0 : i32
      %dma_wait3A_77 = tpu.memref_slice %arg15[%add3A_40, %dma_wait3A_76] : memref<10240x128xf32, #tpu.memory_space<vmem_shared>> -> memref<32x128xf32, #tpu.memory_space<vmem_shared>>
      tpu.wait_dma2 semaphore(%run_scoped3A : memref<!tpu.dma_semaphore, #tpu.memory_space<semaphore_mem>>) src(%arg10 : memref<32x128xf32, #tpu.memory_space<vmem>>) dst(%dma_wait3A_77 : memref<32x128xf32, #tpu.memory_space<vmem_shared>>)
      tpu.yield
    }) : () -> ()
    %add3A_41 = arith.constant 608 : i32
    %add3A_42 = arith.addi %mul3A_2, %add3A_41 : i32
    "tpu.region"() ({
      %run_scoped3A = tpu.sem_alloc : memref<!tpu.dma_semaphore, #tpu.memory_space<semaphore_mem>>
      %dma_start3A = arith.constant 0 : i32
      %dma_start3A_72 = tpu.memref_slice %arg15[%add3A_42, %dma_start3A] : memref<10240x128xf32, #tpu.memory_space<vmem_shared>> -> memref<32x128xf32, #tpu.memory_space<vmem_shared>>
      %dma_start3A_73 = arith.constant 0 : i32
      %dma_start3A_74 = tpu.memref_slice %arg15[%add3A_42, %dma_start3A_73] : memref<10240x128xf32, #tpu.memory_space<vmem_shared>> -> memref<32x128xf32, #tpu.memory_space<vmem_shared>>
      tpu.enqueue_dma source(%arg10 : memref<32x128xf32, #tpu.memory_space<vmem>>) target(%dma_start3A_74 : memref<32x128xf32, #tpu.memory_space<vmem_shared>>) target_semaphore(%run_scoped3A : memref<!tpu.dma_semaphore, #tpu.memory_space<semaphore_mem>>)
      %dma_wait3A = arith.constant 0 : i32
      %dma_wait3A_75 = tpu.memref_slice %arg15[%add3A_42, %dma_wait3A] : memref<10240x128xf32, #tpu.memory_space<vmem_shared>> -> memref<32x128xf32, #tpu.memory_space<vmem_shared>>
      %dma_wait3A_76 = arith.constant 0 : i32
      %dma_wait3A_77 = tpu.memref_slice %arg15[%add3A_42, %dma_wait3A_76] : memref<10240x128xf32, #tpu.memory_space<vmem_shared>> -> memref<32x128xf32, #tpu.memory_space<vmem_shared>>
      tpu.wait_dma2 semaphore(%run_scoped3A : memref<!tpu.dma_semaphore, #tpu.memory_space<semaphore_mem>>) src(%arg10 : memref<32x128xf32, #tpu.memory_space<vmem>>) dst(%dma_wait3A_77 : memref<32x128xf32, #tpu.memory_space<vmem_shared>>)
      tpu.yield
    }) : () -> ()
    "tpu.region"() ({
      %run_scoped3A = tpu.sem_alloc : memref<!tpu.dma_semaphore, #tpu.memory_space<semaphore_mem>>
      tpu.enqueue_dma source(%arg6 : memref<640x8xf32, #tpu.memory_space<hbm>>) target(%arg17 : memref<640x8xf32, #tpu.memory_space<vmem>>) target_semaphore(%run_scoped3A : memref<!tpu.dma_semaphore, #tpu.memory_space<semaphore_mem>>)
      tpu.wait_dma2 semaphore(%run_scoped3A : memref<!tpu.dma_semaphore, #tpu.memory_space<semaphore_mem>>) src(%arg6 : memref<640x8xf32, #tpu.memory_space<hbm>>) dst(%arg17 : memref<640x8xf32, #tpu.memory_space<vmem>>)
      tpu.yield
    }) : () -> ()
    "tpu.region"() ({
      %run_scoped3A = tpu.sem_alloc : memref<!tpu.dma_semaphore, #tpu.memory_space<semaphore_mem>>
      tpu.enqueue_dma source(%arg7 : memref<80x8xf32, #tpu.memory_space<hbm>>) target(%arg18 : memref<80x8xf32, #tpu.memory_space<vmem>>) target_semaphore(%run_scoped3A : memref<!tpu.dma_semaphore, #tpu.memory_space<semaphore_mem>>)
      tpu.wait_dma2 semaphore(%run_scoped3A : memref<!tpu.dma_semaphore, #tpu.memory_space<semaphore_mem>>) src(%arg7 : memref<80x8xf32, #tpu.memory_space<hbm>>) dst(%arg18 : memref<80x8xf32, #tpu.memory_space<vmem>>)
      tpu.yield
    }) : () -> ()
    "tpu.region"() ({
      %run_scoped3A = tpu.sem_alloc : memref<!tpu.dma_semaphore, #tpu.memory_space<semaphore_mem>>
      %dma_start3A = arith.constant 0 : i32
      %dma_start3A_72 = tpu.memref_slice %arg19[%mul3A_2, %dma_start3A] : memref<10240x8xf32, #tpu.memory_space<vmem_shared>> -> memref<640x8xf32, #tpu.memory_space<vmem_shared>>
      %dma_start3A_73 = arith.constant 0 : i32
      %dma_start3A_74 = tpu.memref_slice %arg19[%mul3A_2, %dma_start3A_73] : memref<10240x8xf32, #tpu.memory_space<vmem_shared>> -> memref<640x8xf32, #tpu.memory_space<vmem_shared>>
      tpu.enqueue_dma source(%arg17 : memref<640x8xf32, #tpu.memory_space<vmem>>) target(%dma_start3A_74 : memref<640x8xf32, #tpu.memory_space<vmem_shared>>) target_semaphore(%run_scoped3A : memref<!tpu.dma_semaphore, #tpu.memory_space<semaphore_mem>>)
      %dma_wait3A = arith.constant 0 : i32
      %dma_wait3A_75 = tpu.memref_slice %arg19[%mul3A_2, %dma_wait3A] : memref<10240x8xf32, #tpu.memory_space<vmem_shared>> -> memref<640x8xf32, #tpu.memory_space<vmem_shared>>
      %dma_wait3A_76 = arith.constant 0 : i32
      %dma_wait3A_77 = tpu.memref_slice %arg19[%mul3A_2, %dma_wait3A_76] : memref<10240x8xf32, #tpu.memory_space<vmem_shared>> -> memref<640x8xf32, #tpu.memory_space<vmem_shared>>
      tpu.wait_dma2 semaphore(%run_scoped3A : memref<!tpu.dma_semaphore, #tpu.memory_space<semaphore_mem>>) src(%arg17 : memref<640x8xf32, #tpu.memory_space<vmem>>) dst(%dma_wait3A_77 : memref<640x8xf32, #tpu.memory_space<vmem_shared>>)
      tpu.yield
    }) : () -> ()
    %barrier3A = arith.constant 0 : index
    tpu.barrier barrier_id(%barrier3A)
    %scan3A = arith.constant 0 : i32
    %scan3A_43 = arith.constant 0 : i32
    %scan3A_44 = arith.constant 125 : i32
    %scan3A_45 = arith.addi %scan3A_43, %scan3A_44 : i32
    %scan3A_46 = arith.constant 1 : i32
    scf.for %scan3A_72 = %scan3A_43 to %scan3A_45 step %scan3A_46  : i32 {
      %mul3A_73 = arith.constant 10000 : i32
      %mul3A_74 = arith.muli %add3A, %mul3A_73 : i32
      %mul3A_75 = arith.constant 80 : i32
      %mul3A_76 = arith.muli %scan3A_72, %mul3A_75 : i32
      %add3A_77 = arith.addi %mul3A_74, %mul3A_76 : i32
      "tpu.region"() ({
        %run_scoped3A = tpu.sem_alloc : memref<!tpu.dma_semaphore, #tpu.memory_space<semaphore_mem>>
        %dma_start3A_82 = tpu.memref_slice %arg3[%add3A_77] : memref<320000xi32, #tpu.memory_space<hbm>> -> memref<80xi32, #tpu.memory_space<hbm>>
        %dma_start3A_83 = tpu.memref_slice %arg3[%add3A_77] : memref<320000xi32, #tpu.memory_space<hbm>> -> memref<80xi32, #tpu.memory_space<hbm>>
        tpu.enqueue_dma source(%dma_start3A_83 : memref<80xi32, #tpu.memory_space<hbm>>) target(%arg11 : memref<80xi32, #tpu.memory_space<vmem>>) target_semaphore(%run_scoped3A : memref<!tpu.dma_semaphore, #tpu.memory_space<semaphore_mem>>)
        %dma_wait3A_84 = tpu.memref_slice %arg3[%add3A_77] : memref<320000xi32, #tpu.memory_space<hbm>> -> memref<80xi32, #tpu.memory_space<hbm>>
        %dma_wait3A_85 = tpu.memref_slice %arg3[%add3A_77] : memref<320000xi32, #tpu.memory_space<hbm>> -> memref<80xi32, #tpu.memory_space<hbm>>
        tpu.wait_dma2 semaphore(%run_scoped3A : memref<!tpu.dma_semaphore, #tpu.memory_space<semaphore_mem>>) src(%dma_wait3A_85 : memref<80xi32, #tpu.memory_space<hbm>>) dst(%arg11 : memref<80xi32, #tpu.memory_space<vmem>>)
        tpu.yield
      }) : () -> ()
      "tpu.region"() ({
        %run_scoped3A = tpu.sem_alloc : memref<!tpu.dma_semaphore, #tpu.memory_space<semaphore_mem>>
        %dma_start3A_82 = tpu.memref_slice %arg4[%add3A_77] : memref<320000xi32, #tpu.memory_space<hbm>> -> memref<80xi32, #tpu.memory_space<hbm>>
        %dma_start3A_83 = tpu.memref_slice %arg4[%add3A_77] : memref<320000xi32, #tpu.memory_space<hbm>> -> memref<80xi32, #tpu.memory_space<hbm>>
        tpu.enqueue_dma source(%dma_start3A_83 : memref<80xi32, #tpu.memory_space<hbm>>) target(%arg12 : memref<80xi32, #tpu.memory_space<vmem>>) target_semaphore(%run_scoped3A : memref<!tpu.dma_semaphore, #tpu.memory_space<semaphore_mem>>)
        %dma_wait3A_84 = tpu.memref_slice %arg4[%add3A_77] : memref<320000xi32, #tpu.memory_space<hbm>> -> memref<80xi32, #tpu.memory_space<hbm>>
        %dma_wait3A_85 = tpu.memref_slice %arg4[%add3A_77] : memref<320000xi32, #tpu.memory_space<hbm>> -> memref<80xi32, #tpu.memory_space<hbm>>
        tpu.wait_dma2 semaphore(%run_scoped3A : memref<!tpu.dma_semaphore, #tpu.memory_space<semaphore_mem>>) src(%dma_wait3A_85 : memref<80xi32, #tpu.memory_space<hbm>>) dst(%arg12 : memref<80xi32, #tpu.memory_space<vmem>>)
        tpu.yield
      }) : () -> ()
      %dma_start3A = arith.constant 0 : i32
      %dma_start3A_78 = arith.constant 0 : i32
      %dma_start3A_79 = tpu.memref_slice %arg2[%dma_start3A, %dma_start3A_78] : memref<10000x128xf32, #tpu.memory_space<hbm>> -> memref<10000x128xf32, #tpu.memory_space<hbm>>
      tpu.enqueue_indirect_dma source(%dma_start3A_79 : memref<10000x128xf32, #tpu.memory_space<hbm>>) target(%arg13 : memref<80x128xf32, #tpu.memory_space<vmem>>) offsets(%arg11 : memref<80xi32, #tpu.memory_space<vmem>>) semaphore(%arg16 : memref<!tpu.dma_semaphore, #tpu.memory_space<semaphore_mem>>)
      %dma_wait3A = arith.constant 0 : i32
      %dma_wait3A_80 = arith.constant 0 : i32
      %dma_wait3A_81 = tpu.memref_slice %arg2[%dma_wait3A, %dma_wait3A_80] : memref<10000x128xf32, #tpu.memory_space<hbm>> -> memref<10000x128xf32, #tpu.memory_space<hbm>>
      tpu.wait_indirect_dma semaphore(%arg16 : memref<!tpu.dma_semaphore, #tpu.memory_space<semaphore_mem>>) src(%dma_wait3A_81 : memref<10000x128xf32, #tpu.memory_space<hbm>>) dst(%arg13 : memref<80x128xf32, #tpu.memory_space<vmem>>)
      "tpu.region"() ({
        %run_scoped3A = tpu.sem_alloc : memref<!tpu.dma_semaphore, #tpu.memory_space<semaphore_mem>>
        %dma_start3A_82 = arith.constant 0 : i32
        %dma_start3A_83 = arith.constant 0 : i32
        %dma_start3A_84 = tpu.memref_slice %arg15[%dma_start3A_82, %dma_start3A_83] : memref<10240x128xf32, #tpu.memory_space<vmem_shared>> -> memref<10240x128xf32, #tpu.memory_space<vmem_shared>>
        tpu.enqueue_indirect_dma source(%arg13 : memref<80x128xf32, #tpu.memory_space<vmem>>) target(%dma_start3A_84 : memref<10240x128xf32, #tpu.memory_space<vmem_shared>>) offsets(%arg12 : memref<80xi32, #tpu.memory_space<vmem>>) semaphore(%run_scoped3A : memref<!tpu.dma_semaphore, #tpu.memory_space<semaphore_mem>>) {add = true}
        %dma_wait3A_85 = arith.constant 0 : i32
        %dma_wait3A_86 = arith.constant 0 : i32
        %dma_wait3A_87 = tpu.memref_slice %arg15[%dma_wait3A_85, %dma_wait3A_86] : memref<10240x128xf32, #tpu.memory_space<vmem_shared>> -> memref<10240x128xf32, #tpu.memory_space<vmem_shared>>
        tpu.wait_indirect_dma semaphore(%run_scoped3A : memref<!tpu.dma_semaphore, #tpu.memory_space<semaphore_mem>>) src(%arg13 : memref<80x128xf32, #tpu.memory_space<vmem>>) dst(%dma_wait3A_87 : memref<10240x128xf32, #tpu.memory_space<vmem_shared>>)
        tpu.yield
      }) : () -> ()
      "tpu.region"() ({
        %run_scoped3A = tpu.sem_alloc : memref<!tpu.dma_semaphore, #tpu.memory_space<semaphore_mem>>
        %dma_start3A_82 = arith.constant 0 : i32
        %dma_start3A_83 = arith.constant 0 : i32
        %dma_start3A_84 = tpu.memref_slice %arg19[%dma_start3A_82, %dma_start3A_83] : memref<10240x8xf32, #tpu.memory_space<vmem_shared>> -> memref<10240x8xf32, #tpu.memory_space<vmem_shared>>
        tpu.enqueue_indirect_dma source(%arg18 : memref<80x8xf32, #tpu.memory_space<vmem>>) target(%dma_start3A_84 : memref<10240x8xf32, #tpu.memory_space<vmem_shared>>) offsets(%arg12 : memref<80xi32, #tpu.memory_space<vmem>>) semaphore(%run_scoped3A : memref<!tpu.dma_semaphore, #tpu.memory_space<semaphore_mem>>) {add = true}
        %dma_wait3A_85 = arith.constant 0 : i32
        %dma_wait3A_86 = arith.constant 0 : i32
        %dma_wait3A_87 = tpu.memref_slice %arg19[%dma_wait3A_85, %dma_wait3A_86] : memref<10240x8xf32, #tpu.memory_space<vmem_shared>> -> memref<10240x8xf32, #tpu.memory_space<vmem_shared>>
        tpu.wait_indirect_dma semaphore(%run_scoped3A : memref<!tpu.dma_semaphore, #tpu.memory_space<semaphore_mem>>) src(%arg18 : memref<80x8xf32, #tpu.memory_space<vmem>>) dst(%dma_wait3A_87 : memref<10240x8xf32, #tpu.memory_space<vmem_shared>>)
        tpu.yield
      }) : () -> ()
    }
    %scan3A_47 = arith.constant 125 : i32
    %barrier3A_48 = arith.constant 0 : index
    tpu.barrier barrier_id(%barrier3A_48)
    %mul3A_49 = arith.constant 10240 : i32
    %mul3A_50 = arith.muli %arg0, %mul3A_49 : i32
    %add3A_51 = arith.addi %mul3A_50, %mul3A_2 : i32
    %add3A_52 = arith.constant 0 : i32
    %add3A_53 = arith.addi %mul3A_2, %add3A_52 : i32
    "tpu.region"() ({
      %run_scoped3A = tpu.sem_alloc : memref<!tpu.dma_semaphore, #tpu.memory_space<semaphore_mem>>
      %dma_start3A = arith.constant 0 : i32
      %dma_start3A_72 = tpu.memref_slice %arg15[%add3A_53, %dma_start3A] : memref<10240x128xf32, #tpu.memory_space<vmem_shared>> -> memref<128x128xf32, #tpu.memory_space<vmem_shared>>
      %dma_start3A_73 = arith.constant 0 : i32
      %dma_start3A_74 = tpu.memref_slice %arg15[%add3A_53, %dma_start3A_73] : memref<10240x128xf32, #tpu.memory_space<vmem_shared>> -> memref<128x128xf32, #tpu.memory_space<vmem_shared>>
      tpu.enqueue_dma source(%dma_start3A_74 : memref<128x128xf32, #tpu.memory_space<vmem_shared>>) target(%arg14 : memref<128x128xf32, #tpu.memory_space<vmem>>) target_semaphore(%run_scoped3A : memref<!tpu.dma_semaphore, #tpu.memory_space<semaphore_mem>>)
      %dma_wait3A = arith.constant 0 : i32
      %dma_wait3A_75 = tpu.memref_slice %arg15[%add3A_53, %dma_wait3A] : memref<10240x128xf32, #tpu.memory_space<vmem_shared>> -> memref<128x128xf32, #tpu.memory_space<vmem_shared>>
      %dma_wait3A_76 = arith.constant 0 : i32
      %dma_wait3A_77 = tpu.memref_slice %arg15[%add3A_53, %dma_wait3A_76] : memref<10240x128xf32, #tpu.memory_space<vmem_shared>> -> memref<128x128xf32, #tpu.memory_space<vmem_shared>>
      tpu.wait_dma2 semaphore(%run_scoped3A : memref<!tpu.dma_semaphore, #tpu.memory_space<semaphore_mem>>) src(%dma_wait3A_77 : memref<128x128xf32, #tpu.memory_space<vmem_shared>>) dst(%arg14 : memref<128x128xf32, #tpu.memory_space<vmem>>)
      tpu.yield
    }) : () -> ()
    %add3A_54 = arith.constant 0 : i32
    %add3A_55 = arith.addi %add3A_51, %add3A_54 : i32
    "tpu.region"() ({
      %run_scoped3A = tpu.sem_alloc : memref<!tpu.dma_semaphore, #tpu.memory_space<semaphore_mem>>
      %dma_start3A = arith.constant 0 : i32
      %dma_start3A_72 = tpu.memref_slice %arg8[%add3A_55, %dma_start3A] : memref<20480x128xf32, #tpu.memory_space<hbm>> -> memref<128x128xf32, #tpu.memory_space<hbm>>
      %dma_start3A_73 = arith.constant 0 : i32
      %dma_start3A_74 = tpu.memref_slice %arg8[%add3A_55, %dma_start3A_73] : memref<20480x128xf32, #tpu.memory_space<hbm>> -> memref<128x128xf32, #tpu.memory_space<hbm>>
      tpu.enqueue_dma source(%arg14 : memref<128x128xf32, #tpu.memory_space<vmem>>) target(%dma_start3A_74 : memref<128x128xf32, #tpu.memory_space<hbm>>) target_semaphore(%run_scoped3A : memref<!tpu.dma_semaphore, #tpu.memory_space<semaphore_mem>>)
      %dma_wait3A = arith.constant 0 : i32
      %dma_wait3A_75 = tpu.memref_slice %arg8[%add3A_55, %dma_wait3A] : memref<20480x128xf32, #tpu.memory_space<hbm>> -> memref<128x128xf32, #tpu.memory_space<hbm>>
      %dma_wait3A_76 = arith.constant 0 : i32
      %dma_wait3A_77 = tpu.memref_slice %arg8[%add3A_55, %dma_wait3A_76] : memref<20480x128xf32, #tpu.memory_space<hbm>> -> memref<128x128xf32, #tpu.memory_space<hbm>>
      tpu.wait_dma2 semaphore(%run_scoped3A : memref<!tpu.dma_semaphore, #tpu.memory_space<semaphore_mem>>) src(%arg14 : memref<128x128xf32, #tpu.memory_space<vmem>>) dst(%dma_wait3A_77 : memref<128x128xf32, #tpu.memory_space<hbm>>)
      tpu.yield
    }) : () -> ()
    %add3A_56 = arith.constant 128 : i32
    %add3A_57 = arith.addi %mul3A_2, %add3A_56 : i32
    "tpu.region"() ({
      %run_scoped3A = tpu.sem_alloc : memref<!tpu.dma_semaphore, #tpu.memory_space<semaphore_mem>>
      %dma_start3A = arith.constant 0 : i32
      %dma_start3A_72 = tpu.memref_slice %arg15[%add3A_57, %dma_start3A] : memref<10240x128xf32, #tpu.memory_space<vmem_shared>> -> memref<128x128xf32, #tpu.memory_space<vmem_shared>>
      %dma_start3A_73 = arith.constant 0 : i32
      %dma_start3A_74 = tpu.memref_slice %arg15[%add3A_57, %dma_start3A_73] : memref<10240x128xf32, #tpu.memory_space<vmem_shared>> -> memref<128x128xf32, #tpu.memory_space<vmem_shared>>
      tpu.enqueue_dma source(%dma_start3A_74 : memref<128x128xf32, #tpu.memory_space<vmem_shared>>) target(%arg14 : memref<128x128xf32, #tpu.memory_space<vmem>>) target_semaphore(%run_scoped3A : memref<!tpu.dma_semaphore, #tpu.memory_space<semaphore_mem>>)
      %dma_wait3A = arith.constant 0 : i32
      %dma_wait3A_75 = tpu.memref_slice %arg15[%add3A_57, %dma_wait3A] : memref<10240x128xf32, #tpu.memory_space<vmem_shared>> -> memref<128x128xf32, #tpu.memory_space<vmem_shared>>
      %dma_wait3A_76 = arith.constant 0 : i32
      %dma_wait3A_77 = tpu.memref_slice %arg15[%add3A_57, %dma_wait3A_76] : memref<10240x128xf32, #tpu.memory_space<vmem_shared>> -> memref<128x128xf32, #tpu.memory_space<vmem_shared>>
      tpu.wait_dma2 semaphore(%run_scoped3A : memref<!tpu.dma_semaphore, #tpu.memory_space<semaphore_mem>>) src(%dma_wait3A_77 : memref<128x128xf32, #tpu.memory_space<vmem_shared>>) dst(%arg14 : memref<128x128xf32, #tpu.memory_space<vmem>>)
      tpu.yield
    }) : () -> ()
    %add3A_58 = arith.constant 128 : i32
    %add3A_59 = arith.addi %add3A_51, %add3A_58 : i32
    "tpu.region"() ({
      %run_scoped3A = tpu.sem_alloc : memref<!tpu.dma_semaphore, #tpu.memory_space<semaphore_mem>>
      %dma_start3A = arith.constant 0 : i32
      %dma_start3A_72 = tpu.memref_slice %arg8[%add3A_59, %dma_start3A] : memref<20480x128xf32, #tpu.memory_space<hbm>> -> memref<128x128xf32, #tpu.memory_space<hbm>>
      %dma_start3A_73 = arith.constant 0 : i32
      %dma_start3A_74 = tpu.memref_slice %arg8[%add3A_59, %dma_start3A_73] : memref<20480x128xf32, #tpu.memory_space<hbm>> -> memref<128x128xf32, #tpu.memory_space<hbm>>
      tpu.enqueue_dma source(%arg14 : memref<128x128xf32, #tpu.memory_space<vmem>>) target(%dma_start3A_74 : memref<128x128xf32, #tpu.memory_space<hbm>>) target_semaphore(%run_scoped3A : memref<!tpu.dma_semaphore, #tpu.memory_space<semaphore_mem>>)
      %dma_wait3A = arith.constant 0 : i32
      %dma_wait3A_75 = tpu.memref_slice %arg8[%add3A_59, %dma_wait3A] : memref<20480x128xf32, #tpu.memory_space<hbm>> -> memref<128x128xf32, #tpu.memory_space<hbm>>
      %dma_wait3A_76 = arith.constant 0 : i32
      %dma_wait3A_77 = tpu.memref_slice %arg8[%add3A_59, %dma_wait3A_76] : memref<20480x128xf32, #tpu.memory_space<hbm>> -> memref<128x128xf32, #tpu.memory_space<hbm>>
      tpu.wait_dma2 semaphore(%run_scoped3A : memref<!tpu.dma_semaphore, #tpu.memory_space<semaphore_mem>>) src(%arg14 : memref<128x128xf32, #tpu.memory_space<vmem>>) dst(%dma_wait3A_77 : memref<128x128xf32, #tpu.memory_space<hbm>>)
      tpu.yield
    }) : () -> ()
    %add3A_60 = arith.constant 256 : i32
    %add3A_61 = arith.addi %mul3A_2, %add3A_60 : i32
    "tpu.region"() ({
      %run_scoped3A = tpu.sem_alloc : memref<!tpu.dma_semaphore, #tpu.memory_space<semaphore_mem>>
      %dma_start3A = arith.constant 0 : i32
      %dma_start3A_72 = tpu.memref_slice %arg15[%add3A_61, %dma_start3A] : memref<10240x128xf32, #tpu.memory_space<vmem_shared>> -> memref<128x128xf32, #tpu.memory_space<vmem_shared>>
      %dma_start3A_73 = arith.constant 0 : i32
      %dma_start3A_74 = tpu.memref_slice %arg15[%add3A_61, %dma_start3A_73] : memref<10240x128xf32, #tpu.memory_space<vmem_shared>> -> memref<128x128xf32, #tpu.memory_space<vmem_shared>>
      tpu.enqueue_dma source(%dma_start3A_74 : memref<128x128xf32, #tpu.memory_space<vmem_shared>>) target(%arg14 : memref<128x128xf32, #tpu.memory_space<vmem>>) target_semaphore(%run_scoped3A : memref<!tpu.dma_semaphore, #tpu.memory_space<semaphore_mem>>)
      %dma_wait3A = arith.constant 0 : i32
      %dma_wait3A_75 = tpu.memref_slice %arg15[%add3A_61, %dma_wait3A] : memref<10240x128xf32, #tpu.memory_space<vmem_shared>> -> memref<128x128xf32, #tpu.memory_space<vmem_shared>>
      %dma_wait3A_76 = arith.constant 0 : i32
      %dma_wait3A_77 = tpu.memref_slice %arg15[%add3A_61, %dma_wait3A_76] : memref<10240x128xf32, #tpu.memory_space<vmem_shared>> -> memref<128x128xf32, #tpu.memory_space<vmem_shared>>
      tpu.wait_dma2 semaphore(%run_scoped3A : memref<!tpu.dma_semaphore, #tpu.memory_space<semaphore_mem>>) src(%dma_wait3A_77 : memref<128x128xf32, #tpu.memory_space<vmem_shared>>) dst(%arg14 : memref<128x128xf32, #tpu.memory_space<vmem>>)
      tpu.yield
    }) : () -> ()
    %add3A_62 = arith.constant 256 : i32
    %add3A_63 = arith.addi %add3A_51, %add3A_62 : i32
    "tpu.region"() ({
      %run_scoped3A = tpu.sem_alloc : memref<!tpu.dma_semaphore, #tpu.memory_space<semaphore_mem>>
      %dma_start3A = arith.constant 0 : i32
      %dma_start3A_72 = tpu.memref_slice %arg8[%add3A_63, %dma_start3A] : memref<20480x128xf32, #tpu.memory_space<hbm>> -> memref<128x128xf32, #tpu.memory_space<hbm>>
      %dma_start3A_73 = arith.constant 0 : i32
      %dma_start3A_74 = tpu.memref_slice %arg8[%add3A_63, %dma_start3A_73] : memref<20480x128xf32, #tpu.memory_space<hbm>> -> memref<128x128xf32, #tpu.memory_space<hbm>>
      tpu.enqueue_dma source(%arg14 : memref<128x128xf32, #tpu.memory_space<vmem>>) target(%dma_start3A_74 : memref<128x128xf32, #tpu.memory_space<hbm>>) target_semaphore(%run_scoped3A : memref<!tpu.dma_semaphore, #tpu.memory_space<semaphore_mem>>)
      %dma_wait3A = arith.constant 0 : i32
      %dma_wait3A_75 = tpu.memref_slice %arg8[%add3A_63, %dma_wait3A] : memref<20480x128xf32, #tpu.memory_space<hbm>> -> memref<128x128xf32, #tpu.memory_space<hbm>>
      %dma_wait3A_76 = arith.constant 0 : i32
      %dma_wait3A_77 = tpu.memref_slice %arg8[%add3A_63, %dma_wait3A_76] : memref<20480x128xf32, #tpu.memory_space<hbm>> -> memref<128x128xf32, #tpu.memory_space<hbm>>
      tpu.wait_dma2 semaphore(%run_scoped3A : memref<!tpu.dma_semaphore, #tpu.memory_space<semaphore_mem>>) src(%arg14 : memref<128x128xf32, #tpu.memory_space<vmem>>) dst(%dma_wait3A_77 : memref<128x128xf32, #tpu.memory_space<hbm>>)
      tpu.yield
    }) : () -> ()
    %add3A_64 = arith.constant 384 : i32
    %add3A_65 = arith.addi %mul3A_2, %add3A_64 : i32
    "tpu.region"() ({
      %run_scoped3A = tpu.sem_alloc : memref<!tpu.dma_semaphore, #tpu.memory_space<semaphore_mem>>
      %dma_start3A = arith.constant 0 : i32
      %dma_start3A_72 = tpu.memref_slice %arg15[%add3A_65, %dma_start3A] : memref<10240x128xf32, #tpu.memory_space<vmem_shared>> -> memref<128x128xf32, #tpu.memory_space<vmem_shared>>
      %dma_start3A_73 = arith.constant 0 : i32
      %dma_start3A_74 = tpu.memref_slice %arg15[%add3A_65, %dma_start3A_73] : memref<10240x128xf32, #tpu.memory_space<vmem_shared>> -> memref<128x128xf32, #tpu.memory_space<vmem_shared>>
      tpu.enqueue_dma source(%dma_start3A_74 : memref<128x128xf32, #tpu.memory_space<vmem_shared>>) target(%arg14 : memref<128x128xf32, #tpu.memory_space<vmem>>) target_semaphore(%run_scoped3A : memref<!tpu.dma_semaphore, #tpu.memory_space<semaphore_mem>>)
      %dma_wait3A = arith.constant 0 : i32
      %dma_wait3A_75 = tpu.memref_slice %arg15[%add3A_65, %dma_wait3A] : memref<10240x128xf32, #tpu.memory_space<vmem_shared>> -> memref<128x128xf32, #tpu.memory_space<vmem_shared>>
      %dma_wait3A_76 = arith.constant 0 : i32
      %dma_wait3A_77 = tpu.memref_slice %arg15[%add3A_65, %dma_wait3A_76] : memref<10240x128xf32, #tpu.memory_space<vmem_shared>> -> memref<128x128xf32, #tpu.memory_space<vmem_shared>>
      tpu.wait_dma2 semaphore(%run_scoped3A : memref<!tpu.dma_semaphore, #tpu.memory_space<semaphore_mem>>) src(%dma_wait3A_77 : memref<128x128xf32, #tpu.memory_space<vmem_shared>>) dst(%arg14 : memref<128x128xf32, #tpu.memory_space<vmem>>)
      tpu.yield
    }) : () -> ()
    %add3A_66 = arith.constant 384 : i32
    %add3A_67 = arith.addi %add3A_51, %add3A_66 : i32
    "tpu.region"() ({
      %run_scoped3A = tpu.sem_alloc : memref<!tpu.dma_semaphore, #tpu.memory_space<semaphore_mem>>
      %dma_start3A = arith.constant 0 : i32
      %dma_start3A_72 = tpu.memref_slice %arg8[%add3A_67, %dma_start3A] : memref<20480x128xf32, #tpu.memory_space<hbm>> -> memref<128x128xf32, #tpu.memory_space<hbm>>
      %dma_start3A_73 = arith.constant 0 : i32
      %dma_start3A_74 = tpu.memref_slice %arg8[%add3A_67, %dma_start3A_73] : memref<20480x128xf32, #tpu.memory_space<hbm>> -> memref<128x128xf32, #tpu.memory_space<hbm>>
      tpu.enqueue_dma source(%arg14 : memref<128x128xf32, #tpu.memory_space<vmem>>) target(%dma_start3A_74 : memref<128x128xf32, #tpu.memory_space<hbm>>) target_semaphore(%run_scoped3A : memref<!tpu.dma_semaphore, #tpu.memory_space<semaphore_mem>>)
      %dma_wait3A = arith.constant 0 : i32
      %dma_wait3A_75 = tpu.memref_slice %arg8[%add3A_67, %dma_wait3A] : memref<20480x128xf32, #tpu.memory_space<hbm>> -> memref<128x128xf32, #tpu.memory_space<hbm>>
      %dma_wait3A_76 = arith.constant 0 : i32
      %dma_wait3A_77 = tpu.memref_slice %arg8[%add3A_67, %dma_wait3A_76] : memref<20480x128xf32, #tpu.memory_space<hbm>> -> memref<128x128xf32, #tpu.memory_space<hbm>>
      tpu.wait_dma2 semaphore(%run_scoped3A : memref<!tpu.dma_semaphore, #tpu.memory_space<semaphore_mem>>) src(%arg14 : memref<128x128xf32, #tpu.memory_space<vmem>>) dst(%dma_wait3A_77 : memref<128x128xf32, #tpu.memory_space<hbm>>)
      tpu.yield
    }) : () -> ()
    %add3A_68 = arith.constant 512 : i32
    %add3A_69 = arith.addi %mul3A_2, %add3A_68 : i32
    "tpu.region"() ({
      %run_scoped3A = tpu.sem_alloc : memref<!tpu.dma_semaphore, #tpu.memory_space<semaphore_mem>>
      %dma_start3A = arith.constant 0 : i32
      %dma_start3A_72 = tpu.memref_slice %arg15[%add3A_69, %dma_start3A] : memref<10240x128xf32, #tpu.memory_space<vmem_shared>> -> memref<128x128xf32, #tpu.memory_space<vmem_shared>>
      %dma_start3A_73 = arith.constant 0 : i32
      %dma_start3A_74 = tpu.memref_slice %arg15[%add3A_69, %dma_start3A_73] : memref<10240x128xf32, #tpu.memory_space<vmem_shared>> -> memref<128x128xf32, #tpu.memory_space<vmem_shared>>
      tpu.enqueue_dma source(%dma_start3A_74 : memref<128x128xf32, #tpu.memory_space<vmem_shared>>) target(%arg14 : memref<128x128xf32, #tpu.memory_space<vmem>>) target_semaphore(%run_scoped3A : memref<!tpu.dma_semaphore, #tpu.memory_space<semaphore_mem>>)
      %dma_wait3A = arith.constant 0 : i32
      %dma_wait3A_75 = tpu.memref_slice %arg15[%add3A_69, %dma_wait3A] : memref<10240x128xf32, #tpu.memory_space<vmem_shared>> -> memref<128x128xf32, #tpu.memory_space<vmem_shared>>
      %dma_wait3A_76 = arith.constant 0 : i32
      %dma_wait3A_77 = tpu.memref_slice %arg15[%add3A_69, %dma_wait3A_76] : memref<10240x128xf32, #tpu.memory_space<vmem_shared>> -> memref<128x128xf32, #tpu.memory_space<vmem_shared>>
      tpu.wait_dma2 semaphore(%run_scoped3A : memref<!tpu.dma_semaphore, #tpu.memory_space<semaphore_mem>>) src(%dma_wait3A_77 : memref<128x128xf32, #tpu.memory_space<vmem_shared>>) dst(%arg14 : memref<128x128xf32, #tpu.memory_space<vmem>>)
      tpu.yield
    }) : () -> ()
    %add3A_70 = arith.constant 512 : i32
    %add3A_71 = arith.addi %add3A_51, %add3A_70 : i32
    "tpu.region"() ({
      %run_scoped3A = tpu.sem_alloc : memref<!tpu.dma_semaphore, #tpu.memory_space<semaphore_mem>>
      %dma_start3A = arith.constant 0 : i32
      %dma_start3A_72 = tpu.memref_slice %arg8[%add3A_71, %dma_start3A] : memref<20480x128xf32, #tpu.memory_space<hbm>> -> memref<128x128xf32, #tpu.memory_space<hbm>>
      %dma_start3A_73 = arith.constant 0 : i32
      %dma_start3A_74 = tpu.memref_slice %arg8[%add3A_71, %dma_start3A_73] : memref<20480x128xf32, #tpu.memory_space<hbm>> -> memref<128x128xf32, #tpu.memory_space<hbm>>
      tpu.enqueue_dma source(%arg14 : memref<128x128xf32, #tpu.memory_space<vmem>>) target(%dma_start3A_74 : memref<128x128xf32, #tpu.memory_space<hbm>>) target_semaphore(%run_scoped3A : memref<!tpu.dma_semaphore, #tpu.memory_space<semaphore_mem>>)
      %dma_wait3A = arith.constant 0 : i32
      %dma_wait3A_75 = tpu.memref_slice %arg8[%add3A_71, %dma_wait3A] : memref<20480x128xf32, #tpu.memory_space<hbm>> -> memref<128x128xf32, #tpu.memory_space<hbm>>
      %dma_wait3A_76 = arith.constant 0 : i32
      %dma_wait3A_77 = tpu.memref_slice %arg8[%add3A_71, %dma_wait3A_76] : memref<20480x128xf32, #tpu.memory_space<hbm>> -> memref<128x128xf32, #tpu.memory_space<hbm>>
      tpu.wait_dma2 semaphore(%run_scoped3A : memref<!tpu.dma_semaphore, #tpu.memory_space<semaphore_mem>>) src(%arg14 : memref<128x128xf32, #tpu.memory_space<vmem>>) dst(%dma_wait3A_77 : memref<128x128xf32, #tpu.memory_space<hbm>>)
      tpu.yield
    }) : () -> ()
    "tpu.region"() ({
      %run_scoped3A = tpu.sem_alloc : memref<!tpu.dma_semaphore, #tpu.memory_space<semaphore_mem>>
      %dma_start3A = arith.constant 0 : i32
      %dma_start3A_72 = tpu.memref_slice %arg19[%mul3A_2, %dma_start3A] : memref<10240x8xf32, #tpu.memory_space<vmem_shared>> -> memref<640x8xf32, #tpu.memory_space<vmem_shared>>
      %dma_start3A_73 = arith.constant 0 : i32
      %dma_start3A_74 = tpu.memref_slice %arg19[%mul3A_2, %dma_start3A_73] : memref<10240x8xf32, #tpu.memory_space<vmem_shared>> -> memref<640x8xf32, #tpu.memory_space<vmem_shared>>
      tpu.enqueue_dma source(%dma_start3A_74 : memref<640x8xf32, #tpu.memory_space<vmem_shared>>) target(%arg17 : memref<640x8xf32, #tpu.memory_space<vmem>>) target_semaphore(%run_scoped3A : memref<!tpu.dma_semaphore, #tpu.memory_space<semaphore_mem>>)
      %dma_wait3A = arith.constant 0 : i32
      %dma_wait3A_75 = tpu.memref_slice %arg19[%mul3A_2, %dma_wait3A] : memref<10240x8xf32, #tpu.memory_space<vmem_shared>> -> memref<640x8xf32, #tpu.memory_space<vmem_shared>>
      %dma_wait3A_76 = arith.constant 0 : i32
      %dma_wait3A_77 = tpu.memref_slice %arg19[%mul3A_2, %dma_wait3A_76] : memref<10240x8xf32, #tpu.memory_space<vmem_shared>> -> memref<640x8xf32, #tpu.memory_space<vmem_shared>>
      tpu.wait_dma2 semaphore(%run_scoped3A : memref<!tpu.dma_semaphore, #tpu.memory_space<semaphore_mem>>) src(%dma_wait3A_77 : memref<640x8xf32, #tpu.memory_space<vmem_shared>>) dst(%arg17 : memref<640x8xf32, #tpu.memory_space<vmem>>)
      tpu.yield
    }) : () -> ()
    "tpu.region"() ({
      %run_scoped3A = tpu.sem_alloc : memref<!tpu.dma_semaphore, #tpu.memory_space<semaphore_mem>>
      %dma_start3A = arith.constant 0 : i32
      %dma_start3A_72 = tpu.memref_slice %arg9[%add3A_51, %dma_start3A] : memref<20480x8xf32, #tpu.memory_space<hbm>> -> memref<640x8xf32, #tpu.memory_space<hbm>>
      %dma_start3A_73 = arith.constant 0 : i32
      %dma_start3A_74 = tpu.memref_slice %arg9[%add3A_51, %dma_start3A_73] : memref<20480x8xf32, #tpu.memory_space<hbm>> -> memref<640x8xf32, #tpu.memory_space<hbm>>
      tpu.enqueue_dma source(%arg17 : memref<640x8xf32, #tpu.memory_space<vmem>>) target(%dma_start3A_74 : memref<640x8xf32, #tpu.memory_space<hbm>>) target_semaphore(%run_scoped3A : memref<!tpu.dma_semaphore, #tpu.memory_space<semaphore_mem>>)
      %dma_wait3A = arith.constant 0 : i32
      %dma_wait3A_75 = tpu.memref_slice %arg9[%add3A_51, %dma_wait3A] : memref<20480x8xf32, #tpu.memory_space<hbm>> -> memref<640x8xf32, #tpu.memory_space<hbm>>
      %dma_wait3A_76 = arith.constant 0 : i32
      %dma_wait3A_77 = tpu.memref_slice %arg9[%add3A_51, %dma_wait3A_76] : memref<20480x8xf32, #tpu.memory_space<hbm>> -> memref<640x8xf32, #tpu.memory_space<hbm>>
      tpu.wait_dma2 semaphore(%run_scoped3A : memref<!tpu.dma_semaphore, #tpu.memory_space<semaphore_mem>>) src(%arg17 : memref<640x8xf32, #tpu.memory_space<vmem>>) dst(%dma_wait3A_77 : memref<640x8xf32, #tpu.memory_space<hbm>>)
      tpu.yield
    }) : () -> ()
    return
  }
}

#map = affine_map<(d0, d1) -> (0, 0)>
#map1 = affine_map<(d0, d1) -> (0)>
module attributes {stable_mosaic.version = 14 : i64} {
  func.func @body_nc(%arg0: i32, %arg1: i32, %arg2: memref<10000x128xf32, #tpu.memory_space<hbm>>, %arg3: memref<320000xi32, #tpu.memory_space<hbm>>, %arg4: memref<320000xi32, #tpu.memory_space<hbm>>, %arg5: memref<32x128xf32, #tpu.memory_space<hbm>>, %arg6: memref<20480x128xf32, #tpu.memory_space<hbm>>, %arg7: memref<32x128xf32, #tpu.memory_space<vmem>>, %arg8: memref<80xi32, #tpu.memory_space<vmem>>, %arg9: memref<80xi32, #tpu.memory_space<vmem>>, %arg10: memref<80x128xf32, #tpu.memory_space<vmem>>, %arg11: memref<128x128xf32, #tpu.memory_space<vmem>>, %arg12: memref<10240x128xf32, #tpu.memory_space<vmem_shared>>, %arg13: memref<!tpu.dma_semaphore, #tpu.memory_space<semaphore_mem>>) attributes {dimension_semantics = [#tpu.dimension_semantics<core_parallel>, #tpu.dimension_semantics<subcore_parallel>], iteration_bounds = array<i64: 2, 16>, scalar_prefetch = 0 : i64, scratch_operands = 7 : i64, tpu.core_type = #tpu.core_type<sc_vector_subcore>, window_params = [{transform_indices = #map}, {transform_indices = #map1}, {transform_indices = #map1}, {transform_indices = #map}, {transform_indices = #map}]} {
    %mul3A = arith.constant 16 : i32
    %mul3A_0 = arith.muli %arg0, %mul3A : i32
    %add3A = arith.addi %mul3A_0, %arg1 : i32
    %mul3A_1 = arith.constant 640 : i32
    %mul3A_2 = arith.muli %arg1, %mul3A_1 : i32
    "tpu.region"() ({
      %run_scoped3A = tpu.sem_alloc : memref<!tpu.dma_semaphore, #tpu.memory_space<semaphore_mem>>
      tpu.enqueue_dma source(%arg5 : memref<32x128xf32, #tpu.memory_space<hbm>>) target(%arg7 : memref<32x128xf32, #tpu.memory_space<vmem>>) target_semaphore(%run_scoped3A : memref<!tpu.dma_semaphore, #tpu.memory_space<semaphore_mem>>)
      tpu.wait_dma2 semaphore(%run_scoped3A : memref<!tpu.dma_semaphore, #tpu.memory_space<semaphore_mem>>) src(%arg5 : memref<32x128xf32, #tpu.memory_space<hbm>>) dst(%arg7 : memref<32x128xf32, #tpu.memory_space<vmem>>)
      tpu.yield
    }) : () -> ()
    %add3A_3 = arith.constant 0 : i32
    %add3A_4 = arith.addi %mul3A_2, %add3A_3 : i32
    "tpu.region"() ({
      %run_scoped3A = tpu.sem_alloc : memref<!tpu.dma_semaphore, #tpu.memory_space<semaphore_mem>>
      %dma_start3A = arith.constant 0 : i32
      %dma_start3A_72 = tpu.memref_slice %arg12[%add3A_4, %dma_start3A] : memref<10240x128xf32, #tpu.memory_space<vmem_shared>> -> memref<32x128xf32, #tpu.memory_space<vmem_shared>>
      %dma_start3A_73 = arith.constant 0 : i32
      %dma_start3A_74 = tpu.memref_slice %arg12[%add3A_4, %dma_start3A_73] : memref<10240x128xf32, #tpu.memory_space<vmem_shared>> -> memref<32x128xf32, #tpu.memory_space<vmem_shared>>
      tpu.enqueue_dma source(%arg7 : memref<32x128xf32, #tpu.memory_space<vmem>>) target(%dma_start3A_74 : memref<32x128xf32, #tpu.memory_space<vmem_shared>>) target_semaphore(%run_scoped3A : memref<!tpu.dma_semaphore, #tpu.memory_space<semaphore_mem>>)
      %dma_wait3A = arith.constant 0 : i32
      %dma_wait3A_75 = tpu.memref_slice %arg12[%add3A_4, %dma_wait3A] : memref<10240x128xf32, #tpu.memory_space<vmem_shared>> -> memref<32x128xf32, #tpu.memory_space<vmem_shared>>
      %dma_wait3A_76 = arith.constant 0 : i32
      %dma_wait3A_77 = tpu.memref_slice %arg12[%add3A_4, %dma_wait3A_76] : memref<10240x128xf32, #tpu.memory_space<vmem_shared>> -> memref<32x128xf32, #tpu.memory_space<vmem_shared>>
      tpu.wait_dma2 semaphore(%run_scoped3A : memref<!tpu.dma_semaphore, #tpu.memory_space<semaphore_mem>>) src(%arg7 : memref<32x128xf32, #tpu.memory_space<vmem>>) dst(%dma_wait3A_77 : memref<32x128xf32, #tpu.memory_space<vmem_shared>>)
      tpu.yield
    }) : () -> ()
    %add3A_5 = arith.constant 32 : i32
    %add3A_6 = arith.addi %mul3A_2, %add3A_5 : i32
    "tpu.region"() ({
      %run_scoped3A = tpu.sem_alloc : memref<!tpu.dma_semaphore, #tpu.memory_space<semaphore_mem>>
      %dma_start3A = arith.constant 0 : i32
      %dma_start3A_72 = tpu.memref_slice %arg12[%add3A_6, %dma_start3A] : memref<10240x128xf32, #tpu.memory_space<vmem_shared>> -> memref<32x128xf32, #tpu.memory_space<vmem_shared>>
      %dma_start3A_73 = arith.constant 0 : i32
      %dma_start3A_74 = tpu.memref_slice %arg12[%add3A_6, %dma_start3A_73] : memref<10240x128xf32, #tpu.memory_space<vmem_shared>> -> memref<32x128xf32, #tpu.memory_space<vmem_shared>>
      tpu.enqueue_dma source(%arg7 : memref<32x128xf32, #tpu.memory_space<vmem>>) target(%dma_start3A_74 : memref<32x128xf32, #tpu.memory_space<vmem_shared>>) target_semaphore(%run_scoped3A : memref<!tpu.dma_semaphore, #tpu.memory_space<semaphore_mem>>)
      %dma_wait3A = arith.constant 0 : i32
      %dma_wait3A_75 = tpu.memref_slice %arg12[%add3A_6, %dma_wait3A] : memref<10240x128xf32, #tpu.memory_space<vmem_shared>> -> memref<32x128xf32, #tpu.memory_space<vmem_shared>>
      %dma_wait3A_76 = arith.constant 0 : i32
      %dma_wait3A_77 = tpu.memref_slice %arg12[%add3A_6, %dma_wait3A_76] : memref<10240x128xf32, #tpu.memory_space<vmem_shared>> -> memref<32x128xf32, #tpu.memory_space<vmem_shared>>
      tpu.wait_dma2 semaphore(%run_scoped3A : memref<!tpu.dma_semaphore, #tpu.memory_space<semaphore_mem>>) src(%arg7 : memref<32x128xf32, #tpu.memory_space<vmem>>) dst(%dma_wait3A_77 : memref<32x128xf32, #tpu.memory_space<vmem_shared>>)
      tpu.yield
    }) : () -> ()
    %add3A_7 = arith.constant 64 : i32
    %add3A_8 = arith.addi %mul3A_2, %add3A_7 : i32
    "tpu.region"() ({
      %run_scoped3A = tpu.sem_alloc : memref<!tpu.dma_semaphore, #tpu.memory_space<semaphore_mem>>
      %dma_start3A = arith.constant 0 : i32
      %dma_start3A_72 = tpu.memref_slice %arg12[%add3A_8, %dma_start3A] : memref<10240x128xf32, #tpu.memory_space<vmem_shared>> -> memref<32x128xf32, #tpu.memory_space<vmem_shared>>
      %dma_start3A_73 = arith.constant 0 : i32
      %dma_start3A_74 = tpu.memref_slice %arg12[%add3A_8, %dma_start3A_73] : memref<10240x128xf32, #tpu.memory_space<vmem_shared>> -> memref<32x128xf32, #tpu.memory_space<vmem_shared>>
      tpu.enqueue_dma source(%arg7 : memref<32x128xf32, #tpu.memory_space<vmem>>) target(%dma_start3A_74 : memref<32x128xf32, #tpu.memory_space<vmem_shared>>) target_semaphore(%run_scoped3A : memref<!tpu.dma_semaphore, #tpu.memory_space<semaphore_mem>>)
      %dma_wait3A = arith.constant 0 : i32
      %dma_wait3A_75 = tpu.memref_slice %arg12[%add3A_8, %dma_wait3A] : memref<10240x128xf32, #tpu.memory_space<vmem_shared>> -> memref<32x128xf32, #tpu.memory_space<vmem_shared>>
      %dma_wait3A_76 = arith.constant 0 : i32
      %dma_wait3A_77 = tpu.memref_slice %arg12[%add3A_8, %dma_wait3A_76] : memref<10240x128xf32, #tpu.memory_space<vmem_shared>> -> memref<32x128xf32, #tpu.memory_space<vmem_shared>>
      tpu.wait_dma2 semaphore(%run_scoped3A : memref<!tpu.dma_semaphore, #tpu.memory_space<semaphore_mem>>) src(%arg7 : memref<32x128xf32, #tpu.memory_space<vmem>>) dst(%dma_wait3A_77 : memref<32x128xf32, #tpu.memory_space<vmem_shared>>)
      tpu.yield
    }) : () -> ()
    %add3A_9 = arith.constant 96 : i32
    %add3A_10 = arith.addi %mul3A_2, %add3A_9 : i32
    "tpu.region"() ({
      %run_scoped3A = tpu.sem_alloc : memref<!tpu.dma_semaphore, #tpu.memory_space<semaphore_mem>>
      %dma_start3A = arith.constant 0 : i32
      %dma_start3A_72 = tpu.memref_slice %arg12[%add3A_10, %dma_start3A] : memref<10240x128xf32, #tpu.memory_space<vmem_shared>> -> memref<32x128xf32, #tpu.memory_space<vmem_shared>>
      %dma_start3A_73 = arith.constant 0 : i32
      %dma_start3A_74 = tpu.memref_slice %arg12[%add3A_10, %dma_start3A_73] : memref<10240x128xf32, #tpu.memory_space<vmem_shared>> -> memref<32x128xf32, #tpu.memory_space<vmem_shared>>
      tpu.enqueue_dma source(%arg7 : memref<32x128xf32, #tpu.memory_space<vmem>>) target(%dma_start3A_74 : memref<32x128xf32, #tpu.memory_space<vmem_shared>>) target_semaphore(%run_scoped3A : memref<!tpu.dma_semaphore, #tpu.memory_space<semaphore_mem>>)
      %dma_wait3A = arith.constant 0 : i32
      %dma_wait3A_75 = tpu.memref_slice %arg12[%add3A_10, %dma_wait3A] : memref<10240x128xf32, #tpu.memory_space<vmem_shared>> -> memref<32x128xf32, #tpu.memory_space<vmem_shared>>
      %dma_wait3A_76 = arith.constant 0 : i32
      %dma_wait3A_77 = tpu.memref_slice %arg12[%add3A_10, %dma_wait3A_76] : memref<10240x128xf32, #tpu.memory_space<vmem_shared>> -> memref<32x128xf32, #tpu.memory_space<vmem_shared>>
      tpu.wait_dma2 semaphore(%run_scoped3A : memref<!tpu.dma_semaphore, #tpu.memory_space<semaphore_mem>>) src(%arg7 : memref<32x128xf32, #tpu.memory_space<vmem>>) dst(%dma_wait3A_77 : memref<32x128xf32, #tpu.memory_space<vmem_shared>>)
      tpu.yield
    }) : () -> ()
    %add3A_11 = arith.constant 128 : i32
    %add3A_12 = arith.addi %mul3A_2, %add3A_11 : i32
    "tpu.region"() ({
      %run_scoped3A = tpu.sem_alloc : memref<!tpu.dma_semaphore, #tpu.memory_space<semaphore_mem>>
      %dma_start3A = arith.constant 0 : i32
      %dma_start3A_72 = tpu.memref_slice %arg12[%add3A_12, %dma_start3A] : memref<10240x128xf32, #tpu.memory_space<vmem_shared>> -> memref<32x128xf32, #tpu.memory_space<vmem_shared>>
      %dma_start3A_73 = arith.constant 0 : i32
      %dma_start3A_74 = tpu.memref_slice %arg12[%add3A_12, %dma_start3A_73] : memref<10240x128xf32, #tpu.memory_space<vmem_shared>> -> memref<32x128xf32, #tpu.memory_space<vmem_shared>>
      tpu.enqueue_dma source(%arg7 : memref<32x128xf32, #tpu.memory_space<vmem>>) target(%dma_start3A_74 : memref<32x128xf32, #tpu.memory_space<vmem_shared>>) target_semaphore(%run_scoped3A : memref<!tpu.dma_semaphore, #tpu.memory_space<semaphore_mem>>)
      %dma_wait3A = arith.constant 0 : i32
      %dma_wait3A_75 = tpu.memref_slice %arg12[%add3A_12, %dma_wait3A] : memref<10240x128xf32, #tpu.memory_space<vmem_shared>> -> memref<32x128xf32, #tpu.memory_space<vmem_shared>>
      %dma_wait3A_76 = arith.constant 0 : i32
      %dma_wait3A_77 = tpu.memref_slice %arg12[%add3A_12, %dma_wait3A_76] : memref<10240x128xf32, #tpu.memory_space<vmem_shared>> -> memref<32x128xf32, #tpu.memory_space<vmem_shared>>
      tpu.wait_dma2 semaphore(%run_scoped3A : memref<!tpu.dma_semaphore, #tpu.memory_space<semaphore_mem>>) src(%arg7 : memref<32x128xf32, #tpu.memory_space<vmem>>) dst(%dma_wait3A_77 : memref<32x128xf32, #tpu.memory_space<vmem_shared>>)
      tpu.yield
    }) : () -> ()
    %add3A_13 = arith.constant 160 : i32
    %add3A_14 = arith.addi %mul3A_2, %add3A_13 : i32
    "tpu.region"() ({
      %run_scoped3A = tpu.sem_alloc : memref<!tpu.dma_semaphore, #tpu.memory_space<semaphore_mem>>
      %dma_start3A = arith.constant 0 : i32
      %dma_start3A_72 = tpu.memref_slice %arg12[%add3A_14, %dma_start3A] : memref<10240x128xf32, #tpu.memory_space<vmem_shared>> -> memref<32x128xf32, #tpu.memory_space<vmem_shared>>
      %dma_start3A_73 = arith.constant 0 : i32
      %dma_start3A_74 = tpu.memref_slice %arg12[%add3A_14, %dma_start3A_73] : memref<10240x128xf32, #tpu.memory_space<vmem_shared>> -> memref<32x128xf32, #tpu.memory_space<vmem_shared>>
      tpu.enqueue_dma source(%arg7 : memref<32x128xf32, #tpu.memory_space<vmem>>) target(%dma_start3A_74 : memref<32x128xf32, #tpu.memory_space<vmem_shared>>) target_semaphore(%run_scoped3A : memref<!tpu.dma_semaphore, #tpu.memory_space<semaphore_mem>>)
      %dma_wait3A = arith.constant 0 : i32
      %dma_wait3A_75 = tpu.memref_slice %arg12[%add3A_14, %dma_wait3A] : memref<10240x128xf32, #tpu.memory_space<vmem_shared>> -> memref<32x128xf32, #tpu.memory_space<vmem_shared>>
      %dma_wait3A_76 = arith.constant 0 : i32
      %dma_wait3A_77 = tpu.memref_slice %arg12[%add3A_14, %dma_wait3A_76] : memref<10240x128xf32, #tpu.memory_space<vmem_shared>> -> memref<32x128xf32, #tpu.memory_space<vmem_shared>>
      tpu.wait_dma2 semaphore(%run_scoped3A : memref<!tpu.dma_semaphore, #tpu.memory_space<semaphore_mem>>) src(%arg7 : memref<32x128xf32, #tpu.memory_space<vmem>>) dst(%dma_wait3A_77 : memref<32x128xf32, #tpu.memory_space<vmem_shared>>)
      tpu.yield
    }) : () -> ()
    %add3A_15 = arith.constant 192 : i32
    %add3A_16 = arith.addi %mul3A_2, %add3A_15 : i32
    "tpu.region"() ({
      %run_scoped3A = tpu.sem_alloc : memref<!tpu.dma_semaphore, #tpu.memory_space<semaphore_mem>>
      %dma_start3A = arith.constant 0 : i32
      %dma_start3A_72 = tpu.memref_slice %arg12[%add3A_16, %dma_start3A] : memref<10240x128xf32, #tpu.memory_space<vmem_shared>> -> memref<32x128xf32, #tpu.memory_space<vmem_shared>>
      %dma_start3A_73 = arith.constant 0 : i32
      %dma_start3A_74 = tpu.memref_slice %arg12[%add3A_16, %dma_start3A_73] : memref<10240x128xf32, #tpu.memory_space<vmem_shared>> -> memref<32x128xf32, #tpu.memory_space<vmem_shared>>
      tpu.enqueue_dma source(%arg7 : memref<32x128xf32, #tpu.memory_space<vmem>>) target(%dma_start3A_74 : memref<32x128xf32, #tpu.memory_space<vmem_shared>>) target_semaphore(%run_scoped3A : memref<!tpu.dma_semaphore, #tpu.memory_space<semaphore_mem>>)
      %dma_wait3A = arith.constant 0 : i32
      %dma_wait3A_75 = tpu.memref_slice %arg12[%add3A_16, %dma_wait3A] : memref<10240x128xf32, #tpu.memory_space<vmem_shared>> -> memref<32x128xf32, #tpu.memory_space<vmem_shared>>
      %dma_wait3A_76 = arith.constant 0 : i32
      %dma_wait3A_77 = tpu.memref_slice %arg12[%add3A_16, %dma_wait3A_76] : memref<10240x128xf32, #tpu.memory_space<vmem_shared>> -> memref<32x128xf32, #tpu.memory_space<vmem_shared>>
      tpu.wait_dma2 semaphore(%run_scoped3A : memref<!tpu.dma_semaphore, #tpu.memory_space<semaphore_mem>>) src(%arg7 : memref<32x128xf32, #tpu.memory_space<vmem>>) dst(%dma_wait3A_77 : memref<32x128xf32, #tpu.memory_space<vmem_shared>>)
      tpu.yield
    }) : () -> ()
    %add3A_17 = arith.constant 224 : i32
    %add3A_18 = arith.addi %mul3A_2, %add3A_17 : i32
    "tpu.region"() ({
      %run_scoped3A = tpu.sem_alloc : memref<!tpu.dma_semaphore, #tpu.memory_space<semaphore_mem>>
      %dma_start3A = arith.constant 0 : i32
      %dma_start3A_72 = tpu.memref_slice %arg12[%add3A_18, %dma_start3A] : memref<10240x128xf32, #tpu.memory_space<vmem_shared>> -> memref<32x128xf32, #tpu.memory_space<vmem_shared>>
      %dma_start3A_73 = arith.constant 0 : i32
      %dma_start3A_74 = tpu.memref_slice %arg12[%add3A_18, %dma_start3A_73] : memref<10240x128xf32, #tpu.memory_space<vmem_shared>> -> memref<32x128xf32, #tpu.memory_space<vmem_shared>>
      tpu.enqueue_dma source(%arg7 : memref<32x128xf32, #tpu.memory_space<vmem>>) target(%dma_start3A_74 : memref<32x128xf32, #tpu.memory_space<vmem_shared>>) target_semaphore(%run_scoped3A : memref<!tpu.dma_semaphore, #tpu.memory_space<semaphore_mem>>)
      %dma_wait3A = arith.constant 0 : i32
      %dma_wait3A_75 = tpu.memref_slice %arg12[%add3A_18, %dma_wait3A] : memref<10240x128xf32, #tpu.memory_space<vmem_shared>> -> memref<32x128xf32, #tpu.memory_space<vmem_shared>>
      %dma_wait3A_76 = arith.constant 0 : i32
      %dma_wait3A_77 = tpu.memref_slice %arg12[%add3A_18, %dma_wait3A_76] : memref<10240x128xf32, #tpu.memory_space<vmem_shared>> -> memref<32x128xf32, #tpu.memory_space<vmem_shared>>
      tpu.wait_dma2 semaphore(%run_scoped3A : memref<!tpu.dma_semaphore, #tpu.memory_space<semaphore_mem>>) src(%arg7 : memref<32x128xf32, #tpu.memory_space<vmem>>) dst(%dma_wait3A_77 : memref<32x128xf32, #tpu.memory_space<vmem_shared>>)
      tpu.yield
    }) : () -> ()
    %add3A_19 = arith.constant 256 : i32
    %add3A_20 = arith.addi %mul3A_2, %add3A_19 : i32
    "tpu.region"() ({
      %run_scoped3A = tpu.sem_alloc : memref<!tpu.dma_semaphore, #tpu.memory_space<semaphore_mem>>
      %dma_start3A = arith.constant 0 : i32
      %dma_start3A_72 = tpu.memref_slice %arg12[%add3A_20, %dma_start3A] : memref<10240x128xf32, #tpu.memory_space<vmem_shared>> -> memref<32x128xf32, #tpu.memory_space<vmem_shared>>
      %dma_start3A_73 = arith.constant 0 : i32
      %dma_start3A_74 = tpu.memref_slice %arg12[%add3A_20, %dma_start3A_73] : memref<10240x128xf32, #tpu.memory_space<vmem_shared>> -> memref<32x128xf32, #tpu.memory_space<vmem_shared>>
      tpu.enqueue_dma source(%arg7 : memref<32x128xf32, #tpu.memory_space<vmem>>) target(%dma_start3A_74 : memref<32x128xf32, #tpu.memory_space<vmem_shared>>) target_semaphore(%run_scoped3A : memref<!tpu.dma_semaphore, #tpu.memory_space<semaphore_mem>>)
      %dma_wait3A = arith.constant 0 : i32
      %dma_wait3A_75 = tpu.memref_slice %arg12[%add3A_20, %dma_wait3A] : memref<10240x128xf32, #tpu.memory_space<vmem_shared>> -> memref<32x128xf32, #tpu.memory_space<vmem_shared>>
      %dma_wait3A_76 = arith.constant 0 : i32
      %dma_wait3A_77 = tpu.memref_slice %arg12[%add3A_20, %dma_wait3A_76] : memref<10240x128xf32, #tpu.memory_space<vmem_shared>> -> memref<32x128xf32, #tpu.memory_space<vmem_shared>>
      tpu.wait_dma2 semaphore(%run_scoped3A : memref<!tpu.dma_semaphore, #tpu.memory_space<semaphore_mem>>) src(%arg7 : memref<32x128xf32, #tpu.memory_space<vmem>>) dst(%dma_wait3A_77 : memref<32x128xf32, #tpu.memory_space<vmem_shared>>)
      tpu.yield
    }) : () -> ()
    %add3A_21 = arith.constant 288 : i32
    %add3A_22 = arith.addi %mul3A_2, %add3A_21 : i32
    "tpu.region"() ({
      %run_scoped3A = tpu.sem_alloc : memref<!tpu.dma_semaphore, #tpu.memory_space<semaphore_mem>>
      %dma_start3A = arith.constant 0 : i32
      %dma_start3A_72 = tpu.memref_slice %arg12[%add3A_22, %dma_start3A] : memref<10240x128xf32, #tpu.memory_space<vmem_shared>> -> memref<32x128xf32, #tpu.memory_space<vmem_shared>>
      %dma_start3A_73 = arith.constant 0 : i32
      %dma_start3A_74 = tpu.memref_slice %arg12[%add3A_22, %dma_start3A_73] : memref<10240x128xf32, #tpu.memory_space<vmem_shared>> -> memref<32x128xf32, #tpu.memory_space<vmem_shared>>
      tpu.enqueue_dma source(%arg7 : memref<32x128xf32, #tpu.memory_space<vmem>>) target(%dma_start3A_74 : memref<32x128xf32, #tpu.memory_space<vmem_shared>>) target_semaphore(%run_scoped3A : memref<!tpu.dma_semaphore, #tpu.memory_space<semaphore_mem>>)
      %dma_wait3A = arith.constant 0 : i32
      %dma_wait3A_75 = tpu.memref_slice %arg12[%add3A_22, %dma_wait3A] : memref<10240x128xf32, #tpu.memory_space<vmem_shared>> -> memref<32x128xf32, #tpu.memory_space<vmem_shared>>
      %dma_wait3A_76 = arith.constant 0 : i32
      %dma_wait3A_77 = tpu.memref_slice %arg12[%add3A_22, %dma_wait3A_76] : memref<10240x128xf32, #tpu.memory_space<vmem_shared>> -> memref<32x128xf32, #tpu.memory_space<vmem_shared>>
      tpu.wait_dma2 semaphore(%run_scoped3A : memref<!tpu.dma_semaphore, #tpu.memory_space<semaphore_mem>>) src(%arg7 : memref<32x128xf32, #tpu.memory_space<vmem>>) dst(%dma_wait3A_77 : memref<32x128xf32, #tpu.memory_space<vmem_shared>>)
      tpu.yield
    }) : () -> ()
    %add3A_23 = arith.constant 320 : i32
    %add3A_24 = arith.addi %mul3A_2, %add3A_23 : i32
    "tpu.region"() ({
      %run_scoped3A = tpu.sem_alloc : memref<!tpu.dma_semaphore, #tpu.memory_space<semaphore_mem>>
      %dma_start3A = arith.constant 0 : i32
      %dma_start3A_72 = tpu.memref_slice %arg12[%add3A_24, %dma_start3A] : memref<10240x128xf32, #tpu.memory_space<vmem_shared>> -> memref<32x128xf32, #tpu.memory_space<vmem_shared>>
      %dma_start3A_73 = arith.constant 0 : i32
      %dma_start3A_74 = tpu.memref_slice %arg12[%add3A_24, %dma_start3A_73] : memref<10240x128xf32, #tpu.memory_space<vmem_shared>> -> memref<32x128xf32, #tpu.memory_space<vmem_shared>>
      tpu.enqueue_dma source(%arg7 : memref<32x128xf32, #tpu.memory_space<vmem>>) target(%dma_start3A_74 : memref<32x128xf32, #tpu.memory_space<vmem_shared>>) target_semaphore(%run_scoped3A : memref<!tpu.dma_semaphore, #tpu.memory_space<semaphore_mem>>)
      %dma_wait3A = arith.constant 0 : i32
      %dma_wait3A_75 = tpu.memref_slice %arg12[%add3A_24, %dma_wait3A] : memref<10240x128xf32, #tpu.memory_space<vmem_shared>> -> memref<32x128xf32, #tpu.memory_space<vmem_shared>>
      %dma_wait3A_76 = arith.constant 0 : i32
      %dma_wait3A_77 = tpu.memref_slice %arg12[%add3A_24, %dma_wait3A_76] : memref<10240x128xf32, #tpu.memory_space<vmem_shared>> -> memref<32x128xf32, #tpu.memory_space<vmem_shared>>
      tpu.wait_dma2 semaphore(%run_scoped3A : memref<!tpu.dma_semaphore, #tpu.memory_space<semaphore_mem>>) src(%arg7 : memref<32x128xf32, #tpu.memory_space<vmem>>) dst(%dma_wait3A_77 : memref<32x128xf32, #tpu.memory_space<vmem_shared>>)
      tpu.yield
    }) : () -> ()
    %add3A_25 = arith.constant 352 : i32
    %add3A_26 = arith.addi %mul3A_2, %add3A_25 : i32
    "tpu.region"() ({
      %run_scoped3A = tpu.sem_alloc : memref<!tpu.dma_semaphore, #tpu.memory_space<semaphore_mem>>
      %dma_start3A = arith.constant 0 : i32
      %dma_start3A_72 = tpu.memref_slice %arg12[%add3A_26, %dma_start3A] : memref<10240x128xf32, #tpu.memory_space<vmem_shared>> -> memref<32x128xf32, #tpu.memory_space<vmem_shared>>
      %dma_start3A_73 = arith.constant 0 : i32
      %dma_start3A_74 = tpu.memref_slice %arg12[%add3A_26, %dma_start3A_73] : memref<10240x128xf32, #tpu.memory_space<vmem_shared>> -> memref<32x128xf32, #tpu.memory_space<vmem_shared>>
      tpu.enqueue_dma source(%arg7 : memref<32x128xf32, #tpu.memory_space<vmem>>) target(%dma_start3A_74 : memref<32x128xf32, #tpu.memory_space<vmem_shared>>) target_semaphore(%run_scoped3A : memref<!tpu.dma_semaphore, #tpu.memory_space<semaphore_mem>>)
      %dma_wait3A = arith.constant 0 : i32
      %dma_wait3A_75 = tpu.memref_slice %arg12[%add3A_26, %dma_wait3A] : memref<10240x128xf32, #tpu.memory_space<vmem_shared>> -> memref<32x128xf32, #tpu.memory_space<vmem_shared>>
      %dma_wait3A_76 = arith.constant 0 : i32
      %dma_wait3A_77 = tpu.memref_slice %arg12[%add3A_26, %dma_wait3A_76] : memref<10240x128xf32, #tpu.memory_space<vmem_shared>> -> memref<32x128xf32, #tpu.memory_space<vmem_shared>>
      tpu.wait_dma2 semaphore(%run_scoped3A : memref<!tpu.dma_semaphore, #tpu.memory_space<semaphore_mem>>) src(%arg7 : memref<32x128xf32, #tpu.memory_space<vmem>>) dst(%dma_wait3A_77 : memref<32x128xf32, #tpu.memory_space<vmem_shared>>)
      tpu.yield
    }) : () -> ()
    %add3A_27 = arith.constant 384 : i32
    %add3A_28 = arith.addi %mul3A_2, %add3A_27 : i32
    "tpu.region"() ({
      %run_scoped3A = tpu.sem_alloc : memref<!tpu.dma_semaphore, #tpu.memory_space<semaphore_mem>>
      %dma_start3A = arith.constant 0 : i32
      %dma_start3A_72 = tpu.memref_slice %arg12[%add3A_28, %dma_start3A] : memref<10240x128xf32, #tpu.memory_space<vmem_shared>> -> memref<32x128xf32, #tpu.memory_space<vmem_shared>>
      %dma_start3A_73 = arith.constant 0 : i32
      %dma_start3A_74 = tpu.memref_slice %arg12[%add3A_28, %dma_start3A_73] : memref<10240x128xf32, #tpu.memory_space<vmem_shared>> -> memref<32x128xf32, #tpu.memory_space<vmem_shared>>
      tpu.enqueue_dma source(%arg7 : memref<32x128xf32, #tpu.memory_space<vmem>>) target(%dma_start3A_74 : memref<32x128xf32, #tpu.memory_space<vmem_shared>>) target_semaphore(%run_scoped3A : memref<!tpu.dma_semaphore, #tpu.memory_space<semaphore_mem>>)
      %dma_wait3A = arith.constant 0 : i32
      %dma_wait3A_75 = tpu.memref_slice %arg12[%add3A_28, %dma_wait3A] : memref<10240x128xf32, #tpu.memory_space<vmem_shared>> -> memref<32x128xf32, #tpu.memory_space<vmem_shared>>
      %dma_wait3A_76 = arith.constant 0 : i32
      %dma_wait3A_77 = tpu.memref_slice %arg12[%add3A_28, %dma_wait3A_76] : memref<10240x128xf32, #tpu.memory_space<vmem_shared>> -> memref<32x128xf32, #tpu.memory_space<vmem_shared>>
      tpu.wait_dma2 semaphore(%run_scoped3A : memref<!tpu.dma_semaphore, #tpu.memory_space<semaphore_mem>>) src(%arg7 : memref<32x128xf32, #tpu.memory_space<vmem>>) dst(%dma_wait3A_77 : memref<32x128xf32, #tpu.memory_space<vmem_shared>>)
      tpu.yield
    }) : () -> ()
    %add3A_29 = arith.constant 416 : i32
    %add3A_30 = arith.addi %mul3A_2, %add3A_29 : i32
    "tpu.region"() ({
      %run_scoped3A = tpu.sem_alloc : memref<!tpu.dma_semaphore, #tpu.memory_space<semaphore_mem>>
      %dma_start3A = arith.constant 0 : i32
      %dma_start3A_72 = tpu.memref_slice %arg12[%add3A_30, %dma_start3A] : memref<10240x128xf32, #tpu.memory_space<vmem_shared>> -> memref<32x128xf32, #tpu.memory_space<vmem_shared>>
      %dma_start3A_73 = arith.constant 0 : i32
      %dma_start3A_74 = tpu.memref_slice %arg12[%add3A_30, %dma_start3A_73] : memref<10240x128xf32, #tpu.memory_space<vmem_shared>> -> memref<32x128xf32, #tpu.memory_space<vmem_shared>>
      tpu.enqueue_dma source(%arg7 : memref<32x128xf32, #tpu.memory_space<vmem>>) target(%dma_start3A_74 : memref<32x128xf32, #tpu.memory_space<vmem_shared>>) target_semaphore(%run_scoped3A : memref<!tpu.dma_semaphore, #tpu.memory_space<semaphore_mem>>)
      %dma_wait3A = arith.constant 0 : i32
      %dma_wait3A_75 = tpu.memref_slice %arg12[%add3A_30, %dma_wait3A] : memref<10240x128xf32, #tpu.memory_space<vmem_shared>> -> memref<32x128xf32, #tpu.memory_space<vmem_shared>>
      %dma_wait3A_76 = arith.constant 0 : i32
      %dma_wait3A_77 = tpu.memref_slice %arg12[%add3A_30, %dma_wait3A_76] : memref<10240x128xf32, #tpu.memory_space<vmem_shared>> -> memref<32x128xf32, #tpu.memory_space<vmem_shared>>
      tpu.wait_dma2 semaphore(%run_scoped3A : memref<!tpu.dma_semaphore, #tpu.memory_space<semaphore_mem>>) src(%arg7 : memref<32x128xf32, #tpu.memory_space<vmem>>) dst(%dma_wait3A_77 : memref<32x128xf32, #tpu.memory_space<vmem_shared>>)
      tpu.yield
    }) : () -> ()
    %add3A_31 = arith.constant 448 : i32
    %add3A_32 = arith.addi %mul3A_2, %add3A_31 : i32
    "tpu.region"() ({
      %run_scoped3A = tpu.sem_alloc : memref<!tpu.dma_semaphore, #tpu.memory_space<semaphore_mem>>
      %dma_start3A = arith.constant 0 : i32
      %dma_start3A_72 = tpu.memref_slice %arg12[%add3A_32, %dma_start3A] : memref<10240x128xf32, #tpu.memory_space<vmem_shared>> -> memref<32x128xf32, #tpu.memory_space<vmem_shared>>
      %dma_start3A_73 = arith.constant 0 : i32
      %dma_start3A_74 = tpu.memref_slice %arg12[%add3A_32, %dma_start3A_73] : memref<10240x128xf32, #tpu.memory_space<vmem_shared>> -> memref<32x128xf32, #tpu.memory_space<vmem_shared>>
      tpu.enqueue_dma source(%arg7 : memref<32x128xf32, #tpu.memory_space<vmem>>) target(%dma_start3A_74 : memref<32x128xf32, #tpu.memory_space<vmem_shared>>) target_semaphore(%run_scoped3A : memref<!tpu.dma_semaphore, #tpu.memory_space<semaphore_mem>>)
      %dma_wait3A = arith.constant 0 : i32
      %dma_wait3A_75 = tpu.memref_slice %arg12[%add3A_32, %dma_wait3A] : memref<10240x128xf32, #tpu.memory_space<vmem_shared>> -> memref<32x128xf32, #tpu.memory_space<vmem_shared>>
      %dma_wait3A_76 = arith.constant 0 : i32
      %dma_wait3A_77 = tpu.memref_slice %arg12[%add3A_32, %dma_wait3A_76] : memref<10240x128xf32, #tpu.memory_space<vmem_shared>> -> memref<32x128xf32, #tpu.memory_space<vmem_shared>>
      tpu.wait_dma2 semaphore(%run_scoped3A : memref<!tpu.dma_semaphore, #tpu.memory_space<semaphore_mem>>) src(%arg7 : memref<32x128xf32, #tpu.memory_space<vmem>>) dst(%dma_wait3A_77 : memref<32x128xf32, #tpu.memory_space<vmem_shared>>)
      tpu.yield
    }) : () -> ()
    %add3A_33 = arith.constant 480 : i32
    %add3A_34 = arith.addi %mul3A_2, %add3A_33 : i32
    "tpu.region"() ({
      %run_scoped3A = tpu.sem_alloc : memref<!tpu.dma_semaphore, #tpu.memory_space<semaphore_mem>>
      %dma_start3A = arith.constant 0 : i32
      %dma_start3A_72 = tpu.memref_slice %arg12[%add3A_34, %dma_start3A] : memref<10240x128xf32, #tpu.memory_space<vmem_shared>> -> memref<32x128xf32, #tpu.memory_space<vmem_shared>>
      %dma_start3A_73 = arith.constant 0 : i32
      %dma_start3A_74 = tpu.memref_slice %arg12[%add3A_34, %dma_start3A_73] : memref<10240x128xf32, #tpu.memory_space<vmem_shared>> -> memref<32x128xf32, #tpu.memory_space<vmem_shared>>
      tpu.enqueue_dma source(%arg7 : memref<32x128xf32, #tpu.memory_space<vmem>>) target(%dma_start3A_74 : memref<32x128xf32, #tpu.memory_space<vmem_shared>>) target_semaphore(%run_scoped3A : memref<!tpu.dma_semaphore, #tpu.memory_space<semaphore_mem>>)
      %dma_wait3A = arith.constant 0 : i32
      %dma_wait3A_75 = tpu.memref_slice %arg12[%add3A_34, %dma_wait3A] : memref<10240x128xf32, #tpu.memory_space<vmem_shared>> -> memref<32x128xf32, #tpu.memory_space<vmem_shared>>
      %dma_wait3A_76 = arith.constant 0 : i32
      %dma_wait3A_77 = tpu.memref_slice %arg12[%add3A_34, %dma_wait3A_76] : memref<10240x128xf32, #tpu.memory_space<vmem_shared>> -> memref<32x128xf32, #tpu.memory_space<vmem_shared>>
      tpu.wait_dma2 semaphore(%run_scoped3A : memref<!tpu.dma_semaphore, #tpu.memory_space<semaphore_mem>>) src(%arg7 : memref<32x128xf32, #tpu.memory_space<vmem>>) dst(%dma_wait3A_77 : memref<32x128xf32, #tpu.memory_space<vmem_shared>>)
      tpu.yield
    }) : () -> ()
    %add3A_35 = arith.constant 512 : i32
    %add3A_36 = arith.addi %mul3A_2, %add3A_35 : i32
    "tpu.region"() ({
      %run_scoped3A = tpu.sem_alloc : memref<!tpu.dma_semaphore, #tpu.memory_space<semaphore_mem>>
      %dma_start3A = arith.constant 0 : i32
      %dma_start3A_72 = tpu.memref_slice %arg12[%add3A_36, %dma_start3A] : memref<10240x128xf32, #tpu.memory_space<vmem_shared>> -> memref<32x128xf32, #tpu.memory_space<vmem_shared>>
      %dma_start3A_73 = arith.constant 0 : i32
      %dma_start3A_74 = tpu.memref_slice %arg12[%add3A_36, %dma_start3A_73] : memref<10240x128xf32, #tpu.memory_space<vmem_shared>> -> memref<32x128xf32, #tpu.memory_space<vmem_shared>>
      tpu.enqueue_dma source(%arg7 : memref<32x128xf32, #tpu.memory_space<vmem>>) target(%dma_start3A_74 : memref<32x128xf32, #tpu.memory_space<vmem_shared>>) target_semaphore(%run_scoped3A : memref<!tpu.dma_semaphore, #tpu.memory_space<semaphore_mem>>)
      %dma_wait3A = arith.constant 0 : i32
      %dma_wait3A_75 = tpu.memref_slice %arg12[%add3A_36, %dma_wait3A] : memref<10240x128xf32, #tpu.memory_space<vmem_shared>> -> memref<32x128xf32, #tpu.memory_space<vmem_shared>>
      %dma_wait3A_76 = arith.constant 0 : i32
      %dma_wait3A_77 = tpu.memref_slice %arg12[%add3A_36, %dma_wait3A_76] : memref<10240x128xf32, #tpu.memory_space<vmem_shared>> -> memref<32x128xf32, #tpu.memory_space<vmem_shared>>
      tpu.wait_dma2 semaphore(%run_scoped3A : memref<!tpu.dma_semaphore, #tpu.memory_space<semaphore_mem>>) src(%arg7 : memref<32x128xf32, #tpu.memory_space<vmem>>) dst(%dma_wait3A_77 : memref<32x128xf32, #tpu.memory_space<vmem_shared>>)
      tpu.yield
    }) : () -> ()
    %add3A_37 = arith.constant 544 : i32
    %add3A_38 = arith.addi %mul3A_2, %add3A_37 : i32
    "tpu.region"() ({
      %run_scoped3A = tpu.sem_alloc : memref<!tpu.dma_semaphore, #tpu.memory_space<semaphore_mem>>
      %dma_start3A = arith.constant 0 : i32
      %dma_start3A_72 = tpu.memref_slice %arg12[%add3A_38, %dma_start3A] : memref<10240x128xf32, #tpu.memory_space<vmem_shared>> -> memref<32x128xf32, #tpu.memory_space<vmem_shared>>
      %dma_start3A_73 = arith.constant 0 : i32
      %dma_start3A_74 = tpu.memref_slice %arg12[%add3A_38, %dma_start3A_73] : memref<10240x128xf32, #tpu.memory_space<vmem_shared>> -> memref<32x128xf32, #tpu.memory_space<vmem_shared>>
      tpu.enqueue_dma source(%arg7 : memref<32x128xf32, #tpu.memory_space<vmem>>) target(%dma_start3A_74 : memref<32x128xf32, #tpu.memory_space<vmem_shared>>) target_semaphore(%run_scoped3A : memref<!tpu.dma_semaphore, #tpu.memory_space<semaphore_mem>>)
      %dma_wait3A = arith.constant 0 : i32
      %dma_wait3A_75 = tpu.memref_slice %arg12[%add3A_38, %dma_wait3A] : memref<10240x128xf32, #tpu.memory_space<vmem_shared>> -> memref<32x128xf32, #tpu.memory_space<vmem_shared>>
      %dma_wait3A_76 = arith.constant 0 : i32
      %dma_wait3A_77 = tpu.memref_slice %arg12[%add3A_38, %dma_wait3A_76] : memref<10240x128xf32, #tpu.memory_space<vmem_shared>> -> memref<32x128xf32, #tpu.memory_space<vmem_shared>>
      tpu.wait_dma2 semaphore(%run_scoped3A : memref<!tpu.dma_semaphore, #tpu.memory_space<semaphore_mem>>) src(%arg7 : memref<32x128xf32, #tpu.memory_space<vmem>>) dst(%dma_wait3A_77 : memref<32x128xf32, #tpu.memory_space<vmem_shared>>)
      tpu.yield
    }) : () -> ()
    %add3A_39 = arith.constant 576 : i32
    %add3A_40 = arith.addi %mul3A_2, %add3A_39 : i32
    "tpu.region"() ({
      %run_scoped3A = tpu.sem_alloc : memref<!tpu.dma_semaphore, #tpu.memory_space<semaphore_mem>>
      %dma_start3A = arith.constant 0 : i32
      %dma_start3A_72 = tpu.memref_slice %arg12[%add3A_40, %dma_start3A] : memref<10240x128xf32, #tpu.memory_space<vmem_shared>> -> memref<32x128xf32, #tpu.memory_space<vmem_shared>>
      %dma_start3A_73 = arith.constant 0 : i32
      %dma_start3A_74 = tpu.memref_slice %arg12[%add3A_40, %dma_start3A_73] : memref<10240x128xf32, #tpu.memory_space<vmem_shared>> -> memref<32x128xf32, #tpu.memory_space<vmem_shared>>
      tpu.enqueue_dma source(%arg7 : memref<32x128xf32, #tpu.memory_space<vmem>>) target(%dma_start3A_74 : memref<32x128xf32, #tpu.memory_space<vmem_shared>>) target_semaphore(%run_scoped3A : memref<!tpu.dma_semaphore, #tpu.memory_space<semaphore_mem>>)
      %dma_wait3A = arith.constant 0 : i32
      %dma_wait3A_75 = tpu.memref_slice %arg12[%add3A_40, %dma_wait3A] : memref<10240x128xf32, #tpu.memory_space<vmem_shared>> -> memref<32x128xf32, #tpu.memory_space<vmem_shared>>
      %dma_wait3A_76 = arith.constant 0 : i32
      %dma_wait3A_77 = tpu.memref_slice %arg12[%add3A_40, %dma_wait3A_76] : memref<10240x128xf32, #tpu.memory_space<vmem_shared>> -> memref<32x128xf32, #tpu.memory_space<vmem_shared>>
      tpu.wait_dma2 semaphore(%run_scoped3A : memref<!tpu.dma_semaphore, #tpu.memory_space<semaphore_mem>>) src(%arg7 : memref<32x128xf32, #tpu.memory_space<vmem>>) dst(%dma_wait3A_77 : memref<32x128xf32, #tpu.memory_space<vmem_shared>>)
      tpu.yield
    }) : () -> ()
    %add3A_41 = arith.constant 608 : i32
    %add3A_42 = arith.addi %mul3A_2, %add3A_41 : i32
    "tpu.region"() ({
      %run_scoped3A = tpu.sem_alloc : memref<!tpu.dma_semaphore, #tpu.memory_space<semaphore_mem>>
      %dma_start3A = arith.constant 0 : i32
      %dma_start3A_72 = tpu.memref_slice %arg12[%add3A_42, %dma_start3A] : memref<10240x128xf32, #tpu.memory_space<vmem_shared>> -> memref<32x128xf32, #tpu.memory_space<vmem_shared>>
      %dma_start3A_73 = arith.constant 0 : i32
      %dma_start3A_74 = tpu.memref_slice %arg12[%add3A_42, %dma_start3A_73] : memref<10240x128xf32, #tpu.memory_space<vmem_shared>> -> memref<32x128xf32, #tpu.memory_space<vmem_shared>>
      tpu.enqueue_dma source(%arg7 : memref<32x128xf32, #tpu.memory_space<vmem>>) target(%dma_start3A_74 : memref<32x128xf32, #tpu.memory_space<vmem_shared>>) target_semaphore(%run_scoped3A : memref<!tpu.dma_semaphore, #tpu.memory_space<semaphore_mem>>)
      %dma_wait3A = arith.constant 0 : i32
      %dma_wait3A_75 = tpu.memref_slice %arg12[%add3A_42, %dma_wait3A] : memref<10240x128xf32, #tpu.memory_space<vmem_shared>> -> memref<32x128xf32, #tpu.memory_space<vmem_shared>>
      %dma_wait3A_76 = arith.constant 0 : i32
      %dma_wait3A_77 = tpu.memref_slice %arg12[%add3A_42, %dma_wait3A_76] : memref<10240x128xf32, #tpu.memory_space<vmem_shared>> -> memref<32x128xf32, #tpu.memory_space<vmem_shared>>
      tpu.wait_dma2 semaphore(%run_scoped3A : memref<!tpu.dma_semaphore, #tpu.memory_space<semaphore_mem>>) src(%arg7 : memref<32x128xf32, #tpu.memory_space<vmem>>) dst(%dma_wait3A_77 : memref<32x128xf32, #tpu.memory_space<vmem_shared>>)
      tpu.yield
    }) : () -> ()
    %barrier3A = arith.constant 0 : index
    tpu.barrier barrier_id(%barrier3A)
    %scan3A = arith.constant 0 : i32
    %scan3A_43 = arith.constant 0 : i32
    %scan3A_44 = arith.constant 125 : i32
    %scan3A_45 = arith.addi %scan3A_43, %scan3A_44 : i32
    %scan3A_46 = arith.constant 1 : i32
    scf.for %scan3A_72 = %scan3A_43 to %scan3A_45 step %scan3A_46  : i32 {
      %mul3A_73 = arith.constant 10000 : i32
      %mul3A_74 = arith.muli %add3A, %mul3A_73 : i32
      %mul3A_75 = arith.constant 80 : i32
      %mul3A_76 = arith.muli %scan3A_72, %mul3A_75 : i32
      %add3A_77 = arith.addi %mul3A_74, %mul3A_76 : i32
      "tpu.region"() ({
        %run_scoped3A = tpu.sem_alloc : memref<!tpu.dma_semaphore, #tpu.memory_space<semaphore_mem>>
        %dma_start3A_82 = tpu.memref_slice %arg3[%add3A_77] : memref<320000xi32, #tpu.memory_space<hbm>> -> memref<80xi32, #tpu.memory_space<hbm>>
        %dma_start3A_83 = tpu.memref_slice %arg3[%add3A_77] : memref<320000xi32, #tpu.memory_space<hbm>> -> memref<80xi32, #tpu.memory_space<hbm>>
        tpu.enqueue_dma source(%dma_start3A_83 : memref<80xi32, #tpu.memory_space<hbm>>) target(%arg8 : memref<80xi32, #tpu.memory_space<vmem>>) target_semaphore(%run_scoped3A : memref<!tpu.dma_semaphore, #tpu.memory_space<semaphore_mem>>)
        %dma_wait3A_84 = tpu.memref_slice %arg3[%add3A_77] : memref<320000xi32, #tpu.memory_space<hbm>> -> memref<80xi32, #tpu.memory_space<hbm>>
        %dma_wait3A_85 = tpu.memref_slice %arg3[%add3A_77] : memref<320000xi32, #tpu.memory_space<hbm>> -> memref<80xi32, #tpu.memory_space<hbm>>
        tpu.wait_dma2 semaphore(%run_scoped3A : memref<!tpu.dma_semaphore, #tpu.memory_space<semaphore_mem>>) src(%dma_wait3A_85 : memref<80xi32, #tpu.memory_space<hbm>>) dst(%arg8 : memref<80xi32, #tpu.memory_space<vmem>>)
        tpu.yield
      }) : () -> ()
      "tpu.region"() ({
        %run_scoped3A = tpu.sem_alloc : memref<!tpu.dma_semaphore, #tpu.memory_space<semaphore_mem>>
        %dma_start3A_82 = tpu.memref_slice %arg4[%add3A_77] : memref<320000xi32, #tpu.memory_space<hbm>> -> memref<80xi32, #tpu.memory_space<hbm>>
        %dma_start3A_83 = tpu.memref_slice %arg4[%add3A_77] : memref<320000xi32, #tpu.memory_space<hbm>> -> memref<80xi32, #tpu.memory_space<hbm>>
        tpu.enqueue_dma source(%dma_start3A_83 : memref<80xi32, #tpu.memory_space<hbm>>) target(%arg9 : memref<80xi32, #tpu.memory_space<vmem>>) target_semaphore(%run_scoped3A : memref<!tpu.dma_semaphore, #tpu.memory_space<semaphore_mem>>)
        %dma_wait3A_84 = tpu.memref_slice %arg4[%add3A_77] : memref<320000xi32, #tpu.memory_space<hbm>> -> memref<80xi32, #tpu.memory_space<hbm>>
        %dma_wait3A_85 = tpu.memref_slice %arg4[%add3A_77] : memref<320000xi32, #tpu.memory_space<hbm>> -> memref<80xi32, #tpu.memory_space<hbm>>
        tpu.wait_dma2 semaphore(%run_scoped3A : memref<!tpu.dma_semaphore, #tpu.memory_space<semaphore_mem>>) src(%dma_wait3A_85 : memref<80xi32, #tpu.memory_space<hbm>>) dst(%arg9 : memref<80xi32, #tpu.memory_space<vmem>>)
        tpu.yield
      }) : () -> ()
      %dma_start3A = arith.constant 0 : i32
      %dma_start3A_78 = arith.constant 0 : i32
      %dma_start3A_79 = tpu.memref_slice %arg2[%dma_start3A, %dma_start3A_78] : memref<10000x128xf32, #tpu.memory_space<hbm>> -> memref<10000x128xf32, #tpu.memory_space<hbm>>
      tpu.enqueue_indirect_dma source(%dma_start3A_79 : memref<10000x128xf32, #tpu.memory_space<hbm>>) target(%arg10 : memref<80x128xf32, #tpu.memory_space<vmem>>) offsets(%arg8 : memref<80xi32, #tpu.memory_space<vmem>>) semaphore(%arg13 : memref<!tpu.dma_semaphore, #tpu.memory_space<semaphore_mem>>)
      %dma_wait3A = arith.constant 0 : i32
      %dma_wait3A_80 = arith.constant 0 : i32
      %dma_wait3A_81 = tpu.memref_slice %arg2[%dma_wait3A, %dma_wait3A_80] : memref<10000x128xf32, #tpu.memory_space<hbm>> -> memref<10000x128xf32, #tpu.memory_space<hbm>>
      tpu.wait_indirect_dma semaphore(%arg13 : memref<!tpu.dma_semaphore, #tpu.memory_space<semaphore_mem>>) src(%dma_wait3A_81 : memref<10000x128xf32, #tpu.memory_space<hbm>>) dst(%arg10 : memref<80x128xf32, #tpu.memory_space<vmem>>)
      "tpu.region"() ({
        %run_scoped3A = tpu.sem_alloc : memref<!tpu.dma_semaphore, #tpu.memory_space<semaphore_mem>>
        %dma_start3A_82 = arith.constant 0 : i32
        %dma_start3A_83 = arith.constant 0 : i32
        %dma_start3A_84 = tpu.memref_slice %arg12[%dma_start3A_82, %dma_start3A_83] : memref<10240x128xf32, #tpu.memory_space<vmem_shared>> -> memref<10240x128xf32, #tpu.memory_space<vmem_shared>>
        tpu.enqueue_indirect_dma source(%arg10 : memref<80x128xf32, #tpu.memory_space<vmem>>) target(%dma_start3A_84 : memref<10240x128xf32, #tpu.memory_space<vmem_shared>>) offsets(%arg9 : memref<80xi32, #tpu.memory_space<vmem>>) semaphore(%run_scoped3A : memref<!tpu.dma_semaphore, #tpu.memory_space<semaphore_mem>>) {add = true}
        %dma_wait3A_85 = arith.constant 0 : i32
        %dma_wait3A_86 = arith.constant 0 : i32
        %dma_wait3A_87 = tpu.memref_slice %arg12[%dma_wait3A_85, %dma_wait3A_86] : memref<10240x128xf32, #tpu.memory_space<vmem_shared>> -> memref<10240x128xf32, #tpu.memory_space<vmem_shared>>
        tpu.wait_indirect_dma semaphore(%run_scoped3A : memref<!tpu.dma_semaphore, #tpu.memory_space<semaphore_mem>>) src(%arg10 : memref<80x128xf32, #tpu.memory_space<vmem>>) dst(%dma_wait3A_87 : memref<10240x128xf32, #tpu.memory_space<vmem_shared>>)
        tpu.yield
      }) : () -> ()
    }
    %scan3A_47 = arith.constant 125 : i32
    %barrier3A_48 = arith.constant 0 : index
    tpu.barrier barrier_id(%barrier3A_48)
    %mul3A_49 = arith.constant 10240 : i32
    %mul3A_50 = arith.muli %arg0, %mul3A_49 : i32
    %add3A_51 = arith.addi %mul3A_50, %mul3A_2 : i32
    %add3A_52 = arith.constant 0 : i32
    %add3A_53 = arith.addi %mul3A_2, %add3A_52 : i32
    "tpu.region"() ({
      %run_scoped3A = tpu.sem_alloc : memref<!tpu.dma_semaphore, #tpu.memory_space<semaphore_mem>>
      %dma_start3A = arith.constant 0 : i32
      %dma_start3A_72 = tpu.memref_slice %arg12[%add3A_53, %dma_start3A] : memref<10240x128xf32, #tpu.memory_space<vmem_shared>> -> memref<128x128xf32, #tpu.memory_space<vmem_shared>>
      %dma_start3A_73 = arith.constant 0 : i32
      %dma_start3A_74 = tpu.memref_slice %arg12[%add3A_53, %dma_start3A_73] : memref<10240x128xf32, #tpu.memory_space<vmem_shared>> -> memref<128x128xf32, #tpu.memory_space<vmem_shared>>
      tpu.enqueue_dma source(%dma_start3A_74 : memref<128x128xf32, #tpu.memory_space<vmem_shared>>) target(%arg11 : memref<128x128xf32, #tpu.memory_space<vmem>>) target_semaphore(%run_scoped3A : memref<!tpu.dma_semaphore, #tpu.memory_space<semaphore_mem>>)
      %dma_wait3A = arith.constant 0 : i32
      %dma_wait3A_75 = tpu.memref_slice %arg12[%add3A_53, %dma_wait3A] : memref<10240x128xf32, #tpu.memory_space<vmem_shared>> -> memref<128x128xf32, #tpu.memory_space<vmem_shared>>
      %dma_wait3A_76 = arith.constant 0 : i32
      %dma_wait3A_77 = tpu.memref_slice %arg12[%add3A_53, %dma_wait3A_76] : memref<10240x128xf32, #tpu.memory_space<vmem_shared>> -> memref<128x128xf32, #tpu.memory_space<vmem_shared>>
      tpu.wait_dma2 semaphore(%run_scoped3A : memref<!tpu.dma_semaphore, #tpu.memory_space<semaphore_mem>>) src(%dma_wait3A_77 : memref<128x128xf32, #tpu.memory_space<vmem_shared>>) dst(%arg11 : memref<128x128xf32, #tpu.memory_space<vmem>>)
      tpu.yield
    }) : () -> ()
    %add3A_54 = arith.constant 0 : i32
    %add3A_55 = arith.addi %add3A_51, %add3A_54 : i32
    "tpu.region"() ({
      %run_scoped3A = tpu.sem_alloc : memref<!tpu.dma_semaphore, #tpu.memory_space<semaphore_mem>>
      %dma_start3A = arith.constant 0 : i32
      %dma_start3A_72 = tpu.memref_slice %arg6[%add3A_55, %dma_start3A] : memref<20480x128xf32, #tpu.memory_space<hbm>> -> memref<128x128xf32, #tpu.memory_space<hbm>>
      %dma_start3A_73 = arith.constant 0 : i32
      %dma_start3A_74 = tpu.memref_slice %arg6[%add3A_55, %dma_start3A_73] : memref<20480x128xf32, #tpu.memory_space<hbm>> -> memref<128x128xf32, #tpu.memory_space<hbm>>
      tpu.enqueue_dma source(%arg11 : memref<128x128xf32, #tpu.memory_space<vmem>>) target(%dma_start3A_74 : memref<128x128xf32, #tpu.memory_space<hbm>>) target_semaphore(%run_scoped3A : memref<!tpu.dma_semaphore, #tpu.memory_space<semaphore_mem>>)
      %dma_wait3A = arith.constant 0 : i32
      %dma_wait3A_75 = tpu.memref_slice %arg6[%add3A_55, %dma_wait3A] : memref<20480x128xf32, #tpu.memory_space<hbm>> -> memref<128x128xf32, #tpu.memory_space<hbm>>
      %dma_wait3A_76 = arith.constant 0 : i32
      %dma_wait3A_77 = tpu.memref_slice %arg6[%add3A_55, %dma_wait3A_76] : memref<20480x128xf32, #tpu.memory_space<hbm>> -> memref<128x128xf32, #tpu.memory_space<hbm>>
      tpu.wait_dma2 semaphore(%run_scoped3A : memref<!tpu.dma_semaphore, #tpu.memory_space<semaphore_mem>>) src(%arg11 : memref<128x128xf32, #tpu.memory_space<vmem>>) dst(%dma_wait3A_77 : memref<128x128xf32, #tpu.memory_space<hbm>>)
      tpu.yield
    }) : () -> ()
    %add3A_56 = arith.constant 128 : i32
    %add3A_57 = arith.addi %mul3A_2, %add3A_56 : i32
    "tpu.region"() ({
      %run_scoped3A = tpu.sem_alloc : memref<!tpu.dma_semaphore, #tpu.memory_space<semaphore_mem>>
      %dma_start3A = arith.constant 0 : i32
      %dma_start3A_72 = tpu.memref_slice %arg12[%add3A_57, %dma_start3A] : memref<10240x128xf32, #tpu.memory_space<vmem_shared>> -> memref<128x128xf32, #tpu.memory_space<vmem_shared>>
      %dma_start3A_73 = arith.constant 0 : i32
      %dma_start3A_74 = tpu.memref_slice %arg12[%add3A_57, %dma_start3A_73] : memref<10240x128xf32, #tpu.memory_space<vmem_shared>> -> memref<128x128xf32, #tpu.memory_space<vmem_shared>>
      tpu.enqueue_dma source(%dma_start3A_74 : memref<128x128xf32, #tpu.memory_space<vmem_shared>>) target(%arg11 : memref<128x128xf32, #tpu.memory_space<vmem>>) target_semaphore(%run_scoped3A : memref<!tpu.dma_semaphore, #tpu.memory_space<semaphore_mem>>)
      %dma_wait3A = arith.constant 0 : i32
      %dma_wait3A_75 = tpu.memref_slice %arg12[%add3A_57, %dma_wait3A] : memref<10240x128xf32, #tpu.memory_space<vmem_shared>> -> memref<128x128xf32, #tpu.memory_space<vmem_shared>>
      %dma_wait3A_76 = arith.constant 0 : i32
      %dma_wait3A_77 = tpu.memref_slice %arg12[%add3A_57, %dma_wait3A_76] : memref<10240x128xf32, #tpu.memory_space<vmem_shared>> -> memref<128x128xf32, #tpu.memory_space<vmem_shared>>
      tpu.wait_dma2 semaphore(%run_scoped3A : memref<!tpu.dma_semaphore, #tpu.memory_space<semaphore_mem>>) src(%dma_wait3A_77 : memref<128x128xf32, #tpu.memory_space<vmem_shared>>) dst(%arg11 : memref<128x128xf32, #tpu.memory_space<vmem>>)
      tpu.yield
    }) : () -> ()
    %add3A_58 = arith.constant 128 : i32
    %add3A_59 = arith.addi %add3A_51, %add3A_58 : i32
    "tpu.region"() ({
      %run_scoped3A = tpu.sem_alloc : memref<!tpu.dma_semaphore, #tpu.memory_space<semaphore_mem>>
      %dma_start3A = arith.constant 0 : i32
      %dma_start3A_72 = tpu.memref_slice %arg6[%add3A_59, %dma_start3A] : memref<20480x128xf32, #tpu.memory_space<hbm>> -> memref<128x128xf32, #tpu.memory_space<hbm>>
      %dma_start3A_73 = arith.constant 0 : i32
      %dma_start3A_74 = tpu.memref_slice %arg6[%add3A_59, %dma_start3A_73] : memref<20480x128xf32, #tpu.memory_space<hbm>> -> memref<128x128xf32, #tpu.memory_space<hbm>>
      tpu.enqueue_dma source(%arg11 : memref<128x128xf32, #tpu.memory_space<vmem>>) target(%dma_start3A_74 : memref<128x128xf32, #tpu.memory_space<hbm>>) target_semaphore(%run_scoped3A : memref<!tpu.dma_semaphore, #tpu.memory_space<semaphore_mem>>)
      %dma_wait3A = arith.constant 0 : i32
      %dma_wait3A_75 = tpu.memref_slice %arg6[%add3A_59, %dma_wait3A] : memref<20480x128xf32, #tpu.memory_space<hbm>> -> memref<128x128xf32, #tpu.memory_space<hbm>>
      %dma_wait3A_76 = arith.constant 0 : i32
      %dma_wait3A_77 = tpu.memref_slice %arg6[%add3A_59, %dma_wait3A_76] : memref<20480x128xf32, #tpu.memory_space<hbm>> -> memref<128x128xf32, #tpu.memory_space<hbm>>
      tpu.wait_dma2 semaphore(%run_scoped3A : memref<!tpu.dma_semaphore, #tpu.memory_space<semaphore_mem>>) src(%arg11 : memref<128x128xf32, #tpu.memory_space<vmem>>) dst(%dma_wait3A_77 : memref<128x128xf32, #tpu.memory_space<hbm>>)
      tpu.yield
    }) : () -> ()
    %add3A_60 = arith.constant 256 : i32
    %add3A_61 = arith.addi %mul3A_2, %add3A_60 : i32
    "tpu.region"() ({
      %run_scoped3A = tpu.sem_alloc : memref<!tpu.dma_semaphore, #tpu.memory_space<semaphore_mem>>
      %dma_start3A = arith.constant 0 : i32
      %dma_start3A_72 = tpu.memref_slice %arg12[%add3A_61, %dma_start3A] : memref<10240x128xf32, #tpu.memory_space<vmem_shared>> -> memref<128x128xf32, #tpu.memory_space<vmem_shared>>
      %dma_start3A_73 = arith.constant 0 : i32
      %dma_start3A_74 = tpu.memref_slice %arg12[%add3A_61, %dma_start3A_73] : memref<10240x128xf32, #tpu.memory_space<vmem_shared>> -> memref<128x128xf32, #tpu.memory_space<vmem_shared>>
      tpu.enqueue_dma source(%dma_start3A_74 : memref<128x128xf32, #tpu.memory_space<vmem_shared>>) target(%arg11 : memref<128x128xf32, #tpu.memory_space<vmem>>) target_semaphore(%run_scoped3A : memref<!tpu.dma_semaphore, #tpu.memory_space<semaphore_mem>>)
      %dma_wait3A = arith.constant 0 : i32
      %dma_wait3A_75 = tpu.memref_slice %arg12[%add3A_61, %dma_wait3A] : memref<10240x128xf32, #tpu.memory_space<vmem_shared>> -> memref<128x128xf32, #tpu.memory_space<vmem_shared>>
      %dma_wait3A_76 = arith.constant 0 : i32
      %dma_wait3A_77 = tpu.memref_slice %arg12[%add3A_61, %dma_wait3A_76] : memref<10240x128xf32, #tpu.memory_space<vmem_shared>> -> memref<128x128xf32, #tpu.memory_space<vmem_shared>>
      tpu.wait_dma2 semaphore(%run_scoped3A : memref<!tpu.dma_semaphore, #tpu.memory_space<semaphore_mem>>) src(%dma_wait3A_77 : memref<128x128xf32, #tpu.memory_space<vmem_shared>>) dst(%arg11 : memref<128x128xf32, #tpu.memory_space<vmem>>)
      tpu.yield
    }) : () -> ()
    %add3A_62 = arith.constant 256 : i32
    %add3A_63 = arith.addi %add3A_51, %add3A_62 : i32
    "tpu.region"() ({
      %run_scoped3A = tpu.sem_alloc : memref<!tpu.dma_semaphore, #tpu.memory_space<semaphore_mem>>
      %dma_start3A = arith.constant 0 : i32
      %dma_start3A_72 = tpu.memref_slice %arg6[%add3A_63, %dma_start3A] : memref<20480x128xf32, #tpu.memory_space<hbm>> -> memref<128x128xf32, #tpu.memory_space<hbm>>
      %dma_start3A_73 = arith.constant 0 : i32
      %dma_start3A_74 = tpu.memref_slice %arg6[%add3A_63, %dma_start3A_73] : memref<20480x128xf32, #tpu.memory_space<hbm>> -> memref<128x128xf32, #tpu.memory_space<hbm>>
      tpu.enqueue_dma source(%arg11 : memref<128x128xf32, #tpu.memory_space<vmem>>) target(%dma_start3A_74 : memref<128x128xf32, #tpu.memory_space<hbm>>) target_semaphore(%run_scoped3A : memref<!tpu.dma_semaphore, #tpu.memory_space<semaphore_mem>>)
      %dma_wait3A = arith.constant 0 : i32
      %dma_wait3A_75 = tpu.memref_slice %arg6[%add3A_63, %dma_wait3A] : memref<20480x128xf32, #tpu.memory_space<hbm>> -> memref<128x128xf32, #tpu.memory_space<hbm>>
      %dma_wait3A_76 = arith.constant 0 : i32
      %dma_wait3A_77 = tpu.memref_slice %arg6[%add3A_63, %dma_wait3A_76] : memref<20480x128xf32, #tpu.memory_space<hbm>> -> memref<128x128xf32, #tpu.memory_space<hbm>>
      tpu.wait_dma2 semaphore(%run_scoped3A : memref<!tpu.dma_semaphore, #tpu.memory_space<semaphore_mem>>) src(%arg11 : memref<128x128xf32, #tpu.memory_space<vmem>>) dst(%dma_wait3A_77 : memref<128x128xf32, #tpu.memory_space<hbm>>)
      tpu.yield
    }) : () -> ()
    %add3A_64 = arith.constant 384 : i32
    %add3A_65 = arith.addi %mul3A_2, %add3A_64 : i32
    "tpu.region"() ({
      %run_scoped3A = tpu.sem_alloc : memref<!tpu.dma_semaphore, #tpu.memory_space<semaphore_mem>>
      %dma_start3A = arith.constant 0 : i32
      %dma_start3A_72 = tpu.memref_slice %arg12[%add3A_65, %dma_start3A] : memref<10240x128xf32, #tpu.memory_space<vmem_shared>> -> memref<128x128xf32, #tpu.memory_space<vmem_shared>>
      %dma_start3A_73 = arith.constant 0 : i32
      %dma_start3A_74 = tpu.memref_slice %arg12[%add3A_65, %dma_start3A_73] : memref<10240x128xf32, #tpu.memory_space<vmem_shared>> -> memref<128x128xf32, #tpu.memory_space<vmem_shared>>
      tpu.enqueue_dma source(%dma_start3A_74 : memref<128x128xf32, #tpu.memory_space<vmem_shared>>) target(%arg11 : memref<128x128xf32, #tpu.memory_space<vmem>>) target_semaphore(%run_scoped3A : memref<!tpu.dma_semaphore, #tpu.memory_space<semaphore_mem>>)
      %dma_wait3A = arith.constant 0 : i32
      %dma_wait3A_75 = tpu.memref_slice %arg12[%add3A_65, %dma_wait3A] : memref<10240x128xf32, #tpu.memory_space<vmem_shared>> -> memref<128x128xf32, #tpu.memory_space<vmem_shared>>
      %dma_wait3A_76 = arith.constant 0 : i32
      %dma_wait3A_77 = tpu.memref_slice %arg12[%add3A_65, %dma_wait3A_76] : memref<10240x128xf32, #tpu.memory_space<vmem_shared>> -> memref<128x128xf32, #tpu.memory_space<vmem_shared>>
      tpu.wait_dma2 semaphore(%run_scoped3A : memref<!tpu.dma_semaphore, #tpu.memory_space<semaphore_mem>>) src(%dma_wait3A_77 : memref<128x128xf32, #tpu.memory_space<vmem_shared>>) dst(%arg11 : memref<128x128xf32, #tpu.memory_space<vmem>>)
      tpu.yield
    }) : () -> ()
    %add3A_66 = arith.constant 384 : i32
    %add3A_67 = arith.addi %add3A_51, %add3A_66 : i32
    "tpu.region"() ({
      %run_scoped3A = tpu.sem_alloc : memref<!tpu.dma_semaphore, #tpu.memory_space<semaphore_mem>>
      %dma_start3A = arith.constant 0 : i32
      %dma_start3A_72 = tpu.memref_slice %arg6[%add3A_67, %dma_start3A] : memref<20480x128xf32, #tpu.memory_space<hbm>> -> memref<128x128xf32, #tpu.memory_space<hbm>>
      %dma_start3A_73 = arith.constant 0 : i32
      %dma_start3A_74 = tpu.memref_slice %arg6[%add3A_67, %dma_start3A_73] : memref<20480x128xf32, #tpu.memory_space<hbm>> -> memref<128x128xf32, #tpu.memory_space<hbm>>
      tpu.enqueue_dma source(%arg11 : memref<128x128xf32, #tpu.memory_space<vmem>>) target(%dma_start3A_74 : memref<128x128xf32, #tpu.memory_space<hbm>>) target_semaphore(%run_scoped3A : memref<!tpu.dma_semaphore, #tpu.memory_space<semaphore_mem>>)
      %dma_wait3A = arith.constant 0 : i32
      %dma_wait3A_75 = tpu.memref_slice %arg6[%add3A_67, %dma_wait3A] : memref<20480x128xf32, #tpu.memory_space<hbm>> -> memref<128x128xf32, #tpu.memory_space<hbm>>
      %dma_wait3A_76 = arith.constant 0 : i32
      %dma_wait3A_77 = tpu.memref_slice %arg6[%add3A_67, %dma_wait3A_76] : memref<20480x128xf32, #tpu.memory_space<hbm>> -> memref<128x128xf32, #tpu.memory_space<hbm>>
      tpu.wait_dma2 semaphore(%run_scoped3A : memref<!tpu.dma_semaphore, #tpu.memory_space<semaphore_mem>>) src(%arg11 : memref<128x128xf32, #tpu.memory_space<vmem>>) dst(%dma_wait3A_77 : memref<128x128xf32, #tpu.memory_space<hbm>>)
      tpu.yield
    }) : () -> ()
    %add3A_68 = arith.constant 512 : i32
    %add3A_69 = arith.addi %mul3A_2, %add3A_68 : i32
    "tpu.region"() ({
      %run_scoped3A = tpu.sem_alloc : memref<!tpu.dma_semaphore, #tpu.memory_space<semaphore_mem>>
      %dma_start3A = arith.constant 0 : i32
      %dma_start3A_72 = tpu.memref_slice %arg12[%add3A_69, %dma_start3A] : memref<10240x128xf32, #tpu.memory_space<vmem_shared>> -> memref<128x128xf32, #tpu.memory_space<vmem_shared>>
      %dma_start3A_73 = arith.constant 0 : i32
      %dma_start3A_74 = tpu.memref_slice %arg12[%add3A_69, %dma_start3A_73] : memref<10240x128xf32, #tpu.memory_space<vmem_shared>> -> memref<128x128xf32, #tpu.memory_space<vmem_shared>>
      tpu.enqueue_dma source(%dma_start3A_74 : memref<128x128xf32, #tpu.memory_space<vmem_shared>>) target(%arg11 : memref<128x128xf32, #tpu.memory_space<vmem>>) target_semaphore(%run_scoped3A : memref<!tpu.dma_semaphore, #tpu.memory_space<semaphore_mem>>)
      %dma_wait3A = arith.constant 0 : i32
      %dma_wait3A_75 = tpu.memref_slice %arg12[%add3A_69, %dma_wait3A] : memref<10240x128xf32, #tpu.memory_space<vmem_shared>> -> memref<128x128xf32, #tpu.memory_space<vmem_shared>>
      %dma_wait3A_76 = arith.constant 0 : i32
      %dma_wait3A_77 = tpu.memref_slice %arg12[%add3A_69, %dma_wait3A_76] : memref<10240x128xf32, #tpu.memory_space<vmem_shared>> -> memref<128x128xf32, #tpu.memory_space<vmem_shared>>
      tpu.wait_dma2 semaphore(%run_scoped3A : memref<!tpu.dma_semaphore, #tpu.memory_space<semaphore_mem>>) src(%dma_wait3A_77 : memref<128x128xf32, #tpu.memory_space<vmem_shared>>) dst(%arg11 : memref<128x128xf32, #tpu.memory_space<vmem>>)
      tpu.yield
    }) : () -> ()
    %add3A_70 = arith.constant 512 : i32
    %add3A_71 = arith.addi %add3A_51, %add3A_70 : i32
    "tpu.region"() ({
      %run_scoped3A = tpu.sem_alloc : memref<!tpu.dma_semaphore, #tpu.memory_space<semaphore_mem>>
      %dma_start3A = arith.constant 0 : i32
      %dma_start3A_72 = tpu.memref_slice %arg6[%add3A_71, %dma_start3A] : memref<20480x128xf32, #tpu.memory_space<hbm>> -> memref<128x128xf32, #tpu.memory_space<hbm>>
      %dma_start3A_73 = arith.constant 0 : i32
      %dma_start3A_74 = tpu.memref_slice %arg6[%add3A_71, %dma_start3A_73] : memref<20480x128xf32, #tpu.memory_space<hbm>> -> memref<128x128xf32, #tpu.memory_space<hbm>>
      tpu.enqueue_dma source(%arg11 : memref<128x128xf32, #tpu.memory_space<vmem>>) target(%dma_start3A_74 : memref<128x128xf32, #tpu.memory_space<hbm>>) target_semaphore(%run_scoped3A : memref<!tpu.dma_semaphore, #tpu.memory_space<semaphore_mem>>)
      %dma_wait3A = arith.constant 0 : i32
      %dma_wait3A_75 = tpu.memref_slice %arg6[%add3A_71, %dma_wait3A] : memref<20480x128xf32, #tpu.memory_space<hbm>> -> memref<128x128xf32, #tpu.memory_space<hbm>>
      %dma_wait3A_76 = arith.constant 0 : i32
      %dma_wait3A_77 = tpu.memref_slice %arg6[%add3A_71, %dma_wait3A_76] : memref<20480x128xf32, #tpu.memory_space<hbm>> -> memref<128x128xf32, #tpu.memory_space<hbm>>
      tpu.wait_dma2 semaphore(%run_scoped3A : memref<!tpu.dma_semaphore, #tpu.memory_space<semaphore_mem>>) src(%arg11 : memref<128x128xf32, #tpu.memory_space<vmem>>) dst(%dma_wait3A_77 : memref<128x128xf32, #tpu.memory_space<hbm>>)
      tpu.yield
    }) : () -> ()
    return
  }
}

module attributes {stable_mosaic.version = 14 : i64} {
  func.func @_tc_body(%arg0: i32, %arg1: memref<2000x128xf32, #tpu.memory_space<vmem>>, %arg2: memref<2000x128xf32, #tpu.memory_space<vmem>>, %arg3: memref<2000x8xf32, #tpu.memory_space<vmem>>, %arg4: memref<2000x8xf32, #tpu.memory_space<vmem>>, %arg5: memref<2000x128xf32, #tpu.memory_space<vmem>>, %arg6: memref<128x128xf32, #tpu.memory_space<vmem>>, %arg7: memref<1x128xf32, #tpu.memory_space<vmem>>, %arg8: memref<128x128xf32, #tpu.memory_space<vmem>>, %arg9: memref<1x128xf32, #tpu.memory_space<vmem>>, %arg10: memref<1x128xf32, #tpu.memory_space<vmem>>, %arg11: memref<2000x128xf32, #tpu.memory_space<vmem>>) attributes {dimension_semantics = [#tpu.dimension_semantics<arbitrary>], iteration_bounds = array<i64: 5>, scalar_prefetch = 0 : i64, scratch_operands = 0 : i64, tpu.core_type = #tpu.core_type<tc>, window_params = [{transform_indices = @transform_0, window_bounds = array<i64: 2000, 128>}, {transform_indices = @transform_1, window_bounds = array<i64: 2000, 128>}, {transform_indices = @transform_2, window_bounds = array<i64: 2000, 8>}, {transform_indices = @transform_3, window_bounds = array<i64: 2000, 8>}, {transform_indices = @transform_4, window_bounds = array<i64: 2000, 128>}, {pipeline_mode = #tpu.pipeline_mode<synchronous>, transform_indices = @transform_5, window_bounds = array<i64: 128, 128>}, {pipeline_mode = #tpu.pipeline_mode<synchronous>, transform_indices = @transform_6, window_bounds = array<i64: 1, 128>}, {pipeline_mode = #tpu.pipeline_mode<synchronous>, transform_indices = @transform_7, window_bounds = array<i64: 128, 128>}, {pipeline_mode = #tpu.pipeline_mode<synchronous>, transform_indices = @transform_8, window_bounds = array<i64: 1, 128>}, {pipeline_mode = #tpu.pipeline_mode<synchronous>, transform_indices = @transform_9, window_bounds = array<i64: 1, 128>}, {transform_indices = @transform_10, window_bounds = array<i64: 2000, 128>}]} {
    %get3A = arith.constant 0 : index
    %get3A_0 = arith.constant 0 : index
    %get3A_1 = vector.load %arg3[%get3A, %get3A_0] : memref<2000x8xf32, #tpu.memory_space<vmem>>, vector<2000x1xf32>
    %get3A_2 = arith.constant 0 : index
    %get3A_3 = arith.constant 0 : index
    %get3A_4 = vector.load %arg4[%get3A_2, %get3A_3] : memref<2000x8xf32, #tpu.memory_space<vmem>>, vector<2000x1xf32>
    %add3A = arith.addf %get3A_1, %get3A_4 : vector<2000x1xf32>
    %max3A = arith.constant 1.000000e+00 : f32
    %max3A_5 = vector.broadcast %max3A : f32 to vector<2000x1xf32>
    %max3A_6 = arith.maximumf %add3A, %max3A_5 : vector<2000x1xf32>
    %get3A_7 = arith.constant 0 : index
    %get3A_8 = arith.constant 0 : index
    %get3A_9 = vector.load %arg1[%get3A_7, %get3A_8] : memref<2000x128xf32, #tpu.memory_space<vmem>>, vector<2000x128xf32>
    %get3A_10 = arith.constant 0 : index
    %get3A_11 = arith.constant 0 : index
    %get3A_12 = vector.load %arg2[%get3A_10, %get3A_11] : memref<2000x128xf32, #tpu.memory_space<vmem>>, vector<2000x128xf32>
    %add3A_13 = arith.addf %get3A_9, %get3A_12 : vector<2000x128xf32>
    %div3A = vector.broadcast %max3A_6 : vector<2000x1xf32> to vector<2000x128xf32>
    %div3A_14 = arith.divf %add3A_13, %div3A : vector<2000x128xf32>
    %get3A_15 = arith.constant 0 : index
    %get3A_16 = arith.constant 0 : index
    %get3A_17 = vector.load %arg6[%get3A_15, %get3A_16] : memref<128x128xf32, #tpu.memory_space<vmem>>, vector<128x128xf32>
    %dot_general3A = arith.constant dense<0.000000e+00> : vector<2000x128xf32>
    %dot_general3A_18 = tpu.matmul %div3A_14, %get3A_17, %dot_general3A {dimension_numbers = #tpu.dot_dimension_numbers<[1], [0], [0], [1], [0, 0, 1, 1], [], []>, transpose_lhs_hint = false} : vector<2000x128xf32>, vector<128x128xf32>, vector<2000x128xf32> -> vector<2000x128xf32>
    %get3A_19 = arith.constant 0 : index
    %get3A_20 = arith.constant 0 : index
    %get3A_21 = vector.load %arg7[%get3A_19, %get3A_20] : memref<1x128xf32, #tpu.memory_space<vmem>>, vector<1x128xf32>
    %add3A_22 = vector.broadcast %get3A_21 : vector<1x128xf32> to vector<2000x128xf32>
    %add3A_23 = arith.addf %dot_general3A_18, %add3A_22 : vector<2000x128xf32>
    %get3A_24 = arith.constant 0 : index
    %get3A_25 = arith.constant 0 : index
    %get3A_26 = vector.load %arg5[%get3A_24, %get3A_25] : memref<2000x128xf32, #tpu.memory_space<vmem>>, vector<2000x128xf32>
    %get3A_27 = arith.constant 0 : index
    %get3A_28 = arith.constant 0 : index
    %get3A_29 = vector.load %arg8[%get3A_27, %get3A_28] : memref<128x128xf32, #tpu.memory_space<vmem>>, vector<128x128xf32>
    %dot_general3A_30 = arith.constant dense<0.000000e+00> : vector<2000x128xf32>
    %dot_general3A_31 = tpu.matmul %get3A_26, %get3A_29, %dot_general3A_30 {dimension_numbers = #tpu.dot_dimension_numbers<[1], [0], [0], [1], [0, 0, 1, 1], [], []>, transpose_lhs_hint = false} : vector<2000x128xf32>, vector<128x128xf32>, vector<2000x128xf32> -> vector<2000x128xf32>
    %add3A_32 = arith.addf %add3A_23, %dot_general3A_31 : vector<2000x128xf32>
    %get3A_33 = arith.constant 0 : index
    %get3A_34 = arith.constant 0 : index
    %get3A_35 = vector.load %arg9[%get3A_33, %get3A_34] : memref<1x128xf32, #tpu.memory_space<vmem>>, vector<1x128xf32>
    %mul3A = vector.broadcast %get3A_35 : vector<1x128xf32> to vector<2000x128xf32>
    %mul3A_36 = arith.mulf %add3A_32, %mul3A : vector<2000x128xf32>
    %get3A_37 = arith.constant 0 : index
    %get3A_38 = arith.constant 0 : index
    %get3A_39 = vector.load %arg10[%get3A_37, %get3A_38] : memref<1x128xf32, #tpu.memory_space<vmem>>, vector<1x128xf32>
    %add3A_40 = vector.broadcast %get3A_39 : vector<1x128xf32> to vector<2000x128xf32>
    %add3A_41 = arith.addf %mul3A_36, %add3A_40 : vector<2000x128xf32>
    %max3A_42 = arith.constant 0.000000e+00 : f32
    %max3A_43 = vector.broadcast %max3A_42 : f32 to vector<2000x128xf32>
    %max3A_44 = arith.maximumf %add3A_41, %max3A_43 : vector<2000x128xf32>
    %swap3A = arith.constant 0 : index
    %swap3A_45 = arith.constant 0 : index
    %swap3A_46 = vector.load %arg11[%swap3A, %swap3A_45] : memref<2000x128xf32, #tpu.memory_space<vmem>>, vector<2000x128xf32>
    tpu.vector_store %arg11[%swap3A, %swap3A_45], %max3A_44 {strides = array<i32>} : memref<2000x128xf32, #tpu.memory_space<vmem>>, vector<2000x128xf32>,
    return
  }
  func.func @transform_0(%arg0: i32) -> (i32, i32) {
    %c0_i32 = arith.constant 0 : i32
    %c0_i32_0 = arith.constant 0 : i32
    return %arg0, %c0_i32 : i32, i32
  }
  func.func @transform_1(%arg0: i32) -> (i32, i32) {
    %c0_i32 = arith.constant 0 : i32
    %c0_i32_0 = arith.constant 0 : i32
    return %arg0, %c0_i32 : i32, i32
  }
  func.func @transform_2(%arg0: i32) -> (i32, i32) {
    %c0_i32 = arith.constant 0 : i32
    %c0_i32_0 = arith.constant 0 : i32
    return %arg0, %c0_i32 : i32, i32
  }
  func.func @transform_3(%arg0: i32) -> (i32, i32) {
    %c0_i32 = arith.constant 0 : i32
    %c0_i32_0 = arith.constant 0 : i32
    return %arg0, %c0_i32 : i32, i32
  }
  func.func @transform_4(%arg0: i32) -> (i32, i32) {
    %c0_i32 = arith.constant 0 : i32
    %c0_i32_0 = arith.constant 0 : i32
    return %arg0, %c0_i32 : i32, i32
  }
  func.func @transform_5(%arg0: i32) -> (i32, i32) {
    %c0_i32 = arith.constant 0 : i32
    %c0_i32_0 = arith.constant 0 : i32
    %c0_i32_1 = arith.constant 0 : i32
    return %c0_i32, %c0_i32_0 : i32, i32
  }
  func.func @transform_6(%arg0: i32) -> (i32, i32) {
    %c0_i32 = arith.constant 0 : i32
    %c0_i32_0 = arith.constant 0 : i32
    %c0_i32_1 = arith.constant 0 : i32
    return %c0_i32, %c0_i32_0 : i32, i32
  }
  func.func @transform_7(%arg0: i32) -> (i32, i32) {
    %c0_i32 = arith.constant 0 : i32
    %c0_i32_0 = arith.constant 0 : i32
    %c0_i32_1 = arith.constant 0 : i32
    return %c0_i32, %c0_i32_0 : i32, i32
  }
  func.func @transform_8(%arg0: i32) -> (i32, i32) {
    %c0_i32 = arith.constant 0 : i32
    %c0_i32_0 = arith.constant 0 : i32
    %c0_i32_1 = arith.constant 0 : i32
    return %c0_i32, %c0_i32_0 : i32, i32
  }
  func.func @transform_9(%arg0: i32) -> (i32, i32) {
    %c0_i32 = arith.constant 0 : i32
    %c0_i32_0 = arith.constant 0 : i32
    %c0_i32_1 = arith.constant 0 : i32
    return %c0_i32, %c0_i32_0 : i32, i32
  }
  func.func @transform_10(%arg0: i32) -> (i32, i32) {
    %c0_i32 = arith.constant 0 : i32
    %c0_i32_0 = arith.constant 0 : i32
    return %arg0, %c0_i32 : i32, i32
  }
}

module attributes {stable_mosaic.version = 14 : i64} {
  func.func @_tc_body(%arg0: i32, %arg1: memref<2000x128xf32, #tpu.memory_space<vmem>>, %arg2: memref<2000x128xf32, #tpu.memory_space<vmem>>, %arg3: memref<2000x8xf32, #tpu.memory_space<vmem>>, %arg4: memref<2000x8xf32, #tpu.memory_space<vmem>>, %arg5: memref<2000x128xf32, #tpu.memory_space<vmem>>, %arg6: memref<128x128xf32, #tpu.memory_space<vmem>>, %arg7: memref<1x128xf32, #tpu.memory_space<vmem>>, %arg8: memref<128x128xf32, #tpu.memory_space<vmem>>, %arg9: memref<1x128xf32, #tpu.memory_space<vmem>>, %arg10: memref<1x128xf32, #tpu.memory_space<vmem>>, %arg11: memref<2000x128xf32, #tpu.memory_space<vmem>>) attributes {dimension_semantics = [#tpu.dimension_semantics<arbitrary>], iteration_bounds = array<i64: 5>, scalar_prefetch = 0 : i64, scratch_operands = 0 : i64, tpu.core_type = #tpu.core_type<tc>, window_params = [{transform_indices = @transform_0, window_bounds = array<i64: 2000, 128>}, {transform_indices = @transform_1, window_bounds = array<i64: 2000, 128>}, {transform_indices = @transform_2, window_bounds = array<i64: 2000, 8>}, {transform_indices = @transform_3, window_bounds = array<i64: 2000, 8>}, {transform_indices = @transform_4, window_bounds = array<i64: 2000, 128>}, {pipeline_mode = #tpu.pipeline_mode<synchronous>, transform_indices = @transform_5, window_bounds = array<i64: 128, 128>}, {pipeline_mode = #tpu.pipeline_mode<synchronous>, transform_indices = @transform_6, window_bounds = array<i64: 1, 128>}, {pipeline_mode = #tpu.pipeline_mode<synchronous>, transform_indices = @transform_7, window_bounds = array<i64: 128, 128>}, {pipeline_mode = #tpu.pipeline_mode<synchronous>, transform_indices = @transform_8, window_bounds = array<i64: 1, 128>}, {pipeline_mode = #tpu.pipeline_mode<synchronous>, transform_indices = @transform_9, window_bounds = array<i64: 1, 128>}, {transform_indices = @transform_10, window_bounds = array<i64: 2000, 128>}]} {
    %get3A = arith.constant 0 : index
    %get3A_0 = arith.constant 0 : index
    %get3A_1 = vector.load %arg3[%get3A, %get3A_0] : memref<2000x8xf32, #tpu.memory_space<vmem>>, vector<2000x1xf32>
    %get3A_2 = arith.constant 0 : index
    %get3A_3 = arith.constant 0 : index
    %get3A_4 = vector.load %arg4[%get3A_2, %get3A_3] : memref<2000x8xf32, #tpu.memory_space<vmem>>, vector<2000x1xf32>
    %add3A = arith.addf %get3A_1, %get3A_4 : vector<2000x1xf32>
    %max3A = arith.constant 1.000000e+00 : f32
    %max3A_5 = vector.broadcast %max3A : f32 to vector<2000x1xf32>
    %max3A_6 = arith.maximumf %add3A, %max3A_5 : vector<2000x1xf32>
    %get3A_7 = arith.constant 0 : index
    %get3A_8 = arith.constant 0 : index
    %get3A_9 = vector.load %arg1[%get3A_7, %get3A_8] : memref<2000x128xf32, #tpu.memory_space<vmem>>, vector<2000x128xf32>
    %get3A_10 = arith.constant 0 : index
    %get3A_11 = arith.constant 0 : index
    %get3A_12 = vector.load %arg2[%get3A_10, %get3A_11] : memref<2000x128xf32, #tpu.memory_space<vmem>>, vector<2000x128xf32>
    %add3A_13 = arith.addf %get3A_9, %get3A_12 : vector<2000x128xf32>
    %div3A = vector.broadcast %max3A_6 : vector<2000x1xf32> to vector<2000x128xf32>
    %div3A_14 = arith.divf %add3A_13, %div3A : vector<2000x128xf32>
    %get3A_15 = arith.constant 0 : index
    %get3A_16 = arith.constant 0 : index
    %get3A_17 = vector.load %arg6[%get3A_15, %get3A_16] : memref<128x128xf32, #tpu.memory_space<vmem>>, vector<128x128xf32>
    %dot_general3A = arith.constant dense<0.000000e+00> : vector<2000x128xf32>
    %dot_general3A_18 = tpu.matmul %div3A_14, %get3A_17, %dot_general3A {dimension_numbers = #tpu.dot_dimension_numbers<[1], [0], [0], [1], [0, 0, 1, 1], [], []>, transpose_lhs_hint = false} : vector<2000x128xf32>, vector<128x128xf32>, vector<2000x128xf32> -> vector<2000x128xf32>
    %get3A_19 = arith.constant 0 : index
    %get3A_20 = arith.constant 0 : index
    %get3A_21 = vector.load %arg7[%get3A_19, %get3A_20] : memref<1x128xf32, #tpu.memory_space<vmem>>, vector<1x128xf32>
    %add3A_22 = vector.broadcast %get3A_21 : vector<1x128xf32> to vector<2000x128xf32>
    %add3A_23 = arith.addf %dot_general3A_18, %add3A_22 : vector<2000x128xf32>
    %get3A_24 = arith.constant 0 : index
    %get3A_25 = arith.constant 0 : index
    %get3A_26 = vector.load %arg5[%get3A_24, %get3A_25] : memref<2000x128xf32, #tpu.memory_space<vmem>>, vector<2000x128xf32>
    %get3A_27 = arith.constant 0 : index
    %get3A_28 = arith.constant 0 : index
    %get3A_29 = vector.load %arg8[%get3A_27, %get3A_28] : memref<128x128xf32, #tpu.memory_space<vmem>>, vector<128x128xf32>
    %dot_general3A_30 = arith.constant dense<0.000000e+00> : vector<2000x128xf32>
    %dot_general3A_31 = tpu.matmul %get3A_26, %get3A_29, %dot_general3A_30 {dimension_numbers = #tpu.dot_dimension_numbers<[1], [0], [0], [1], [0, 0, 1, 1], [], []>, transpose_lhs_hint = false} : vector<2000x128xf32>, vector<128x128xf32>, vector<2000x128xf32> -> vector<2000x128xf32>
    %add3A_32 = arith.addf %add3A_23, %dot_general3A_31 : vector<2000x128xf32>
    %reduce_max3A = arith.constant dense<0xFF800000> : vector<2000xf32>
    %reduce_max3A_33 = vector.multi_reduction <maximumf>, %add3A_32, %reduce_max3A [1] : vector<2000x128xf32> to vector<2000xf32>
    %broadcast_in_dim3A = vector.shape_cast %reduce_max3A_33 : vector<2000xf32> to vector<2000x1xf32>
    %sub3A = vector.broadcast %broadcast_in_dim3A : vector<2000x1xf32> to vector<2000x128xf32>
    %sub3A_34 = arith.subf %add3A_32, %sub3A : vector<2000x128xf32>
    %exp3A = math.exp %sub3A_34 : vector<2000x128xf32>
    %reduce_sum3A = arith.constant dense<0.000000e+00> : vector<2000xf32>
    %reduce_sum3A_35 = vector.multi_reduction <add>, %exp3A, %reduce_sum3A [1] : vector<2000x128xf32> to vector<2000xf32>
    %broadcast_in_dim3A_36 = vector.shape_cast %reduce_sum3A_35 : vector<2000xf32> to vector<2000x1xf32>
    %log3A = math.log %broadcast_in_dim3A_36 : vector<2000x1xf32>
    %sub3A_37 = vector.broadcast %log3A : vector<2000x1xf32> to vector<2000x128xf32>
    %sub3A_38 = arith.subf %sub3A_34, %sub3A_37 : vector<2000x128xf32>
    %swap3A = arith.constant 0 : index
    %swap3A_39 = arith.constant 0 : index
    %swap3A_40 = vector.load %arg11[%swap3A, %swap3A_39] : memref<2000x128xf32, #tpu.memory_space<vmem>>, vector<2000x128xf32>
    tpu.vector_store %arg11[%swap3A, %swap3A_39], %sub3A_38 {strides = array<i32>} : memref<2000x128xf32, #tpu.memory_space<vmem>>, vector<2000x128xf32>,
    return
  }
  func.func @transform_0(%arg0: i32) -> (i32, i32) {
    %c0_i32 = arith.constant 0 : i32
    %c0_i32_0 = arith.constant 0 : i32
    return %arg0, %c0_i32 : i32, i32
  }
  func.func @transform_1(%arg0: i32) -> (i32, i32) {
    %c0_i32 = arith.constant 0 : i32
    %c0_i32_0 = arith.constant 0 : i32
    return %arg0, %c0_i32 : i32, i32
  }
  func.func @transform_2(%arg0: i32) -> (i32, i32) {
    %c0_i32 = arith.constant 0 : i32
    %c0_i32_0 = arith.constant 0 : i32
    return %arg0, %c0_i32 : i32, i32
  }
  func.func @transform_3(%arg0: i32) -> (i32, i32) {
    %c0_i32 = arith.constant 0 : i32
    %c0_i32_0 = arith.constant 0 : i32
    return %arg0, %c0_i32 : i32, i32
  }
  func.func @transform_4(%arg0: i32) -> (i32, i32) {
    %c0_i32 = arith.constant 0 : i32
    %c0_i32_0 = arith.constant 0 : i32
    return %arg0, %c0_i32 : i32, i32
  }
  func.func @transform_5(%arg0: i32) -> (i32, i32) {
    %c0_i32 = arith.constant 0 : i32
    %c0_i32_0 = arith.constant 0 : i32
    %c0_i32_1 = arith.constant 0 : i32
    return %c0_i32, %c0_i32_0 : i32, i32
  }
  func.func @transform_6(%arg0: i32) -> (i32, i32) {
    %c0_i32 = arith.constant 0 : i32
    %c0_i32_0 = arith.constant 0 : i32
    %c0_i32_1 = arith.constant 0 : i32
    return %c0_i32, %c0_i32_0 : i32, i32
  }
  func.func @transform_7(%arg0: i32) -> (i32, i32) {
    %c0_i32 = arith.constant 0 : i32
    %c0_i32_0 = arith.constant 0 : i32
    %c0_i32_1 = arith.constant 0 : i32
    return %c0_i32, %c0_i32_0 : i32, i32
  }
  func.func @transform_8(%arg0: i32) -> (i32, i32) {
    %c0_i32 = arith.constant 0 : i32
    %c0_i32_0 = arith.constant 0 : i32
    %c0_i32_1 = arith.constant 0 : i32
    return %c0_i32, %c0_i32_0 : i32, i32
  }
  func.func @transform_9(%arg0: i32) -> (i32, i32) {
    %c0_i32 = arith.constant 0 : i32
    %c0_i32_0 = arith.constant 0 : i32
    %c0_i32_1 = arith.constant 0 : i32
    return %c0_i32, %c0_i32_0 : i32, i32
  }
  func.func @transform_10(%arg0: i32) -> (i32, i32) {
    %c0_i32 = arith.constant 0 : i32
    %c0_i32_0 = arith.constant 0 : i32
    return %arg0, %c0_i32 : i32, i32
  }
}

</mosaic_0001>

<sc_bundles>
// kernel: kernel.11.cloned.1.call-start
scs
__scs_entry_jumppad:
0x0: {  	(pc) =	sbr.rel $0x88, $3  }
0x1: {  	(tag) =	ssettag $0x0;
	lr =	simm.s32 $0x1  }
0x2: {  	[smem:$0x3F92] =	sst lr;
	_ =	strace $0xD0000000  }
0x3: {  	_ = 	snop  }
0x4: {  	_ = 	snop  }
0x5: {  	_ = 	snop  }
0x6: {  	_ = 	snop  }
0x7: {  	_ = 	snop  }
__scs_overlays_trampoline_lowered:
0x8: {  	[smem:$0x3FA1] =	sst s0  }
0x9: {  	[smem:$0x3FA2] =	sst s1  }
0xa: {  	[smem:$0x3FA3] =	sst s2  }
0xb: {  	[smem:$0x3FA4] =	sst s3  }
0xc: {  	[smem:$0x3FA5] =	sst s4  }
0xd: {  	[smem:$0x3FA6] =	sst s5  }
0xe: {  	[smem:$0x3FA7] =	sst s6  }
0xf: {  	[smem:$0x3FA8] =	sst s7  }
0x10: {  	[smem:$0x3FA9] =	sst s8  }
0x11: {  	[smem:$0x3FAA] =	sst s9;
	s0 =	simm.s32 @!p0 $0x0  }
0x12: {  	s1 =	sld [smem:$0x3F90];
	s0 =	simm.s32 @p0 $0x1  }
0x13: {  	[smem:$0x3FAB] =	sst s0;
	s0 =	simm.s32 @!p1 $0x0  }
0x14: {  	s2 =	sld [smem:$0x3F8F];
	s0 =	simm.s32 @p1 $0x1  }
0x15: {  	[smem:$0x3FAC] =	sst s0;
	s0 =	simm.s32 @!p2 $0x0  }
0x16: {  	s3 =	sld [smem:$0x3FDB];
	s0 =	simm.s32 @p2 $0x1  }
0x17: {  	s4 =	simm.s32 $0x1BF5;
	[smem:$0x3FAE] =	sst s0  }
0x18: {  	s0 =	sld [smem:$0x3F91];
	_ =	swait.ge [sflag:s4], $0x0  }
0x19: {  	s7 =	sld [smem:$0x3F92]  }
0x1a: {  	s8 =	sadd.s32 $0xFFFFE003, lr  }
0x1b: {  	s9 =	sadd.s32 $0xFFFFFEF7, lr;
	s5 =	simm.s32 $0xFFFFFFFF;
	p2 =	slt.u32 s8, $0xFFFFF086  }
0x1c: {  	p1 =	slt.u32 s9, $0xF7A;
	s5 =	simm.s32 @!p2 $0x0  }
0x1d: {  	s5 =	simm.s32 @p1 $0x1;
	p0 =	seq.s32 s7, s2  }
0x1e: {  	s7 =	smul.u32 @!p0 $0xF7A, s2;
	p2 =	seq.s32 @!p0 s5, $0x0  }
0x1f: {  	s9 =	smul.u32 $0xF7A, s1;
	s8 =	simm.s32 @!p0 $0x1BF5;
	p2 =	por !p2, p0  }
0x20: {  	[sflag:s8] =	ssyncset.s32 @!p0 $0xFFFFF086;
	s6 =	sadd.s32 @!p0 s3, s7;
	s7 =	simm.s32 @!p0 $0x108  }
0x21: {  	s3 =	sadd.s32 s3, s9;
	s6 =	sadd.s32 @!p0 $0x88, s6;
	s7 =	simm.s32 @p2 $0x1082  }
0x22: {  	[simem:s7], [sflag:s8] =	dma.local @!p0 [hbm:s6], $0xF7A  }
0x23: {  	s9 =	sor.u32 $0xD0000000, s2;
	s6 =	simm.s32 $0x108;
	_ =	swait.ge @!p0 [sflag:s8], $0x0  }
0x24: {  	s3 =	sadd.s32 $0x88, s3;
	s6 =	simm.s32 @!p1 $0x1082;
	[sflag:s4] =	ssyncset.s32 $0xFFFFF086  }
0x25: {  	[simem:s6], [sflag:s4] =	dma.local [hbm:s3], $0xF7A  }
0x26: {  	[smem:$0x3F92] =	sst s1;
	(tag) =	ssettag s2;
	_ =	strace s9  }
0x27: {  	s1 =	sld [smem:$0x3FA2]  }
0x28: {  	s2 =	sld [smem:$0x3FA3]  }
0x29: {  	s4 =	sld [smem:$0x3FA5]  }
0x2a: {  	p0 =	seq.s32 s5, $0x0;
	s5 =	sld [smem:$0x3FA6]  }
0x2b: {  	s6 =	sld [smem:$0x3FA7]  }
0x2c: {  	s7 =	sld [smem:$0x3FA8]  }
0x2d: {  	s3 =	simm.s32 $0x108;
	s8 =	sld [smem:$0x3FA9]  }
0x2e: {  	s3 =	simm.s32 @!p0 $0x1082;
	s9 =	sld [smem:$0x3FAA]  }
0x2f: {  	lr =	sadd.s32 s0, s3;
	s0 =	sld [smem:$0x3FA1]  }
0x30: {  	s3 =	sld [smem:$0x3FA4]  }
0x31: {  	[smem:$0x3FAD] =	sst s10  }
0x32: {  	s10 =	sld [smem:$0x3FAB];
	_ =	sdelay $0x3  }
0x33: {  	p0 =	seq.s32 s10, $0x1;
	s10 =	sld [smem:$0x3FAD];
	_ =	sdelay $0x3  }
0x34: {  	[smem:$0x3FAD] =	sst s10  }
0x35: {  	s10 =	sld [smem:$0x3FAC];
	_ =	sdelay $0x3  }
0x36: {  	p1 =	seq.s32 s10, $0x1;
	s10 =	sld [smem:$0x3FAD];
	_ =	sdelay $0x3  }
0x37: {  	[smem:$0x3FAD] =	sst s10  }
0x38: {  	s10 =	sld [smem:$0x3FAE]  }
0x39: {  	_ = 	snop;
	(pc) =	sbr.ind lr, $3  }
0x3a: {  	_ = 	snop  }
0x3b: {  	_ = 	snop  }
0x3c: {  	p2 =	seq.s32 s10, $0x1;
	s10 =	sld [smem:$0x3FAD]  }
0x3d: {  	_ =	shalt  }
0x3e: {  	_ =	shalt  }
0x3f: {  	_ =	shalt  }
0x40: {  	_ =	shalt  }
0x41: {  	_ =	shalt  }
0x42: {  	_ =	shalt  }
0x43: {  	_ =	shalt  }
0x44: {  	_ =	shalt  }
0x45: {  	_ =	shalt  }
0x46: {  	_ =	shalt  }
0x47: {  	_ =	shalt  }
0x48: {  	_ =	shalt  }
0x49: {  	_ =	shalt  }
0x4a: {  	_ =	shalt  }
0x4b: {  	_ =	shalt  }
0x4c: {  	_ =	shalt  }
0x4d: {  	_ =	shalt  }
0x4e: {  	_ =	shalt  }
0x4f: {  	_ =	shalt  }
0x50: {  	_ =	shalt  }
0x51: {  	_ =	shalt  }
0x52: {  	_ =	shalt  }
0x53: {  	_ =	shalt  }
0x54: {  	_ =	shalt  }
0x55: {  	_ =	shalt  }
0x56: {  	_ =	shalt  }
0x57: {  	_ =	shalt  }
0x58: {  	_ =	shalt  }
0x59: {  	_ =	shalt  }
0x5a: {  	_ =	shalt  }
0x5b: {  	_ =	shalt  }
0x5c: {  	_ =	shalt  }
0x5d: {  	_ =	shalt  }
0x5e: {  	_ =	shalt  }
0x5f: {  	_ =	shalt  }
0x60: {  	_ =	shalt  }
0x61: {  	_ =	shalt  }
0x62: {  	_ =	shalt  }
0x63: {  	_ =	shalt  }
0x64: {  	_ =	shalt  }
0x65: {  	_ =	shalt  }
0x66: {  	_ =	shalt  }
0x67: {  	_ =	shalt  }
0x68: {  	_ =	shalt  }
0x69: {  	_ =	shalt  }
0x6a: {  	_ =	shalt  }
0x6b: {  	_ =	shalt  }
0x6c: {  	_ =	shalt  }
0x6d: {  	_ =	shalt  }
0x6e: {  	_ =	shalt  }
0x6f: {  	_ =	shalt  }
0x70: {  	_ =	shalt  }
0x71: {  	_ =	shalt  }
0x72: {  	_ =	shalt  }
0x73: {  	_ =	shalt  }
0x74: {  	_ =	shalt  }
0x75: {  	_ =	shalt  }
0x76: {  	_ =	shalt  }
0x77: {  	_ =	shalt  }
0x78: {  	_ =	shalt  }
0x79: {  	_ =	shalt  }
0x7a: {  	_ =	shalt  }
0x7b: {  	_ =	shalt  }
0x7c: {  	_ =	shalt  }
0x7d: {  	_ =	shalt  }
0x7e: {  	_ =	shalt  }
0x7f: {  	_ =	shalt  }
0x80: {  	_ =	shalt  }
0x81: {  	_ =	shalt  }
0x82: {  	_ =	shalt  }
0x83: {  	_ =	shalt  }
0x84: {  	_ =	shalt  }
0x85: {  	_ =	shalt  }
0x86: {  	_ =	shalt  }
0x87: {  	_ =	shalt  }
.Lfunc_end0:
.L_simem_size_0:
called_computation.1_lowered:
.L_overlay_start_0:
0x88: {  	s2 =	sld [smem:$0x3FD9]  }
0x89: {  	s3 =	sld [smem:$0x3FFE];
	_ =	sdelay $0x1  }
0x8a: {  	s1 =	srdreg.scid  }
0x8b: {  	s0 =	sand.u32 $0x1, s1  }
0x8c: {  	s16 =	sshll.u32 s0, $0xA;
	s2 =	sadd.s32 s3, s2  }
0x8d: {  	s2 =	sadd.s32 s2, s16  }
0x8e: {  	[smem:$0x3FB9] =	sst s2  }
0x8f: {  	_ = 	snop  }
0x90: {  	(tm) =	ssettm $0x1  }
0x91: {  	s17 =	sld [smem:$0x3FFB];
	_ =	sdelay $0x3  }
0x92: {  	_ =	strace s17  }
0x93: {  	s2 =	sld [smem:$0x3FFC];
	_ =	sdelay $0x3  }
0x94: {  	_ =	strace s2  }
0x95: {  	s2 =	sld [smem:$0x3FFD];
	_ =	sdelay $0x3  }
0x96: {  	_ =	strace s2  }
0x97: {  	_ =	strace $0x8FFFFFFF  }
0x98: {  	s18 =	sld [smem:$0x3FDB];
	_ =	sdelay $0x1  }
0x99: {  	s19 =	simm.s32 $_scs_section_size  }
0x9a: {  	s4 =	simm.s32 $_size__tile_overlayer_lowered;
	s5 =	simm.s32 $_tile_overlayer_lowered  }
0x9b: {  	s22 =	simm.s32 $0x1BFF;
	s21 =	sshll.u32 s5, $0x1;
	s2 =	sadd.s32 s19, s18  }
0x9c: {  	s6 =	simm.s32 $0x0;
	s20 =	sshll.u32 s4, $0x1;
	s4 =	sadd.s32 s21, s2  }
0x9d: {  	[timem:s6], [sflag:s22] =	dma.local [hbm:s4], s20  }
0x9e: {  	_ =	swait.ge [sflag:s22], s20  }
0x9f: {  	s3 =	ssub.s32 $0x0, s20;
	[sflag:s22] =	ssyncset.done $0x0  }
0xa0: {  	[sflag:s22] =	ssyncadd.s32 s3;
	_ =	sdelay $0x1  }
0xa1: {  	s23 =	simm.s32 $0x1B8B  }
0xa2: {  	_ =	swait.ge [sflag:s23], $0x1  }
0xa3: {  	[sflag:s23] =	ssyncset.done $0x0  }
0xa4: {  	s25 =	simm.s32 $0x1B8E;
	s24 =	sld [smem:$0x3FFE];
	[sflag:s23] =	ssyncadd.s32 $0xFFFFFFFF  }
0xa5: {  	s26 =	simm.s32 $execute0_lowered;
	[smem:$0x3FD2] =	sst s25  }
0xa6: {  	s4 =	sshll.u32 s26, $0x1;
	_ =	strace $0x80000049;
	[dreg:$0x1] =	wrdreg $0xFFFFFFFF  }
0xa7: {  	s28 =	simm.s32 $_size_execute0_lowered;
	s2 =	sadd.s32 s2, s4;
	[dreg:$0x0] =	wrdreg $0x0  }
0xa8: {  	s4 =	sshll.u32 s28, $0x1;
	[dreg:$0x2] =	wrdreg s2  }
0xa9: {  	[dreg:$0x3] =	wrdreg s4  }
0xaa: {  	[dreg:$0x4] =	wrdreg $0xC0  }
0xab: {  	_ =	task [dreg:s6], $0x5FFFF  }
0xac: {  	[dreg:$0x1] =	wrdreg $0xFFFFFFFF  }
0xad: {  	[dreg:$0x0] =	wrdreg $0x60  }
0xae: {  	[dreg:$0x2] =	wrdreg s24  }
0xaf: {  	[dreg:$0x3] =	wrdreg $0x78A00  }
0xb0: {  	[dreg:$0x4] =	wrdreg $0x9  }
0xb1: {  	_ =	task.clear_ibuf [dreg:s6], $0x5FFFF;
	_ =	strace $0x90000049  }
0xb2: {  	s29 =	simm.s32 $0x9;
	_ =	strace $0x8000004B  }
0xb3: {  	_ =	swait.ge [sflag:s29], $0x1  }
0xb4: {  	[sflag:s29] =	ssyncadd.s32 $0xFFFFFFFF  }
0xb5: {  	_ =	strace $0x9000004B  }
0xb6: {  	_ =	sfence  }
0xb7: {  	s30 =	sld [smem:$0x0];
	_ =	sdelay $0x2  }
0xb8: {  	s31 =	sshll.u32 s1, $0xD;
	s1 =	sshrl.u32 s1, $0x2  }
0xb9: {  	s3 =	sand.u32 $0x4000, s31;
	s1 =	sadd.s32 s1, s30  }
0xba: {  	s0 =	sor.u32 s3, s0;
	s1 =	sshll.u32 s1, $0x11  }
0xbb: {  	s0 =	sor.u32 s1, s0  }
0xbc: {  	s0 =	sadd.s32 $0x8F2B, s0  }
0xbd: {  	[sflag:s0] =	ssyncadd.remote.s32 $0x1  }
0xbe: {  	_ =	sfence.sel $0xFFFF  }
0xbf: {  	[dreg:$0x0] =	wrdreg $0xFFFFFFFF;
	(pc) =	sbr.abs _section_cstart, $3  }
0xc0: {  	[dreg:$0x1] =	wrdreg $0xFFFFFFFF  }
0xc1: {  	_ =	task.clear_ibuf [dreg:s6], $0x2FFFF;
	_ =	strace $0x9FFFFFFF  }
0xc2: {  	(tm) =	ssettm $0x7FFFFFFF  }
0xc3: {  	_ =	shalt  }
tec
execute0_lowered:
.L_overlay_start_1:
0x0: {  	(tag) =	ssettag $0x1  }
0x1: {  	s8 =	stileid.u32  }
0x2: {  	s5 =	smul.u32 $0x2710, s8  }
0x3: {  	s1 =	srdreg.scid;
	s6 =	smul.u32 $0x280, s8  }
0x4: {  	s0 =	rddreg [dreg:$0x0];
	s1 =	sand.u32 $0x1, s1;
	s8 =	smul.u32 $0x50000, s8  }
0x5: {  	s2 =	rddreg [dreg:$0x1];
	s4 =	smul.u32 $0x27100, s1  }
0x6: {  	s3 =	simm.s32 $0x0;
	s11 =	simm.s32 $0x50;
	s7 =	smul.u32 $0x2800, s1  }
0x7: {  	s12 =	simm.s32 $0x10A0;
	[smem:$0x7FF] =	sst s3;
	s9 =	sadd.s32 $0x17600, s0  }
0x8: {  	s13 =	sshrl.u32 s8, $0x2;
	s5 =	sadd.s32 s5, s4;
	s6 =	sadd.s32 s6, s7  }
0x9: {  	s4 =	sadd.s32 $0x17800, s0;
	s5 =	sshrl.u32 s5, $0x3;
	s6 =	sshll.u32 s6, $0x4  }
0xa: {  	s5 =	sadd.s32 s5, s0;
	s0 =	sadd.s32 s6, s0;
	s6 =	sadd.s32 s13, s2  }
0xb: {  	_ =	strace $0x8000004A;
	[dreg:$0x3] =	wrdreg s9;
	s7 =	sadd.s32 $0x1000, s6  }
0xc: {  	s1 =	ssub.s32 $0x2, s1;
	s15 =	sadd.s32 $0x2000, s6;
	[dreg:$0x4] =	wrdreg s7  }
0xd: {  	s9 =	simm.s32 $0x1050;
	s16 =	sadd.s32 $0x3000, s6;
	[dreg:$0x5] =	wrdreg s15  }
0xe: {  	s14 =	sshrl.u32 s1, $0x1;
	s17 =	sadd.s32 $0x5000, s6;
	[dreg:$0x6] =	wrdreg s16  }
0xf: {  	s8 =	simm.s32 $0x1000;
	s18 =	sadd.s32 $0x6000, s6;
	[dreg:$0x7] =	wrdreg s17  }
0x10: {  	s1 =	ssub.s32 s1, s14;
	s19 =	sadd.s32 $0x7000, s6;
	[dreg:$0x8] =	wrdreg s18  }
0x11: {  	s13 =	simm.s32 $0x1;
	s20 =	sadd.s32 $0x9000, s6;
	[dreg:$0x9] =	wrdreg s19  }
0x12: {  	s10 =	sadd.s32 $0x4000, s6;
	s21 =	sadd.s32 $0xA000, s6;
	[dreg:$0xa] =	wrdreg s20  }
0x13: {  	s14 =	sadd.s32 $0x8000, s6;
	s22 =	sadd.s32 $0xB000, s6;
	[dreg:$0xb] =	wrdreg s21  }
0x14: {  	s23 =	sadd.s32 $0x3EA00, s0;
	s24 =	sadd.s32 $0x3F200, s0;
	[dreg:$0xc] =	wrdreg s22  }
0x15: {  	s25 =	sadd.s32 $0x3FA00, s0;
	s26 =	sadd.s32 $0x40200, s0;
	[dreg:$0xd] =	wrdreg s23  }
0x16: {  	s28 =	sadd.s32 $0xD000, s6;
	s29 =	sadd.s32 $0xE000, s6;
	[dreg:$0xe] =	wrdreg s24  }
0x17: {  	s30 =	sadd.s32 $0xF000, s6;
	s31 =	sadd.s32 $0x10000, s6;
	[dreg:$0xf] =	wrdreg s25  }
0x18: {  	[dreg:$0x10] =	wrdreg s26;
	s22 =	sadd.s32 $0x40A00, s0;
	s23 =	smax.u32 s1, $0x1  }
0x19: {  	s24 =	sadd.s32 $0x3800, s5;
	s25 =	sadd.s32 $0xD600, s5;
	s26 =	sadd.s32 $0xC000, s6  }
0x1a: {  	s0 =	sadd.s32 $0x11000, s6;
	s1 =	sadd.s32 $0x12000, s6;
	s5 =	sadd.s32 $0x13000, s6  }
0x1b: {  	s7 =	simm.s32 $0x2;
	s15 =	simm.s32 $0x38A0;
	s16 =	simm.s32 $0x0  }
.LBB2_1:
0x1c: {  	s17 =	rddreg [dreg:$0x3]  }
0x1d: {  	[tilespmem:s3], [sflag:$0x2] =	stream.linear.gather [hbm4b:s17+s3], $0x1000, $0x38;
	[tilespmem:$0x1B8A0] =	vst v63  }
0x1e: {  	_ =	swait.ge [sflag:s7], $0x1000  }
0x1f: {  	[sflag:s7] =	ssyncset.done $0x0  }
0x20: {  	[sflag:s7] =	ssyncadd.s32 $0xFFFFF000  }
0x21: {  	[spmem:s6] =	stream.linear.scatter [tilespmem:s3], [sflag:$0x2], $0x1000, $0x38;
	[tilespmem:$0x1B8A0] =	vst v63  }
0x22: {  	_ =	swait.ge [sflag:s7], $0x1000  }
0x23: {  	[sflag:s7] =	ssyncset.done $0x0  }
0x24: {  	s19 =	rddreg [dreg:$0x4];
	[sflag:s7] =	ssyncadd.s32 $0xFFFFF000  }
0x25: {  	[spmem:s19] =	stream.linear.scatter [tilespmem:s3], [sflag:$0x2], $0x1000, $0x38;
	[tilespmem:$0x1B8A0] =	vst v63  }
0x26: {  	_ =	swait.ge [sflag:s7], $0x1000  }
0x27: {  	[sflag:s7] =	ssyncset.done $0x0  }
0x28: {  	s20 =	rddreg [dreg:$0x5];
	[sflag:s7] =	ssyncadd.s32 $0xFFFFF000  }
0x29: {  	[spmem:s20] =	stream.linear.scatter [tilespmem:s3], [sflag:$0x2], $0x1000, $0x38;
	[tilespmem:$0x1B8A0] =	vst v63  }
0x2a: {  	_ =	swait.ge [sflag:s7], $0x1000  }
0x2b: {  	[sflag:s7] =	ssyncset.done $0x0  }
0x2c: {  	s21 =	rddreg [dreg:$0x6];
	[sflag:s7] =	ssyncadd.s32 $0xFFFFF000  }
0x2d: {  	[spmem:s21] =	stream.linear.scatter [tilespmem:s3], [sflag:$0x2], $0x1000, $0x38;
	[tilespmem:$0x1B8A0] =	vst v63  }
0x2e: {  	_ =	swait.ge [sflag:s7], $0x1000  }
0x2f: {  	[sflag:s7] =	ssyncset.done $0x0  }
0x30: {  	[sflag:s7] =	ssyncadd.s32 $0xFFFFF000  }
0x31: {  	[spmem:s10] =	stream.linear.scatter [tilespmem:s3], [sflag:$0x2], $0x1000, $0x38;
	[tilespmem:$0x1B8A0] =	vst v63  }
0x32: {  	_ =	swait.ge [sflag:s7], $0x1000  }
0x33: {  	[sflag:s7] =	ssyncset.done $0x0  }
0x34: {  	s18 =	rddreg [dreg:$0x7];
	[sflag:s7] =	ssyncadd.s32 $0xFFFFF000  }
0x35: {  	[spmem:s18] =	stream.linear.scatter [tilespmem:s3], [sflag:$0x2], $0x1000, $0x38;
	[tilespmem:$0x1B8A0] =	vst v63  }
0x36: {  	_ =	swait.ge [sflag:s7], $0x1000  }
0x37: {  	[sflag:s7] =	ssyncset.done $0x0  }
0x38: {  	s19 =	rddreg [dreg:$0x8];
	[sflag:s7] =	ssyncadd.s32 $0xFFFFF000  }
0x39: {  	[spmem:s19] =	stream.linear.scatter [tilespmem:s3], [sflag:$0x2], $0x1000, $0x38;
	[tilespmem:$0x1B8A0] =	vst v63  }
0x3a: {  	_ =	swait.ge [sflag:s7], $0x1000  }
0x3b: {  	[sflag:s7] =	ssyncset.done $0x0  }
0x3c: {  	s20 =	rddreg [dreg:$0x9];
	[sflag:s7] =	ssyncadd.s32 $0xFFFFF000  }
0x3d: {  	[spmem:s20] =	stream.linear.scatter [tilespmem:s3], [sflag:$0x2], $0x1000, $0x38;
	[tilespmem:$0x1B8A0] =	vst v63  }
0x3e: {  	_ =	swait.ge [sflag:s7], $0x1000  }
0x3f: {  	[sflag:s7] =	ssyncset.done $0x0  }
0x40: {  	[sflag:s7] =	ssyncadd.s32 $0xFFFFF000  }
0x41: {  	[spmem:s14] =	stream.linear.scatter [tilespmem:s3], [sflag:$0x2], $0x1000, $0x38;
	[tilespmem:$0x1B8A0] =	vst v63  }
0x42: {  	_ =	swait.ge [sflag:s7], $0x1000  }
0x43: {  	[sflag:s7] =	ssyncset.done $0x0  }
0x44: {  	s21 =	rddreg [dreg:$0xa];
	[sflag:s7] =	ssyncadd.s32 $0xFFFFF000  }
0x45: {  	[spmem:s21] =	stream.linear.scatter [tilespmem:s3], [sflag:$0x2], $0x1000, $0x38;
	[tilespmem:$0x1B8A0] =	vst v63  }
0x46: {  	_ =	swait.ge [sflag:s7], $0x1000  }
0x47: {  	[sflag:s7] =	ssyncset.done $0x0  }
0x48: {  	s18 =	rddreg [dreg:$0xb];
	[sflag:s7] =	ssyncadd.s32 $0xFFFFF000  }
0x49: {  	[spmem:s18] =	stream.linear.scatter [tilespmem:s3], [sflag:$0x2], $0x1000, $0x38;
	[tilespmem:$0x1B8A0] =	vst v63  }
0x4a: {  	_ =	swait.ge [sflag:s7], $0x1000  }
0x4b: {  	[sflag:s7] =	ssyncset.done $0x0  }
0x4c: {  	s19 =	rddreg [dreg:$0xc];
	[sflag:s7] =	ssyncadd.s32 $0xFFFFF000  }
0x4d: {  	[spmem:s19] =	stream.linear.scatter [tilespmem:s3], [sflag:$0x2], $0x1000, $0x38;
	[tilespmem:$0x1B8A0] =	vst v63  }
0x4e: {  	_ =	swait.ge [sflag:s7], $0x1000  }
0x4f: {  	[sflag:s7] =	ssyncset.done $0x0  }
0x50: {  	[sflag:s7] =	ssyncadd.s32 $0xFFFFF000  }
0x51: {  	[spmem:s26] =	stream.linear.scatter [tilespmem:s3], [sflag:$0x2], $0x1000, $0x38;
	[tilespmem:$0x1B8A0] =	vst v63  }
0x52: {  	_ =	swait.ge [sflag:s7], $0x1000  }
0x53: {  	[sflag:s7] =	ssyncset.done $0x0  }
0x54: {  	[sflag:s7] =	ssyncadd.s32 $0xFFFFF000  }
0x55: {  	[spmem:s28] =	stream.linear.scatter [tilespmem:s3], [sflag:$0x2], $0x1000, $0x38;
	[tilespmem:$0x1B8A0] =	vst v63  }
0x56: {  	_ =	swait.ge [sflag:s7], $0x1000  }
0x57: {  	[sflag:s7] =	ssyncset.done $0x0  }
0x58: {  	[sflag:s7] =	ssyncadd.s32 $0xFFFFF000  }
0x59: {  	[spmem:s29] =	stream.linear.scatter [tilespmem:s3], [sflag:$0x2], $0x1000, $0x38;
	[tilespmem:$0x1B8A0] =	vst v63  }
0x5a: {  	_ =	swait.ge [sflag:s7], $0x1000  }
0x5b: {  	[sflag:s7] =	ssyncset.done $0x0  }
0x5c: {  	[sflag:s7] =	ssyncadd.s32 $0xFFFFF000  }
0x5d: {  	[spmem:s30] =	stream.linear.scatter [tilespmem:s3], [sflag:$0x2], $0x1000, $0x38;
	[tilespmem:$0x1B8A0] =	vst v63  }
0x5e: {  	_ =	swait.ge [sflag:s7], $0x1000  }
0x5f: {  	[sflag:s7] =	ssyncset.done $0x0  }
0x60: {  	[sflag:s7] =	ssyncadd.s32 $0xFFFFF000  }
0x61: {  	[spmem:s31] =	stream.linear.scatter [tilespmem:s3], [sflag:$0x2], $0x1000, $0x38;
	[tilespmem:$0x1B8A0] =	vst v63  }
0x62: {  	_ =	swait.ge [sflag:s7], $0x1000  }
0x63: {  	[sflag:s7] =	ssyncset.done $0x0  }
0x64: {  	[sflag:s7] =	ssyncadd.s32 $0xFFFFF000  }
0x65: {  	[spmem:s0] =	stream.linear.scatter [tilespmem:s3], [sflag:$0x2], $0x1000, $0x38;
	[tilespmem:$0x1B8A0] =	vst v63  }
0x66: {  	_ =	swait.ge [sflag:s7], $0x1000  }
0x67: {  	[sflag:s7] =	ssyncset.done $0x0  }
0x68: {  	[sflag:s7] =	ssyncadd.s32 $0xFFFFF000  }
0x69: {  	[spmem:s1] =	stream.linear.scatter [tilespmem:s3], [sflag:$0x2], $0x1000, $0x38;
	[tilespmem:$0x1B8A0] =	vst v63  }
0x6a: {  	_ =	swait.ge [sflag:s7], $0x1000  }
0x6b: {  	[sflag:s7] =	ssyncset.done $0x0  }
0x6c: {  	[sflag:s7] =	ssyncadd.s32 $0xFFFFF000  }
0x6d: {  	[spmem:s5] =	stream.linear.scatter [tilespmem:s3], [sflag:$0x2], $0x1000, $0x38;
	[tilespmem:$0x1B8A0] =	vst v63  }
0x6e: {  	_ =	swait.ge [sflag:s7], $0x1000  }
0x6f: {  	[sflag:s7] =	ssyncset.done $0x0  }
0x70: {  	[sflag:s7] =	ssyncadd.s32 $0xFFFFF000  }
0x71: {  	s20 =	sadd.s32 $0x0, s25;
	[bflag:$0x0] =	sbarrier.arrive $0xFFFF  }
0x72: {  	[tilespmem:s8], [sflag:$0x2] =	stream.linear.gather [hbm4b:s20+s3], $0x50, $0x38;
	[tilespmem:$0x1B8A0] =	vst v63  }
0x73: {  	_ =	swait.ge [sflag:s7], $0x50  }
0x74: {  	[sflag:s7] =	ssyncset.done $0x0  }
0x75: {  	s21 =	sadd.s32 $0x0, s24;
	[sflag:s7] =	ssyncadd.s32 $0xFFFFFFB0  }
0x76: {  	[tilespmem:s9], [sflag:$0x2] =	stream.linear.gather [hbm4b:s21+s3], $0x50, $0x38;
	[tilespmem:$0x1B8A0] =	vst v63  }
0x77: {  	_ =	swait.ge [sflag:s7], $0x50  }
0x78: {  	[sflag:s7] =	ssyncset.done $0x0  }
0x79: {  	[sflag:s7] =	ssyncadd.s32 $0xFFFFFFB0  }
0x7a: {  	[tilespmem:s12], [sflag:$0x1] =	stream.indirect.gather [hbm4b:s4+s11], $0x80, s8, s11, $0xb8;
	[tilespmem:$0x1B8A0] =	vst v63  }
0x7b: {  	_ =	swait.ge [sflag:s13], $0x2800  }
0x7c: {  	[sflag:s13] =	ssyncset.done $0x0  }
0x7d: {  	[sflag:s13] =	ssyncadd.s32 $0xFFFFD800  }
0x7e: {  	[spmem:s2] =	stream.indirect.scatter.add.f32 [tilespmem:s12], [sflag:$0x2], $0x80, s9, s11, $0xb8;
	[tilespmem:$0x1B8A0] =	vst v63  }
0x7f: {  	_ =	swait.ge [sflag:s7], $0x2800  }
0x80: {  	s17 =	simm.s32 $0xA;
	s18 =	simm.s32 $0x14;
	[sflag:s7] =	ssyncset.done $0x0  }
.LBB2_2:
0x81: {  	s19 =	sadd.s32 s17, s25  }
0x82: {  	[sflag:s7] =	ssyncadd.s32 $0xFFFFD800;
	s20 =	smov.u32 s18;
	s21 =	sadd.s32 $0xA, s18  }
0x83: {  	[tilespmem:s8], [sflag:$0x2] =	stream.linear.gather [hbm4b:s19+s3], $0x50, $0x38;
	[tilespmem:$0x1B8A0] =	vst v63  }
0x84: {  	p0 =	sne.s32 s18, $0x4D8;
	_ =	swait.ge [sflag:s7], $0x50  }
0x85: {  	[sflag:s7] =	ssyncset.done $0x0  }
0x86: {  	s18 =	sadd.s32 s17, s24;
	s17 =	smov.u32 s20;
	[sflag:s7] =	ssyncadd.s32 $0xFFFFFFB0  }
0x87: {  	[tilespmem:s9], [sflag:$0x2] =	stream.linear.gather [hbm4b:s18+s3], $0x50, $0x38;
	[tilespmem:$0x1B8A0] =	vst v63  }
0x88: {  	_ =	swait.ge [sflag:s7], $0x50  }
0x89: {  	[sflag:s7] =	ssyncset.done $0x0  }
0x8a: {  	[sflag:s7] =	ssyncadd.s32 $0xFFFFFFB0  }
0x8b: {  	[tilespmem:s12], [sflag:$0x1] =	stream.indirect.gather [hbm4b:s4+s11], $0x80, s8, s11, $0xb8;
	[tilespmem:$0x1B8A0] =	vst v63  }
0x8c: {  	_ =	swait.ge [sflag:s13], $0x2800  }
.Ltmp0:
0x8d: {  	[sflag:s13] =	ssyncset.done $0x0;
	(pc) =	sbr.rel @p0 .LBB2_2-.Ltmp0, $4  }
0x8e: {  	[sflag:s13] =	ssyncadd.s32 $0xFFFFD800  }
0x8f: {  	[spmem:s2] =	stream.indirect.scatter.add.f32 [tilespmem:s12], [sflag:$0x2], $0x80, s9, s11, $0xb8;
	[tilespmem:$0x1B8A0] =	vst v63  }
0x90: {  	_ =	swait.ge [sflag:s7], $0x2800  }
0x91: {  	s18 =	smov.u32 s21;
	[sflag:s7] =	ssyncset.done $0x0  }
0x92: {  	s18 =	sadd.s32 s17, s25;
	[sflag:s7] =	ssyncadd.s32 $0xFFFFD800  }
0x93: {  	[tilespmem:s8], [sflag:$0x2] =	stream.linear.gather [hbm4b:s18+s3], $0x50, $0x38;
	[tilespmem:$0x1B8A0] =	vst v63  }
0x94: {  	_ =	swait.ge [sflag:s7], $0x50  }
0x95: {  	[sflag:s7] =	ssyncset.done $0x0  }
0x96: {  	s21 =	sadd.s32 s17, s24;
	[sflag:s7] =	ssyncadd.s32 $0xFFFFFFB0  }
0x97: {  	[tilespmem:s9], [sflag:$0x2] =	stream.linear.gather [hbm4b:s21+s3], $0x50, $0x38;
	[tilespmem:$0x1B8A0] =	vst v63  }
0x98: {  	_ =	swait.ge [sflag:s7], $0x50  }
0x99: {  	[sflag:s7] =	ssyncset.done $0x0  }
0x9a: {  	[sflag:s7] =	ssyncadd.s32 $0xFFFFFFB0  }
0x9b: {  	[tilespmem:s12], [sflag:$0x1] =	stream.indirect.gather [hbm4b:s4+s11], $0x80, s8, s11, $0xb8;
	[tilespmem:$0x1B8A0] =	vst v63  }
0x9c: {  	_ =	swait.ge [sflag:s13], $0x2800  }
0x9d: {  	[sflag:s13] =	ssyncset.done $0x0  }
0x9e: {  	[sflag:s13] =	ssyncadd.s32 $0xFFFFD800  }
0x9f: {  	[spmem:s2] =	stream.indirect.scatter.add.f32 [tilespmem:s12], [sflag:$0x2], $0x80, s9, s11, $0xb8;
	[tilespmem:$0x1B8A0] =	vst v63  }
0xa0: {  	_ =	swait.ge [sflag:s7], $0x2800  }
0xa1: {  	[sflag:s7] =	ssyncset.done $0x0  }
0xa2: {  	[sflag:s7] =	ssyncadd.s32 $0xFFFFD800  }
0xa3: {  	[bflag:$0x0] =	sbarrier.arrive $0xFFFF  }
0xa4: {  	[tilespmem:s15], [sflag:$0x2] =	stream.linear.gather [spmem:s6], $0x4000, $0x38;
	[tilespmem:$0x1B8A0] =	vst v63  }
0xa5: {  	_ =	swait.ge [sflag:s7], $0x4000  }
0xa6: {  	[sflag:s7] =	ssyncset.done $0x0  }
0xa7: {  	s18 =	rddreg [dreg:$0xd];
	[sflag:s7] =	ssyncadd.s32 $0xFFFFC000  }
0xa8: {  	[hbm4b:s18+s3] =	stream.linear.scatter [tilespmem:s15], [sflag:$0x2], $0x4000, $0x38;
	[tilespmem:$0x1B8A0] =	vst v63  }
0xa9: {  	_ =	swait.ge [sflag:s7], $0x4000  }
0xaa: {  	[sflag:s7] =	ssyncset.done $0x0  }
0xab: {  	[sflag:s7] =	ssyncadd.s32 $0xFFFFC000  }
0xac: {  	[tilespmem:s15], [sflag:$0x2] =	stream.linear.gather [spmem:s10], $0x4000, $0x38;
	[tilespmem:$0x1B8A0] =	vst v63  }
0xad: {  	_ =	swait.ge [sflag:s7], $0x4000  }
0xae: {  	[sflag:s7] =	ssyncset.done $0x0  }
0xaf: {  	s19 =	rddreg [dreg:$0xe];
	[sflag:s7] =	ssyncadd.s32 $0xFFFFC000  }
0xb0: {  	[hbm4b:s19+s3] =	stream.linear.scatter [tilespmem:s15], [sflag:$0x2], $0x4000, $0x38;
	[tilespmem:$0x1B8A0] =	vst v63  }
0xb1: {  	_ =	swait.ge [sflag:s7], $0x4000  }
0xb2: {  	[sflag:s7] =	ssyncset.done $0x0  }
0xb3: {  	[sflag:s7] =	ssyncadd.s32 $0xFFFFC000  }
0xb4: {  	[tilespmem:s15], [sflag:$0x2] =	stream.linear.gather [spmem:s14], $0x4000, $0x38;
	[tilespmem:$0x1B8A0] =	vst v63  }
0xb5: {  	_ =	swait.ge [sflag:s7], $0x4000  }
0xb6: {  	[sflag:s7] =	ssyncset.done $0x0  }
0xb7: {  	s20 =	rddreg [dreg:$0xf];
	[sflag:s7] =	ssyncadd.s32 $0xFFFFC000  }
0xb8: {  	[hbm4b:s20+s3] =	stream.linear.scatter [tilespmem:s15], [sflag:$0x2], $0x4000, $0x38;
	[tilespmem:$0x1B8A0] =	vst v63  }
0xb9: {  	_ =	swait.ge [sflag:s7], $0x4000  }
0xba: {  	[sflag:s7] =	ssyncset.done $0x0  }
0xbb: {  	[sflag:s7] =	ssyncadd.s32 $0xFFFFC000  }
0xbc: {  	[tilespmem:s15], [sflag:$0x2] =	stream.linear.gather [spmem:s26], $0x4000, $0x38;
	[tilespmem:$0x1B8A0] =	vst v63  }
0xbd: {  	_ =	swait.ge [sflag:s7], $0x4000  }
0xbe: {  	[sflag:s7] =	ssyncset.done $0x0  }
0xbf: {  	s21 =	rddreg [dreg:$0x10];
	[sflag:s7] =	ssyncadd.s32 $0xFFFFC000  }
0xc0: {  	[hbm4b:s21+s3] =	stream.linear.scatter [tilespmem:s15], [sflag:$0x2], $0x4000, $0x38;
	[tilespmem:$0x1B8A0] =	vst v63  }
0xc1: {  	_ =	swait.ge [sflag:s7], $0x4000  }
0xc2: {  	[sflag:s7] =	ssyncset.done $0x0  }
0xc3: {  	[sflag:s7] =	ssyncadd.s32 $0xFFFFC000  }
0xc4: {  	[tilespmem:s15], [sflag:$0x2] =	stream.linear.gather [spmem:s31], $0x4000, $0x38;
	[tilespmem:$0x1B8A0] =	vst v63  }
0xc5: {  	s16 =	sadd.s32 $0x1, s16;
	_ =	swait.ge [sflag:s7], $0x4000  }
0xc6: {  	p0 =	sne.s32 s16, s23;
	[sflag:s7] =	ssyncset.done $0x0  }
.Ltmp1:
0xc7: {  	[sflag:s7] =	ssyncadd.s32 $0xFFFFC000;
	(pc) =	sbr.rel @p0 .LBB2_1-.Ltmp1, $4  }
0xc8: {  	[hbm4b:s22+s3] =	stream.linear.scatter [tilespmem:s15], [sflag:$0x2], $0x4000, $0x38;
	[tilespmem:$0x1B8A0] =	vst v63  }
0xc9: {  	_ =	swait.ge [sflag:s7], $0x4000  }
0xca: {  	[sflag:s7] =	ssyncset.done $0x0  }
0xcb: {  	[sflag:s7] =	ssyncadd.s32 $0xFFFFC000  }
0xcc: {  	_ =	sfence.sel $0x180000  }
0xcd: {  	[bflag:$0x0] =	sbarrier.arrive $0xFFFF  }
0xce: {  	_ =	strace $0x9000004A  }
0xcf: {  	s0 =	stileid.u32;
	[bflag:$0x2] =	sbarrier.arrive $0xFFFF  }
0xd0: {  	p0 =	sne.s32 s0, $0x0;
	s0 =	rddreg [dreg:$0x2]  }
0xd1: {  	s0 =	sadd.s32 @!p0 $0x100000, s0  }
0xd2: {  	[sflag:s0] =	ssyncadd.tile.s32 @!p0 $0x1;
	_ =	shalt  }
.Lfunc_end2:
_tile_overlayer_lowered:
.L_overlay_start_2:
0xd3: {  	(tag) =	ssettag $0x2  }
0xd4: {  	s0 =	rddreg [dreg:$0x0];
	s2 =	stileid.u32  }
0xd5: {  	s1 =	rddreg [dreg:$0x1];
	p0 =	sne.s32 s2, $0x0  }
0xd6: {  	s3 =	rddreg [dreg:$0x2];
	[bflag:$0x3] =	sbarrier.arrive $0xFFFF;
	s2 =	simm.s32 @!p0 $0x1C02  }
0xd7: {  	[timem:s3], [sflag:s2] =	dma.local @!p0 [hbm:s0], s1  }
0xd8: {  	s0 =	simm.s32 @!p0 $0x2  }
0xd9: {  	_ =	swait.ge @!p0 [sflag:s0], s1  }
0xda: {  	s1 =	ssub.s32 @!p0 $0x0, s1;
	[sflag:s0] =	ssyncset.done @!p0 $0x0  }
0xdb: {  	[sflag:s0] =	ssyncadd.s32 @!p0 s1  }
0xdc: {  	[bflag:$0x3] =	sbarrier.arrive $0xFFFF  }
0xdd: {  	_ =	shalt  }

// kernel: kernel.14.cloned.1.call-start
scs
__scs_entry_jumppad:
0x0: {  	(pc) =	sbr.rel $0x88, $3  }
0x1: {  	(tag) =	ssettag $0x0;
	lr =	simm.s32 $0x1  }
0x2: {  	[smem:$0x3F92] =	sst lr;
	_ =	strace $0xD0000000  }
0x3: {  	_ = 	snop  }
0x4: {  	_ = 	snop  }
0x5: {  	_ = 	snop  }
0x6: {  	_ = 	snop  }
0x7: {  	_ = 	snop  }
__scs_overlays_trampoline_lowered:
0x8: {  	[smem:$0x3FA1] =	sst s0  }
0x9: {  	[smem:$0x3FA2] =	sst s1  }
0xa: {  	[smem:$0x3FA3] =	sst s2  }
0xb: {  	[smem:$0x3FA4] =	sst s3  }
0xc: {  	[smem:$0x3FA5] =	sst s4  }
0xd: {  	[smem:$0x3FA6] =	sst s5  }
0xe: {  	[smem:$0x3FA7] =	sst s6  }
0xf: {  	[smem:$0x3FA8] =	sst s7  }
0x10: {  	[smem:$0x3FA9] =	sst s8  }
0x11: {  	[smem:$0x3FAA] =	sst s9;
	s0 =	simm.s32 @!p0 $0x0  }
0x12: {  	s1 =	sld [smem:$0x3F90];
	s0 =	simm.s32 @p0 $0x1  }
0x13: {  	[smem:$0x3FAB] =	sst s0;
	s0 =	simm.s32 @!p1 $0x0  }
0x14: {  	s2 =	sld [smem:$0x3F8F];
	s0 =	simm.s32 @p1 $0x1  }
0x15: {  	[smem:$0x3FAC] =	sst s0;
	s0 =	simm.s32 @!p2 $0x0  }
0x16: {  	s3 =	sld [smem:$0x3FDB];
	s0 =	simm.s32 @p2 $0x1  }
0x17: {  	s4 =	simm.s32 $0x1BF5;
	[smem:$0x3FAE] =	sst s0  }
0x18: {  	s0 =	sld [smem:$0x3F91];
	_ =	swait.ge [sflag:s4], $0x0  }
0x19: {  	s7 =	sld [smem:$0x3F92]  }
0x1a: {  	s8 =	sadd.s32 $0xFFFFE003, lr  }
0x1b: {  	s9 =	sadd.s32 $0xFFFFFEF7, lr;
	s5 =	simm.s32 $0xFFFFFFFF;
	p2 =	slt.u32 s8, $0xFFFFF086  }
0x1c: {  	p1 =	slt.u32 s9, $0xF7A;
	s5 =	simm.s32 @!p2 $0x0  }
0x1d: {  	s5 =	simm.s32 @p1 $0x1;
	p0 =	seq.s32 s7, s2  }
0x1e: {  	s7 =	smul.u32 @!p0 $0xF7A, s2;
	p2 =	seq.s32 @!p0 s5, $0x0  }
0x1f: {  	s9 =	smul.u32 $0xF7A, s1;
	s8 =	simm.s32 @!p0 $0x1BF5;
	p2 =	por !p2, p0  }
0x20: {  	[sflag:s8] =	ssyncset.s32 @!p0 $0xFFFFF086;
	s6 =	sadd.s32 @!p0 s3, s7;
	s7 =	simm.s32 @!p0 $0x108  }
0x21: {  	s3 =	sadd.s32 s3, s9;
	s6 =	sadd.s32 @!p0 $0x88, s6;
	s7 =	simm.s32 @p2 $0x1082  }
0x22: {  	[simem:s7], [sflag:s8] =	dma.local @!p0 [hbm:s6], $0xF7A  }
0x23: {  	s9 =	sor.u32 $0xD0000000, s2;
	s6 =	simm.s32 $0x108;
	_ =	swait.ge @!p0 [sflag:s8], $0x0  }
0x24: {  	s3 =	sadd.s32 $0x88, s3;
	s6 =	simm.s32 @!p1 $0x1082;
	[sflag:s4] =	ssyncset.s32 $0xFFFFF086  }
0x25: {  	[simem:s6], [sflag:s4] =	dma.local [hbm:s3], $0xF7A  }
0x26: {  	[smem:$0x3F92] =	sst s1;
	(tag) =	ssettag s2;
	_ =	strace s9  }
0x27: {  	s1 =	sld [smem:$0x3FA2]  }
0x28: {  	s2 =	sld [smem:$0x3FA3]  }
0x29: {  	s4 =	sld [smem:$0x3FA5]  }
0x2a: {  	p0 =	seq.s32 s5, $0x0;
	s5 =	sld [smem:$0x3FA6]  }
0x2b: {  	s6 =	sld [smem:$0x3FA7]  }
0x2c: {  	s7 =	sld [smem:$0x3FA8]  }
0x2d: {  	s3 =	simm.s32 $0x108;
	s8 =	sld [smem:$0x3FA9]  }
0x2e: {  	s3 =	simm.s32 @!p0 $0x1082;
	s9 =	sld [smem:$0x3FAA]  }
0x2f: {  	lr =	sadd.s32 s0, s3;
	s0 =	sld [smem:$0x3FA1]  }
0x30: {  	s3 =	sld [smem:$0x3FA4]  }
0x31: {  	[smem:$0x3FAD] =	sst s10  }
0x32: {  	s10 =	sld [smem:$0x3FAB];
	_ =	sdelay $0x3  }
0x33: {  	p0 =	seq.s32 s10, $0x1;
	s10 =	sld [smem:$0x3FAD];
	_ =	sdelay $0x3  }
0x34: {  	[smem:$0x3FAD] =	sst s10  }
0x35: {  	s10 =	sld [smem:$0x3FAC];
	_ =	sdelay $0x3  }
0x36: {  	p1 =	seq.s32 s10, $0x1;
	s10 =	sld [smem:$0x3FAD];
	_ =	sdelay $0x3  }
0x37: {  	[smem:$0x3FAD] =	sst s10  }
0x38: {  	s10 =	sld [smem:$0x3FAE]  }
0x39: {  	_ = 	snop;
	(pc) =	sbr.ind lr, $3  }
0x3a: {  	_ = 	snop  }
0x3b: {  	_ = 	snop  }
0x3c: {  	p2 =	seq.s32 s10, $0x1;
	s10 =	sld [smem:$0x3FAD]  }
0x3d: {  	_ =	shalt  }
0x3e: {  	_ =	shalt  }
0x3f: {  	_ =	shalt  }
0x40: {  	_ =	shalt  }
0x41: {  	_ =	shalt  }
0x42: {  	_ =	shalt  }
0x43: {  	_ =	shalt  }
0x44: {  	_ =	shalt  }
0x45: {  	_ =	shalt  }
0x46: {  	_ =	shalt  }
0x47: {  	_ =	shalt  }
0x48: {  	_ =	shalt  }
0x49: {  	_ =	shalt  }
0x4a: {  	_ =	shalt  }
0x4b: {  	_ =	shalt  }
0x4c: {  	_ =	shalt  }
0x4d: {  	_ =	shalt  }
0x4e: {  	_ =	shalt  }
0x4f: {  	_ =	shalt  }
0x50: {  	_ =	shalt  }
0x51: {  	_ =	shalt  }
0x52: {  	_ =	shalt  }
0x53: {  	_ =	shalt  }
0x54: {  	_ =	shalt  }
0x55: {  	_ =	shalt  }
0x56: {  	_ =	shalt  }
0x57: {  	_ =	shalt  }
0x58: {  	_ =	shalt  }
0x59: {  	_ =	shalt  }
0x5a: {  	_ =	shalt  }
0x5b: {  	_ =	shalt  }
0x5c: {  	_ =	shalt  }
0x5d: {  	_ =	shalt  }
0x5e: {  	_ =	shalt  }
0x5f: {  	_ =	shalt  }
0x60: {  	_ =	shalt  }
0x61: {  	_ =	shalt  }
0x62: {  	_ =	shalt  }
0x63: {  	_ =	shalt  }
0x64: {  	_ =	shalt  }
0x65: {  	_ =	shalt  }
0x66: {  	_ =	shalt  }
0x67: {  	_ =	shalt  }
0x68: {  	_ =	shalt  }
0x69: {  	_ =	shalt  }
0x6a: {  	_ =	shalt  }
0x6b: {  	_ =	shalt  }
0x6c: {  	_ =	shalt  }
0x6d: {  	_ =	shalt  }
0x6e: {  	_ =	shalt  }
0x6f: {  	_ =	shalt  }
0x70: {  	_ =	shalt  }
0x71: {  	_ =	shalt  }
0x72: {  	_ =	shalt  }
0x73: {  	_ =	shalt  }
0x74: {  	_ =	shalt  }
0x75: {  	_ =	shalt  }
0x76: {  	_ =	shalt  }
0x77: {  	_ =	shalt  }
0x78: {  	_ =	shalt  }
0x79: {  	_ =	shalt  }
0x7a: {  	_ =	shalt  }
0x7b: {  	_ =	shalt  }
0x7c: {  	_ =	shalt  }
0x7d: {  	_ =	shalt  }
0x7e: {  	_ =	shalt  }
0x7f: {  	_ =	shalt  }
0x80: {  	_ =	shalt  }
0x81: {  	_ =	shalt  }
0x82: {  	_ =	shalt  }
0x83: {  	_ =	shalt  }
0x84: {  	_ =	shalt  }
0x85: {  	_ =	shalt  }
0x86: {  	_ =	shalt  }
0x87: {  	_ =	shalt  }
.Lfunc_end0:
.L_simem_size_0:
called_computation.2_lowered:
.L_overlay_start_0:
0x88: {  	s2 =	sld [smem:$0x3FD9]  }
0x89: {  	s3 =	sld [smem:$0x3FFE];
	_ =	sdelay $0x1  }
0x8a: {  	s1 =	srdreg.scid  }
0x8b: {  	s0 =	sand.u32 $0x1, s1  }
0x8c: {  	s16 =	sshll.u32 s0, $0xA;
	s2 =	sadd.s32 s3, s2  }
0x8d: {  	s2 =	sadd.s32 s2, s16  }
0x8e: {  	[smem:$0x3FB9] =	sst s2  }
0x8f: {  	_ = 	snop  }
0x90: {  	(tm) =	ssettm $0x1  }
0x91: {  	s17 =	sld [smem:$0x3FFB];
	_ =	sdelay $0x3  }
0x92: {  	_ =	strace s17  }
0x93: {  	s2 =	sld [smem:$0x3FFC];
	_ =	sdelay $0x3  }
0x94: {  	_ =	strace s2  }
0x95: {  	s2 =	sld [smem:$0x3FFD];
	_ =	sdelay $0x3  }
0x96: {  	_ =	strace s2  }
0x97: {  	_ =	strace $0x8FFFFFFF  }
0x98: {  	s18 =	sld [smem:$0x3FDB];
	_ =	sdelay $0x1  }
0x99: {  	s19 =	simm.s32 $_scs_section_size  }
0x9a: {  	s4 =	simm.s32 $_size__tile_overlayer_lowered;
	s5 =	simm.s32 $_tile_overlayer_lowered  }
0x9b: {  	s22 =	simm.s32 $0x1BFF;
	s21 =	sshll.u32 s5, $0x1;
	s2 =	sadd.s32 s19, s18  }
0x9c: {  	s6 =	simm.s32 $0x0;
	s20 =	sshll.u32 s4, $0x1;
	s4 =	sadd.s32 s21, s2  }
0x9d: {  	[timem:s6], [sflag:s22] =	dma.local [hbm:s4], s20  }
0x9e: {  	_ =	swait.ge [sflag:s22], s20  }
0x9f: {  	s3 =	ssub.s32 $0x0, s20;
	[sflag:s22] =	ssyncset.done $0x0  }
0xa0: {  	[sflag:s22] =	ssyncadd.s32 s3;
	_ =	sdelay $0x1  }
0xa1: {  	s23 =	simm.s32 $0x1B8B  }
0xa2: {  	_ =	swait.ge [sflag:s23], $0x1  }
0xa3: {  	[sflag:s23] =	ssyncset.done $0x0  }
0xa4: {  	s25 =	simm.s32 $0x1B8E;
	s24 =	sld [smem:$0x3FFE];
	[sflag:s23] =	ssyncadd.s32 $0xFFFFFFFF  }
0xa5: {  	s26 =	simm.s32 $execute0_lowered;
	[smem:$0x3FD2] =	sst s25  }
0xa6: {  	s4 =	sshll.u32 s26, $0x1;
	_ =	strace $0x8000004C;
	[dreg:$0x1] =	wrdreg $0xFFFFFFFF  }
0xa7: {  	s28 =	simm.s32 $_size_execute0_lowered;
	s2 =	sadd.s32 s2, s4;
	[dreg:$0x0] =	wrdreg $0x0  }
0xa8: {  	s4 =	sshll.u32 s28, $0x1;
	[dreg:$0x2] =	wrdreg s2  }
0xa9: {  	[dreg:$0x3] =	wrdreg s4  }
0xaa: {  	[dreg:$0x4] =	wrdreg $0xC0  }
0xab: {  	_ =	task [dreg:s6], $0x5FFFF  }
0xac: {  	[dreg:$0x1] =	wrdreg $0xFFFFFFFF  }
0xad: {  	[dreg:$0x0] =	wrdreg $0x60  }
0xae: {  	[dreg:$0x2] =	wrdreg s24  }
0xaf: {  	[dreg:$0x3] =	wrdreg $0x78A00  }
0xb0: {  	[dreg:$0x4] =	wrdreg $0x9  }
0xb1: {  	_ =	task.clear_ibuf [dreg:s6], $0x5FFFF;
	_ =	strace $0x9000004C  }
0xb2: {  	s29 =	simm.s32 $0x9;
	_ =	strace $0x8000004E  }
0xb3: {  	_ =	swait.ge [sflag:s29], $0x1  }
0xb4: {  	[sflag:s29] =	ssyncadd.s32 $0xFFFFFFFF  }
0xb5: {  	_ =	strace $0x9000004E  }
0xb6: {  	_ =	sfence  }
0xb7: {  	s30 =	sld [smem:$0x0];
	_ =	sdelay $0x2  }
0xb8: {  	s31 =	sshll.u32 s1, $0xD;
	s1 =	sshrl.u32 s1, $0x2  }
0xb9: {  	s3 =	sand.u32 $0x4000, s31;
	s1 =	sadd.s32 s1, s30  }
0xba: {  	s0 =	sor.u32 s3, s0;
	s1 =	sshll.u32 s1, $0x11  }
0xbb: {  	s0 =	sor.u32 s1, s0  }
0xbc: {  	s0 =	sadd.s32 $0x8F2B, s0  }
0xbd: {  	[sflag:s0] =	ssyncadd.remote.s32 $0x1  }
0xbe: {  	_ =	sfence.sel $0xFFFF  }
0xbf: {  	[dreg:$0x0] =	wrdreg $0xFFFFFFFF;
	(pc) =	sbr.abs _section_cstart, $3  }
0xc0: {  	[dreg:$0x1] =	wrdreg $0xFFFFFFFF  }
0xc1: {  	_ =	task.clear_ibuf [dreg:s6], $0x2FFFF;
	_ =	strace $0x9FFFFFFF  }
0xc2: {  	(tm) =	ssettm $0x7FFFFFFF  }
0xc3: {  	_ =	shalt  }
tec
execute0_lowered:
.L_overlay_start_1:
0x0: {  	(tag) =	ssettag $0x1  }
0x1: {  	s8 =	stileid.u32  }
0x2: {  	s5 =	smul.u32 $0x2710, s8  }
0x3: {  	s1 =	srdreg.scid;
	s6 =	smul.u32 $0x280, s8  }
0x4: {  	s0 =	rddreg [dreg:$0x0];
	s1 =	sand.u32 $0x1, s1;
	s8 =	smul.u32 $0x50000, s8  }
0x5: {  	s2 =	rddreg [dreg:$0x1];
	s4 =	smul.u32 $0x27100, s1  }
0x6: {  	s3 =	simm.s32 $0x0;
	s11 =	simm.s32 $0x50;
	s7 =	smul.u32 $0x2800, s1  }
0x7: {  	s12 =	simm.s32 $0x10A0;
	[smem:$0x7FF] =	sst s3;
	s9 =	sadd.s32 $0x17600, s0  }
0x8: {  	s13 =	sshrl.u32 s8, $0x2;
	s5 =	sadd.s32 s5, s4;
	s6 =	sadd.s32 s6, s7  }
0x9: {  	s4 =	sadd.s32 $0x17800, s0;
	s5 =	sshrl.u32 s5, $0x3;
	s6 =	sshll.u32 s6, $0x4  }
0xa: {  	s5 =	sadd.s32 s5, s0;
	s0 =	sadd.s32 s6, s0;
	s6 =	sadd.s32 s13, s2  }
0xb: {  	_ =	strace $0x8000004D;
	[dreg:$0x3] =	wrdreg s9;
	s7 =	sadd.s32 $0x1000, s6  }
0xc: {  	s1 =	ssub.s32 $0x2, s1;
	s15 =	sadd.s32 $0x2000, s6;
	[dreg:$0x4] =	wrdreg s7  }
0xd: {  	s9 =	simm.s32 $0x1050;
	s16 =	sadd.s32 $0x3000, s6;
	[dreg:$0x5] =	wrdreg s15  }
0xe: {  	s14 =	sshrl.u32 s1, $0x1;
	s17 =	sadd.s32 $0x5000, s6;
	[dreg:$0x6] =	wrdreg s16  }
0xf: {  	s8 =	simm.s32 $0x1000;
	s18 =	sadd.s32 $0x6000, s6;
	[dreg:$0x7] =	wrdreg s17  }
0x10: {  	s1 =	ssub.s32 s1, s14;
	s19 =	sadd.s32 $0x7000, s6;
	[dreg:$0x8] =	wrdreg s18  }
0x11: {  	s13 =	simm.s32 $0x1;
	s20 =	sadd.s32 $0x9000, s6;
	[dreg:$0x9] =	wrdreg s19  }
0x12: {  	s10 =	sadd.s32 $0x4000, s6;
	s21 =	sadd.s32 $0xA000, s6;
	[dreg:$0xa] =	wrdreg s20  }
0x13: {  	s14 =	sadd.s32 $0x8000, s6;
	s22 =	sadd.s32 $0xB000, s6;
	[dreg:$0xb] =	wrdreg s21  }
0x14: {  	s23 =	sadd.s32 $0x3EA00, s0;
	s24 =	sadd.s32 $0x3F200, s0;
	[dreg:$0xc] =	wrdreg s22  }
0x15: {  	s25 =	sadd.s32 $0x3FA00, s0;
	s26 =	sadd.s32 $0x40200, s0;
	[dreg:$0xd] =	wrdreg s23  }
0x16: {  	s28 =	sadd.s32 $0xD000, s6;
	s29 =	sadd.s32 $0xE000, s6;
	[dreg:$0xe] =	wrdreg s24  }
0x17: {  	s30 =	sadd.s32 $0xF000, s6;
	s31 =	sadd.s32 $0x10000, s6;
	[dreg:$0xf] =	wrdreg s25  }
0x18: {  	[dreg:$0x10] =	wrdreg s26;
	s22 =	sadd.s32 $0x40A00, s0;
	s23 =	smax.u32 s1, $0x1  }
0x19: {  	s24 =	sadd.s32 $0x3800, s5;
	s25 =	sadd.s32 $0xD600, s5;
	s26 =	sadd.s32 $0xC000, s6  }
0x1a: {  	s0 =	sadd.s32 $0x11000, s6;
	s1 =	sadd.s32 $0x12000, s6;
	s5 =	sadd.s32 $0x13000, s6  }
0x1b: {  	s7 =	simm.s32 $0x2;
	s15 =	simm.s32 $0x38A0;
	s16 =	simm.s32 $0x0  }
.LBB2_1:
0x1c: {  	s17 =	rddreg [dreg:$0x3]  }
0x1d: {  	[tilespmem:s3], [sflag:$0x2] =	stream.linear.gather [hbm4b:s17+s3], $0x1000, $0x38;
	[tilespmem:$0x1B8A0] =	vst v63  }
0x1e: {  	_ =	swait.ge [sflag:s7], $0x1000  }
0x1f: {  	[sflag:s7] =	ssyncset.done $0x0  }
0x20: {  	[sflag:s7] =	ssyncadd.s32 $0xFFFFF000  }
0x21: {  	[spmem:s6] =	stream.linear.scatter [tilespmem:s3], [sflag:$0x2], $0x1000, $0x38;
	[tilespmem:$0x1B8A0] =	vst v63  }
0x22: {  	_ =	swait.ge [sflag:s7], $0x1000  }
0x23: {  	[sflag:s7] =	ssyncset.done $0x0  }
0x24: {  	s19 =	rddreg [dreg:$0x4];
	[sflag:s7] =	ssyncadd.s32 $0xFFFFF000  }
0x25: {  	[spmem:s19] =	stream.linear.scatter [tilespmem:s3], [sflag:$0x2], $0x1000, $0x38;
	[tilespmem:$0x1B8A0] =	vst v63  }
0x26: {  	_ =	swait.ge [sflag:s7], $0x1000  }
0x27: {  	[sflag:s7] =	ssyncset.done $0x0  }
0x28: {  	s20 =	rddreg [dreg:$0x5];
	[sflag:s7] =	ssyncadd.s32 $0xFFFFF000  }
0x29: {  	[spmem:s20] =	stream.linear.scatter [tilespmem:s3], [sflag:$0x2], $0x1000, $0x38;
	[tilespmem:$0x1B8A0] =	vst v63  }
0x2a: {  	_ =	swait.ge [sflag:s7], $0x1000  }
0x2b: {  	[sflag:s7] =	ssyncset.done $0x0  }
0x2c: {  	s21 =	rddreg [dreg:$0x6];
	[sflag:s7] =	ssyncadd.s32 $0xFFFFF000  }
0x2d: {  	[spmem:s21] =	stream.linear.scatter [tilespmem:s3], [sflag:$0x2], $0x1000, $0x38;
	[tilespmem:$0x1B8A0] =	vst v63  }
0x2e: {  	_ =	swait.ge [sflag:s7], $0x1000  }
0x2f: {  	[sflag:s7] =	ssyncset.done $0x0  }
0x30: {  	[sflag:s7] =	ssyncadd.s32 $0xFFFFF000  }
0x31: {  	[spmem:s10] =	stream.linear.scatter [tilespmem:s3], [sflag:$0x2], $0x1000, $0x38;
	[tilespmem:$0x1B8A0] =	vst v63  }
0x32: {  	_ =	swait.ge [sflag:s7], $0x1000  }
0x33: {  	[sflag:s7] =	ssyncset.done $0x0  }
0x34: {  	s18 =	rddreg [dreg:$0x7];
	[sflag:s7] =	ssyncadd.s32 $0xFFFFF000  }
0x35: {  	[spmem:s18] =	stream.linear.scatter [tilespmem:s3], [sflag:$0x2], $0x1000, $0x38;
	[tilespmem:$0x1B8A0] =	vst v63  }
0x36: {  	_ =	swait.ge [sflag:s7], $0x1000  }
0x37: {  	[sflag:s7] =	ssyncset.done $0x0  }
0x38: {  	s19 =	rddreg [dreg:$0x8];
	[sflag:s7] =	ssyncadd.s32 $0xFFFFF000  }
0x39: {  	[spmem:s19] =	stream.linear.scatter [tilespmem:s3], [sflag:$0x2], $0x1000, $0x38;
	[tilespmem:$0x1B8A0] =	vst v63  }
0x3a: {  	_ =	swait.ge [sflag:s7], $0x1000  }
0x3b: {  	[sflag:s7] =	ssyncset.done $0x0  }
0x3c: {  	s20 =	rddreg [dreg:$0x9];
	[sflag:s7] =	ssyncadd.s32 $0xFFFFF000  }
0x3d: {  	[spmem:s20] =	stream.linear.scatter [tilespmem:s3], [sflag:$0x2], $0x1000, $0x38;
	[tilespmem:$0x1B8A0] =	vst v63  }
0x3e: {  	_ =	swait.ge [sflag:s7], $0x1000  }
0x3f: {  	[sflag:s7] =	ssyncset.done $0x0  }
0x40: {  	[sflag:s7] =	ssyncadd.s32 $0xFFFFF000  }
0x41: {  	[spmem:s14] =	stream.linear.scatter [tilespmem:s3], [sflag:$0x2], $0x1000, $0x38;
	[tilespmem:$0x1B8A0] =	vst v63  }
0x42: {  	_ =	swait.ge [sflag:s7], $0x1000  }
0x43: {  	[sflag:s7] =	ssyncset.done $0x0  }
0x44: {  	s21 =	rddreg [dreg:$0xa];
	[sflag:s7] =	ssyncadd.s32 $0xFFFFF000  }
0x45: {  	[spmem:s21] =	stream.linear.scatter [tilespmem:s3], [sflag:$0x2], $0x1000, $0x38;
	[tilespmem:$0x1B8A0] =	vst v63  }
0x46: {  	_ =	swait.ge [sflag:s7], $0x1000  }
0x47: {  	[sflag:s7] =	ssyncset.done $0x0  }
0x48: {  	s18 =	rddreg [dreg:$0xb];
	[sflag:s7] =	ssyncadd.s32 $0xFFFFF000  }
0x49: {  	[spmem:s18] =	stream.linear.scatter [tilespmem:s3], [sflag:$0x2], $0x1000, $0x38;
	[tilespmem:$0x1B8A0] =	vst v63  }
0x4a: {  	_ =	swait.ge [sflag:s7], $0x1000  }
0x4b: {  	[sflag:s7] =	ssyncset.done $0x0  }
0x4c: {  	s19 =	rddreg [dreg:$0xc];
	[sflag:s7] =	ssyncadd.s32 $0xFFFFF000  }
0x4d: {  	[spmem:s19] =	stream.linear.scatter [tilespmem:s3], [sflag:$0x2], $0x1000, $0x38;
	[tilespmem:$0x1B8A0] =	vst v63  }
0x4e: {  	_ =	swait.ge [sflag:s7], $0x1000  }
0x4f: {  	[sflag:s7] =	ssyncset.done $0x0  }
0x50: {  	[sflag:s7] =	ssyncadd.s32 $0xFFFFF000  }
0x51: {  	[spmem:s26] =	stream.linear.scatter [tilespmem:s3], [sflag:$0x2], $0x1000, $0x38;
	[tilespmem:$0x1B8A0] =	vst v63  }
0x52: {  	_ =	swait.ge [sflag:s7], $0x1000  }
0x53: {  	[sflag:s7] =	ssyncset.done $0x0  }
0x54: {  	[sflag:s7] =	ssyncadd.s32 $0xFFFFF000  }
0x55: {  	[spmem:s28] =	stream.linear.scatter [tilespmem:s3], [sflag:$0x2], $0x1000, $0x38;
	[tilespmem:$0x1B8A0] =	vst v63  }
0x56: {  	_ =	swait.ge [sflag:s7], $0x1000  }
0x57: {  	[sflag:s7] =	ssyncset.done $0x0  }
0x58: {  	[sflag:s7] =	ssyncadd.s32 $0xFFFFF000  }
0x59: {  	[spmem:s29] =	stream.linear.scatter [tilespmem:s3], [sflag:$0x2], $0x1000, $0x38;
	[tilespmem:$0x1B8A0] =	vst v63  }
0x5a: {  	_ =	swait.ge [sflag:s7], $0x1000  }
0x5b: {  	[sflag:s7] =	ssyncset.done $0x0  }
0x5c: {  	[sflag:s7] =	ssyncadd.s32 $0xFFFFF000  }
0x5d: {  	[spmem:s30] =	stream.linear.scatter [tilespmem:s3], [sflag:$0x2], $0x1000, $0x38;
	[tilespmem:$0x1B8A0] =	vst v63  }
0x5e: {  	_ =	swait.ge [sflag:s7], $0x1000  }
0x5f: {  	[sflag:s7] =	ssyncset.done $0x0  }
0x60: {  	[sflag:s7] =	ssyncadd.s32 $0xFFFFF000  }
0x61: {  	[spmem:s31] =	stream.linear.scatter [tilespmem:s3], [sflag:$0x2], $0x1000, $0x38;
	[tilespmem:$0x1B8A0] =	vst v63  }
0x62: {  	_ =	swait.ge [sflag:s7], $0x1000  }
0x63: {  	[sflag:s7] =	ssyncset.done $0x0  }
0x64: {  	[sflag:s7] =	ssyncadd.s32 $0xFFFFF000  }
0x65: {  	[spmem:s0] =	stream.linear.scatter [tilespmem:s3], [sflag:$0x2], $0x1000, $0x38;
	[tilespmem:$0x1B8A0] =	vst v63  }
0x66: {  	_ =	swait.ge [sflag:s7], $0x1000  }
0x67: {  	[sflag:s7] =	ssyncset.done $0x0  }
0x68: {  	[sflag:s7] =	ssyncadd.s32 $0xFFFFF000  }
0x69: {  	[spmem:s1] =	stream.linear.scatter [tilespmem:s3], [sflag:$0x2], $0x1000, $0x38;
	[tilespmem:$0x1B8A0] =	vst v63  }
0x6a: {  	_ =	swait.ge [sflag:s7], $0x1000  }
0x6b: {  	[sflag:s7] =	ssyncset.done $0x0  }
0x6c: {  	[sflag:s7] =	ssyncadd.s32 $0xFFFFF000  }
0x6d: {  	[spmem:s5] =	stream.linear.scatter [tilespmem:s3], [sflag:$0x2], $0x1000, $0x38;
	[tilespmem:$0x1B8A0] =	vst v63  }
0x6e: {  	_ =	swait.ge [sflag:s7], $0x1000  }
0x6f: {  	[sflag:s7] =	ssyncset.done $0x0  }
0x70: {  	[sflag:s7] =	ssyncadd.s32 $0xFFFFF000  }
0x71: {  	s20 =	sadd.s32 $0x0, s25;
	[bflag:$0x0] =	sbarrier.arrive $0xFFFF  }
0x72: {  	[tilespmem:s8], [sflag:$0x2] =	stream.linear.gather [hbm4b:s20+s3], $0x50, $0x38;
	[tilespmem:$0x1B8A0] =	vst v63  }
0x73: {  	_ =	swait.ge [sflag:s7], $0x50  }
0x74: {  	[sflag:s7] =	ssyncset.done $0x0  }
0x75: {  	s21 =	sadd.s32 $0x0, s24;
	[sflag:s7] =	ssyncadd.s32 $0xFFFFFFB0  }
0x76: {  	[tilespmem:s9], [sflag:$0x2] =	stream.linear.gather [hbm4b:s21+s3], $0x50, $0x38;
	[tilespmem:$0x1B8A0] =	vst v63  }
0x77: {  	_ =	swait.ge [sflag:s7], $0x50  }
0x78: {  	[sflag:s7] =	ssyncset.done $0x0  }
0x79: {  	[sflag:s7] =	ssyncadd.s32 $0xFFFFFFB0  }
0x7a: {  	[tilespmem:s12], [sflag:$0x1] =	stream.indirect.gather [hbm4b:s4+s11], $0x80, s8, s11, $0xb8;
	[tilespmem:$0x1B8A0] =	vst v63  }
0x7b: {  	_ =	swait.ge [sflag:s13], $0x2800  }
0x7c: {  	[sflag:s13] =	ssyncset.done $0x0  }
0x7d: {  	[sflag:s13] =	ssyncadd.s32 $0xFFFFD800  }
0x7e: {  	[spmem:s2] =	stream.indirect.scatter.add.f32 [tilespmem:s12], [sflag:$0x2], $0x80, s9, s11, $0xb8;
	[tilespmem:$0x1B8A0] =	vst v63  }
0x7f: {  	_ =	swait.ge [sflag:s7], $0x2800  }
0x80: {  	s17 =	simm.s32 $0xA;
	s18 =	simm.s32 $0x14;
	[sflag:s7] =	ssyncset.done $0x0  }
.LBB2_2:
0x81: {  	s19 =	sadd.s32 s17, s25  }
0x82: {  	[sflag:s7] =	ssyncadd.s32 $0xFFFFD800;
	s20 =	smov.u32 s18;
	s21 =	sadd.s32 $0xA, s18  }
0x83: {  	[tilespmem:s8], [sflag:$0x2] =	stream.linear.gather [hbm4b:s19+s3], $0x50, $0x38;
	[tilespmem:$0x1B8A0] =	vst v63  }
0x84: {  	p0 =	sne.s32 s18, $0x4D8;
	_ =	swait.ge [sflag:s7], $0x50  }
0x85: {  	[sflag:s7] =	ssyncset.done $0x0  }
0x86: {  	s18 =	sadd.s32 s17, s24;
	s17 =	smov.u32 s20;
	[sflag:s7] =	ssyncadd.s32 $0xFFFFFFB0  }
0x87: {  	[tilespmem:s9], [sflag:$0x2] =	stream.linear.gather [hbm4b:s18+s3], $0x50, $0x38;
	[tilespmem:$0x1B8A0] =	vst v63  }
0x88: {  	_ =	swait.ge [sflag:s7], $0x50  }
0x89: {  	[sflag:s7] =	ssyncset.done $0x0  }
0x8a: {  	[sflag:s7] =	ssyncadd.s32 $0xFFFFFFB0  }
0x8b: {  	[tilespmem:s12], [sflag:$0x1] =	stream.indirect.gather [hbm4b:s4+s11], $0x80, s8, s11, $0xb8;
	[tilespmem:$0x1B8A0] =	vst v63  }
0x8c: {  	_ =	swait.ge [sflag:s13], $0x2800  }
.Ltmp0:
0x8d: {  	[sflag:s13] =	ssyncset.done $0x0;
	(pc) =	sbr.rel @p0 .LBB2_2-.Ltmp0, $4  }
0x8e: {  	[sflag:s13] =	ssyncadd.s32 $0xFFFFD800  }
0x8f: {  	[spmem:s2] =	stream.indirect.scatter.add.f32 [tilespmem:s12], [sflag:$0x2], $0x80, s9, s11, $0xb8;
	[tilespmem:$0x1B8A0] =	vst v63  }
0x90: {  	_ =	swait.ge [sflag:s7], $0x2800  }
0x91: {  	s18 =	smov.u32 s21;
	[sflag:s7] =	ssyncset.done $0x0  }
0x92: {  	s18 =	sadd.s32 s17, s25;
	[sflag:s7] =	ssyncadd.s32 $0xFFFFD800  }
0x93: {  	[tilespmem:s8], [sflag:$0x2] =	stream.linear.gather [hbm4b:s18+s3], $0x50, $0x38;
	[tilespmem:$0x1B8A0] =	vst v63  }
0x94: {  	_ =	swait.ge [sflag:s7], $0x50  }
0x95: {  	[sflag:s7] =	ssyncset.done $0x0  }
0x96: {  	s21 =	sadd.s32 s17, s24;
	[sflag:s7] =	ssyncadd.s32 $0xFFFFFFB0  }
0x97: {  	[tilespmem:s9], [sflag:$0x2] =	stream.linear.gather [hbm4b:s21+s3], $0x50, $0x38;
	[tilespmem:$0x1B8A0] =	vst v63  }
0x98: {  	_ =	swait.ge [sflag:s7], $0x50  }
0x99: {  	[sflag:s7] =	ssyncset.done $0x0  }
0x9a: {  	[sflag:s7] =	ssyncadd.s32 $0xFFFFFFB0  }
0x9b: {  	[tilespmem:s12], [sflag:$0x1] =	stream.indirect.gather [hbm4b:s4+s11], $0x80, s8, s11, $0xb8;
	[tilespmem:$0x1B8A0] =	vst v63  }
0x9c: {  	_ =	swait.ge [sflag:s13], $0x2800  }
0x9d: {  	[sflag:s13] =	ssyncset.done $0x0  }
0x9e: {  	[sflag:s13] =	ssyncadd.s32 $0xFFFFD800  }
0x9f: {  	[spmem:s2] =	stream.indirect.scatter.add.f32 [tilespmem:s12], [sflag:$0x2], $0x80, s9, s11, $0xb8;
	[tilespmem:$0x1B8A0] =	vst v63  }
0xa0: {  	_ =	swait.ge [sflag:s7], $0x2800  }
0xa1: {  	[sflag:s7] =	ssyncset.done $0x0  }
0xa2: {  	[sflag:s7] =	ssyncadd.s32 $0xFFFFD800  }
0xa3: {  	[bflag:$0x0] =	sbarrier.arrive $0xFFFF  }
0xa4: {  	[tilespmem:s15], [sflag:$0x2] =	stream.linear.gather [spmem:s6], $0x4000, $0x38;
	[tilespmem:$0x1B8A0] =	vst v63  }
0xa5: {  	_ =	swait.ge [sflag:s7], $0x4000  }
0xa6: {  	[sflag:s7] =	ssyncset.done $0x0  }
0xa7: {  	s18 =	rddreg [dreg:$0xd];
	[sflag:s7] =	ssyncadd.s32 $0xFFFFC000  }
0xa8: {  	[hbm4b:s18+s3] =	stream.linear.scatter [tilespmem:s15], [sflag:$0x2], $0x4000, $0x38;
	[tilespmem:$0x1B8A0] =	vst v63  }
0xa9: {  	_ =	swait.ge [sflag:s7], $0x4000  }
0xaa: {  	[sflag:s7] =	ssyncset.done $0x0  }
0xab: {  	[sflag:s7] =	ssyncadd.s32 $0xFFFFC000  }
0xac: {  	[tilespmem:s15], [sflag:$0x2] =	stream.linear.gather [spmem:s10], $0x4000, $0x38;
	[tilespmem:$0x1B8A0] =	vst v63  }
0xad: {  	_ =	swait.ge [sflag:s7], $0x4000  }
0xae: {  	[sflag:s7] =	ssyncset.done $0x0  }
0xaf: {  	s19 =	rddreg [dreg:$0xe];
	[sflag:s7] =	ssyncadd.s32 $0xFFFFC000  }
0xb0: {  	[hbm4b:s19+s3] =	stream.linear.scatter [tilespmem:s15], [sflag:$0x2], $0x4000, $0x38;
	[tilespmem:$0x1B8A0] =	vst v63  }
0xb1: {  	_ =	swait.ge [sflag:s7], $0x4000  }
0xb2: {  	[sflag:s7] =	ssyncset.done $0x0  }
0xb3: {  	[sflag:s7] =	ssyncadd.s32 $0xFFFFC000  }
0xb4: {  	[tilespmem:s15], [sflag:$0x2] =	stream.linear.gather [spmem:s14], $0x4000, $0x38;
	[tilespmem:$0x1B8A0] =	vst v63  }
0xb5: {  	_ =	swait.ge [sflag:s7], $0x4000  }
0xb6: {  	[sflag:s7] =	ssyncset.done $0x0  }
0xb7: {  	s20 =	rddreg [dreg:$0xf];
	[sflag:s7] =	ssyncadd.s32 $0xFFFFC000  }
0xb8: {  	[hbm4b:s20+s3] =	stream.linear.scatter [tilespmem:s15], [sflag:$0x2], $0x4000, $0x38;
	[tilespmem:$0x1B8A0] =	vst v63  }
0xb9: {  	_ =	swait.ge [sflag:s7], $0x4000  }
0xba: {  	[sflag:s7] =	ssyncset.done $0x0  }
0xbb: {  	[sflag:s7] =	ssyncadd.s32 $0xFFFFC000  }
0xbc: {  	[tilespmem:s15], [sflag:$0x2] =	stream.linear.gather [spmem:s26], $0x4000, $0x38;
	[tilespmem:$0x1B8A0] =	vst v63  }
0xbd: {  	_ =	swait.ge [sflag:s7], $0x4000  }
0xbe: {  	[sflag:s7] =	ssyncset.done $0x0  }
0xbf: {  	s21 =	rddreg [dreg:$0x10];
	[sflag:s7] =	ssyncadd.s32 $0xFFFFC000  }
0xc0: {  	[hbm4b:s21+s3] =	stream.linear.scatter [tilespmem:s15], [sflag:$0x2], $0x4000, $0x38;
	[tilespmem:$0x1B8A0] =	vst v63  }
0xc1: {  	_ =	swait.ge [sflag:s7], $0x4000  }
0xc2: {  	[sflag:s7] =	ssyncset.done $0x0  }
0xc3: {  	[sflag:s7] =	ssyncadd.s32 $0xFFFFC000  }
0xc4: {  	[tilespmem:s15], [sflag:$0x2] =	stream.linear.gather [spmem:s31], $0x4000, $0x38;
	[tilespmem:$0x1B8A0] =	vst v63  }
0xc5: {  	s16 =	sadd.s32 $0x1, s16;
	_ =	swait.ge [sflag:s7], $0x4000  }
0xc6: {  	p0 =	sne.s32 s16, s23;
	[sflag:s7] =	ssyncset.done $0x0  }
.Ltmp1:
0xc7: {  	[sflag:s7] =	ssyncadd.s32 $0xFFFFC000;
	(pc) =	sbr.rel @p0 .LBB2_1-.Ltmp1, $4  }
0xc8: {  	[hbm4b:s22+s3] =	stream.linear.scatter [tilespmem:s15], [sflag:$0x2], $0x4000, $0x38;
	[tilespmem:$0x1B8A0] =	vst v63  }
0xc9: {  	_ =	swait.ge [sflag:s7], $0x4000  }
0xca: {  	[sflag:s7] =	ssyncset.done $0x0  }
0xcb: {  	[sflag:s7] =	ssyncadd.s32 $0xFFFFC000  }
0xcc: {  	_ =	sfence.sel $0x180000  }
0xcd: {  	[bflag:$0x0] =	sbarrier.arrive $0xFFFF  }
0xce: {  	_ =	strace $0x9000004D  }
0xcf: {  	s0 =	stileid.u32;
	[bflag:$0x2] =	sbarrier.arrive $0xFFFF  }
0xd0: {  	p0 =	sne.s32 s0, $0x0;
	s0 =	rddreg [dreg:$0x2]  }
0xd1: {  	s0 =	sadd.s32 @!p0 $0x100000, s0  }
0xd2: {  	[sflag:s0] =	ssyncadd.tile.s32 @!p0 $0x1;
	_ =	shalt  }
.Lfunc_end2:
_tile_overlayer_lowered:
.L_overlay_start_2:
0xd3: {  	(tag) =	ssettag $0x2  }
0xd4: {  	s0 =	rddreg [dreg:$0x0];
	s2 =	stileid.u32  }
0xd5: {  	s1 =	rddreg [dreg:$0x1];
	p0 =	sne.s32 s2, $0x0  }
0xd6: {  	s3 =	rddreg [dreg:$0x2];
	[bflag:$0x3] =	sbarrier.arrive $0xFFFF;
	s2 =	simm.s32 @!p0 $0x1C02  }
0xd7: {  	[timem:s3], [sflag:s2] =	dma.local @!p0 [hbm:s0], s1  }
0xd8: {  	s0 =	simm.s32 @!p0 $0x2  }
0xd9: {  	_ =	swait.ge @!p0 [sflag:s0], s1  }
0xda: {  	s1 =	ssub.s32 @!p0 $0x0, s1;
	[sflag:s0] =	ssyncset.done @!p0 $0x0  }
0xdb: {  	[sflag:s0] =	ssyncadd.s32 @!p0 s1  }
0xdc: {  	[bflag:$0x3] =	sbarrier.arrive $0xFFFF  }
0xdd: {  	_ =	shalt  }

// kernel: kernel.8.cloned.1.call-start
scs
__scs_entry_jumppad:
0x0: {  	(pc) =	sbr.rel $0x88, $3  }
0x1: {  	(tag) =	ssettag $0x0;
	lr =	simm.s32 $0x1  }
0x2: {  	[smem:$0x3F92] =	sst lr;
	_ =	strace $0xD0000000  }
0x3: {  	_ = 	snop  }
0x4: {  	_ = 	snop  }
0x5: {  	_ = 	snop  }
0x6: {  	_ = 	snop  }
0x7: {  	_ = 	snop  }
__scs_overlays_trampoline_lowered:
0x8: {  	[smem:$0x3FA1] =	sst s0  }
0x9: {  	[smem:$0x3FA2] =	sst s1  }
0xa: {  	[smem:$0x3FA3] =	sst s2  }
0xb: {  	[smem:$0x3FA4] =	sst s3  }
0xc: {  	[smem:$0x3FA5] =	sst s4  }
0xd: {  	[smem:$0x3FA6] =	sst s5  }
0xe: {  	[smem:$0x3FA7] =	sst s6  }
0xf: {  	[smem:$0x3FA8] =	sst s7  }
0x10: {  	[smem:$0x3FA9] =	sst s8  }
0x11: {  	[smem:$0x3FAA] =	sst s9;
	s0 =	simm.s32 @!p0 $0x0  }
0x12: {  	s1 =	sld [smem:$0x3F90];
	s0 =	simm.s32 @p0 $0x1  }
0x13: {  	[smem:$0x3FAB] =	sst s0;
	s0 =	simm.s32 @!p1 $0x0  }
0x14: {  	s2 =	sld [smem:$0x3F8F];
	s0 =	simm.s32 @p1 $0x1  }
0x15: {  	[smem:$0x3FAC] =	sst s0;
	s0 =	simm.s32 @!p2 $0x0  }
0x16: {  	s3 =	sld [smem:$0x3FDB];
	s0 =	simm.s32 @p2 $0x1  }
0x17: {  	s4 =	simm.s32 $0x1BF5;
	[smem:$0x3FAE] =	sst s0  }
0x18: {  	s0 =	sld [smem:$0x3F91];
	_ =	swait.ge [sflag:s4], $0x0  }
0x19: {  	s7 =	sld [smem:$0x3F92]  }
0x1a: {  	s8 =	sadd.s32 $0xFFFFE003, lr  }
0x1b: {  	s9 =	sadd.s32 $0xFFFFFEF7, lr;
	s5 =	simm.s32 $0xFFFFFFFF;
	p2 =	slt.u32 s8, $0xFFFFF086  }
0x1c: {  	p1 =	slt.u32 s9, $0xF7A;
	s5 =	simm.s32 @!p2 $0x0  }
0x1d: {  	s5 =	simm.s32 @p1 $0x1;
	p0 =	seq.s32 s7, s2  }
0x1e: {  	s7 =	smul.u32 @!p0 $0xF7A, s2;
	p2 =	seq.s32 @!p0 s5, $0x0  }
0x1f: {  	s9 =	smul.u32 $0xF7A, s1;
	s8 =	simm.s32 @!p0 $0x1BF5;
	p2 =	por !p2, p0  }
0x20: {  	[sflag:s8] =	ssyncset.s32 @!p0 $0xFFFFF086;
	s6 =	sadd.s32 @!p0 s3, s7;
	s7 =	simm.s32 @!p0 $0x108  }
0x21: {  	s3 =	sadd.s32 s3, s9;
	s6 =	sadd.s32 @!p0 $0x88, s6;
	s7 =	simm.s32 @p2 $0x1082  }
0x22: {  	[simem:s7], [sflag:s8] =	dma.local @!p0 [hbm:s6], $0xF7A  }
0x23: {  	s9 =	sor.u32 $0xD0000000, s2;
	s6 =	simm.s32 $0x108;
	_ =	swait.ge @!p0 [sflag:s8], $0x0  }
0x24: {  	s3 =	sadd.s32 $0x88, s3;
	s6 =	simm.s32 @!p1 $0x1082;
	[sflag:s4] =	ssyncset.s32 $0xFFFFF086  }
0x25: {  	[simem:s6], [sflag:s4] =	dma.local [hbm:s3], $0xF7A  }
0x26: {  	[smem:$0x3F92] =	sst s1;
	(tag) =	ssettag s2;
	_ =	strace s9  }
0x27: {  	s1 =	sld [smem:$0x3FA2]  }
0x28: {  	s2 =	sld [smem:$0x3FA3]  }
0x29: {  	s4 =	sld [smem:$0x3FA5]  }
0x2a: {  	p0 =	seq.s32 s5, $0x0;
	s5 =	sld [smem:$0x3FA6]  }
0x2b: {  	s6 =	sld [smem:$0x3FA7]  }
0x2c: {  	s7 =	sld [smem:$0x3FA8]  }
0x2d: {  	s3 =	simm.s32 $0x108;
	s8 =	sld [smem:$0x3FA9]  }
0x2e: {  	s3 =	simm.s32 @!p0 $0x1082;
	s9 =	sld [smem:$0x3FAA]  }
0x2f: {  	lr =	sadd.s32 s0, s3;
	s0 =	sld [smem:$0x3FA1]  }
0x30: {  	s3 =	sld [smem:$0x3FA4]  }
0x31: {  	[smem:$0x3FAD] =	sst s10  }
0x32: {  	s10 =	sld [smem:$0x3FAB];
	_ =	sdelay $0x3  }
0x33: {  	p0 =	seq.s32 s10, $0x1;
	s10 =	sld [smem:$0x3FAD];
	_ =	sdelay $0x3  }
0x34: {  	[smem:$0x3FAD] =	sst s10  }
0x35: {  	s10 =	sld [smem:$0x3FAC];
	_ =	sdelay $0x3  }
0x36: {  	p1 =	seq.s32 s10, $0x1;
	s10 =	sld [smem:$0x3FAD];
	_ =	sdelay $0x3  }
0x37: {  	[smem:$0x3FAD] =	sst s10  }
0x38: {  	s10 =	sld [smem:$0x3FAE]  }
0x39: {  	_ = 	snop;
	(pc) =	sbr.ind lr, $3  }
0x3a: {  	_ = 	snop  }
0x3b: {  	_ = 	snop  }
0x3c: {  	p2 =	seq.s32 s10, $0x1;
	s10 =	sld [smem:$0x3FAD]  }
0x3d: {  	_ =	shalt  }
0x3e: {  	_ =	shalt  }
0x3f: {  	_ =	shalt  }
0x40: {  	_ =	shalt  }
0x41: {  	_ =	shalt  }
0x42: {  	_ =	shalt  }
0x43: {  	_ =	shalt  }
0x44: {  	_ =	shalt  }
0x45: {  	_ =	shalt  }
0x46: {  	_ =	shalt  }
0x47: {  	_ =	shalt  }
0x48: {  	_ =	shalt  }
0x49: {  	_ =	shalt  }
0x4a: {  	_ =	shalt  }
0x4b: {  	_ =	shalt  }
0x4c: {  	_ =	shalt  }
0x4d: {  	_ =	shalt  }
0x4e: {  	_ =	shalt  }
0x4f: {  	_ =	shalt  }
0x50: {  	_ =	shalt  }
0x51: {  	_ =	shalt  }
0x52: {  	_ =	shalt  }
0x53: {  	_ =	shalt  }
0x54: {  	_ =	shalt  }
0x55: {  	_ =	shalt  }
0x56: {  	_ =	shalt  }
0x57: {  	_ =	shalt  }
0x58: {  	_ =	shalt  }
0x59: {  	_ =	shalt  }
0x5a: {  	_ =	shalt  }
0x5b: {  	_ =	shalt  }
0x5c: {  	_ =	shalt  }
0x5d: {  	_ =	shalt  }
0x5e: {  	_ =	shalt  }
0x5f: {  	_ =	shalt  }
0x60: {  	_ =	shalt  }
0x61: {  	_ =	shalt  }
0x62: {  	_ =	shalt  }
0x63: {  	_ =	shalt  }
0x64: {  	_ =	shalt  }
0x65: {  	_ =	shalt  }
0x66: {  	_ =	shalt  }
0x67: {  	_ =	shalt  }
0x68: {  	_ =	shalt  }
0x69: {  	_ =	shalt  }
0x6a: {  	_ =	shalt  }
0x6b: {  	_ =	shalt  }
0x6c: {  	_ =	shalt  }
0x6d: {  	_ =	shalt  }
0x6e: {  	_ =	shalt  }
0x6f: {  	_ =	shalt  }
0x70: {  	_ =	shalt  }
0x71: {  	_ =	shalt  }
0x72: {  	_ =	shalt  }
0x73: {  	_ =	shalt  }
0x74: {  	_ =	shalt  }
0x75: {  	_ =	shalt  }
0x76: {  	_ =	shalt  }
0x77: {  	_ =	shalt  }
0x78: {  	_ =	shalt  }
0x79: {  	_ =	shalt  }
0x7a: {  	_ =	shalt  }
0x7b: {  	_ =	shalt  }
0x7c: {  	_ =	shalt  }
0x7d: {  	_ =	shalt  }
0x7e: {  	_ =	shalt  }
0x7f: {  	_ =	shalt  }
0x80: {  	_ =	shalt  }
0x81: {  	_ =	shalt  }
0x82: {  	_ =	shalt  }
0x83: {  	_ =	shalt  }
0x84: {  	_ =	shalt  }
0x85: {  	_ =	shalt  }
0x86: {  	_ =	shalt  }
0x87: {  	_ =	shalt  }
.Lfunc_end0:
.L_simem_size_0:
called_computation_lowered:
.L_overlay_start_0:
0x88: {  	s2 =	sld [smem:$0x3FD9]  }
0x89: {  	s3 =	sld [smem:$0x3FFE];
	_ =	sdelay $0x1  }
0x8a: {  	s1 =	srdreg.scid  }
0x8b: {  	s0 =	sand.u32 $0x1, s1  }
0x8c: {  	s17 =	sshll.u32 s0, $0xA;
	s2 =	sadd.s32 s3, s2  }
0x8d: {  	s2 =	sadd.s32 s2, s17  }
0x8e: {  	[smem:$0x3FB9] =	sst s2  }
0x8f: {  	_ = 	snop  }
0x90: {  	s2 =	sld [smem:$0x3FC9]  }
0x91: {  	s18 =	sld [smem:$0x3FD0];
	(tm) =	ssettm $0x1  }
0x92: {  	s4 =	sld [smem:$0x3FFB];
	_ =	sdelay $0x3  }
0x93: {  	_ =	strace s4  }
0x94: {  	s4 =	sld [smem:$0x3FFC];
	_ =	sdelay $0x3  }
0x95: {  	_ =	strace s4  }
0x96: {  	s4 =	sld [smem:$0x3FFD];
	_ =	sdelay $0x3  }
0x97: {  	_ =	strace s4  }
0x98: {  	_ =	strace $0x8FFFFFFF  }
0x99: {  	s19 =	sld [smem:$0x3FDB];
	_ =	sdelay $0x1  }
0x9a: {  	s5 =	simm.s32 $_scs_section_size  }
0x9b: {  	s6 =	simm.s32 $_size__tile_overlayer_lowered;
	s7 =	simm.s32 $_tile_overlayer_lowered  }
0x9c: {  	s22 =	simm.s32 $0x1BFF;
	s21 =	sshll.u32 s7, $0x1;
	s4 =	sadd.s32 s5, s19  }
0x9d: {  	s8 =	simm.s32 $0x0;
	s20 =	sshll.u32 s6, $0x1;
	s6 =	sadd.s32 s21, s4  }
0x9e: {  	[timem:s8], [sflag:s22] =	dma.local [hbm:s6], s20  }
0x9f: {  	_ =	swait.ge [sflag:s22], s20  }
0xa0: {  	s5 =	ssub.s32 $0x0, s20;
	[sflag:s22] =	ssyncset.done $0x0  }
0xa1: {  	[sflag:s22] =	ssyncadd.s32 s5;
	_ =	sdelay $0x1  }
0xa2: {  	s23 =	simm.s32 $0x1B8B  }
0xa3: {  	_ =	swait.ge [sflag:s23], $0x1  }
0xa4: {  	[sflag:s23] =	ssyncset.done $0x0  }
0xa5: {  	s25 =	simm.s32 $0x1B8E;
	s24 =	sld [smem:$0x3FFE];
	[sflag:s23] =	ssyncadd.s32 $0xFFFFFFFF  }
0xa6: {  	s26 =	simm.s32 $execute0_lowered;
	[smem:$0x3FD2] =	sst s25  }
0xa7: {  	s6 =	sshll.u32 s26, $0x1;
	_ =	strace $0x80000046;
	[dreg:$0x1] =	wrdreg $0xFFFFFFFF  }
0xa8: {  	s28 =	simm.s32 $_size_execute0_lowered;
	s4 =	sadd.s32 s4, s6;
	[dreg:$0x0] =	wrdreg $0x0  }
0xa9: {  	s6 =	sshll.u32 s28, $0x1;
	[dreg:$0x2] =	wrdreg s4  }
0xaa: {  	[dreg:$0x3] =	wrdreg s6  }
0xab: {  	[dreg:$0x4] =	wrdreg $0xC0  }
0xac: {  	_ =	task [dreg:s8], $0x5FFFF  }
0xad: {  	[dreg:$0x1] =	wrdreg $0xFFFFFFFF  }
0xae: {  	[dreg:$0x0] =	wrdreg $0x60  }
0xaf: {  	[dreg:$0x2] =	wrdreg s2  }
0xb0: {  	[dreg:$0x3] =	wrdreg s24  }
0xb1: {  	[dreg:$0x4] =	wrdreg s18  }
0xb2: {  	[dreg:$0x5] =	wrdreg $0x78A00  }
0xb3: {  	[dreg:$0x6] =	wrdreg $0x1CF200  }
0xb4: {  	[dreg:$0x7] =	wrdreg $0x9  }
0xb5: {  	_ =	task.clear_ibuf [dreg:s8], $0x8FFFF;
	_ =	strace $0x90000046  }
0xb6: {  	s29 =	simm.s32 $0x9;
	_ =	strace $0x80000048  }
0xb7: {  	_ =	swait.ge [sflag:s29], $0x1  }
0xb8: {  	[sflag:s29] =	ssyncadd.s32 $0xFFFFFFFF  }
0xb9: {  	_ =	strace $0x90000048  }
0xba: {  	_ =	sfence  }
0xbb: {  	s30 =	sld [smem:$0x0];
	_ =	sdelay $0x2  }
0xbc: {  	s31 =	sshll.u32 s1, $0xD;
	s1 =	sshrl.u32 s1, $0x2  }
0xbd: {  	s3 =	sand.u32 $0x4000, s31;
	s1 =	sadd.s32 s1, s30  }
0xbe: {  	s0 =	sor.u32 s3, s0;
	s1 =	sshll.u32 s1, $0x11  }
0xbf: {  	s0 =	sor.u32 s1, s0  }
0xc0: {  	s0 =	sadd.s32 $0x8F2B, s0  }
0xc1: {  	[sflag:s0] =	ssyncadd.remote.s32 $0x1  }
0xc2: {  	_ =	sfence.sel $0xFFFF  }
0xc3: {  	[dreg:$0x0] =	wrdreg $0xFFFFFFFF;
	(pc) =	sbr.abs _section_cstart, $3  }
0xc4: {  	[dreg:$0x1] =	wrdreg $0xFFFFFFFF  }
0xc5: {  	_ =	task.clear_ibuf [dreg:s8], $0x2FFFF;
	_ =	strace $0x9FFFFFFF  }
0xc6: {  	(tm) =	ssettm $0x7FFFFFFF  }
0xc7: {  	_ =	shalt  }
tec
execute0_lowered:
.L_overlay_start_1:
0x0: {  	(tag) =	ssettag $0x1  }
0x1: {  	s0 =	rddreg [dreg:$0x0]  }
0x2: {  	s1 =	rddreg [dreg:$0x1]  }
0x3: {  	s2 =	rddreg [dreg:$0x2];
	s4 =	srdreg.scid  }
0x4: {  	s3 =	rddreg [dreg:$0x3];
	s12 =	stileid.u32;
	s5 =	simm.s32 $0x0  }
0x5: {  	s6 =	sand.u32 $0x1, s4;
	s4 =	rddreg [dreg:$0x4];
	s8 =	smul.u32 $0x2710, s12  }
0x6: {  	[smem:$0x7FF] =	sst s5;
	s23 =	smul.u32 $0x280, s12  }
0x7: {  	s10 =	sadd.s32 $0x17600, s1;
	s24 =	smul.u32 $0x50000, s12;
	s11 =	sadd.s32 $0x17800, s1  }
0x8: {  	s7 =	smul.u32 $0x27100, s6;
	_ =	strace $0x80000047;
	[dreg:$0x6] =	wrdreg s10  }
0x9: {  	s25 =	sadd.s32 $0x17400, s1;
	s9 =	smul.u32 $0x2800, s6;
	[dreg:$0x7] =	wrdreg s11  }
0xa: {  	[dreg:$0x8] =	wrdreg s25;
	s6 =	ssub.s32 $0x2, s6;
	s10 =	sshrl.u32 s24, $0x2  }
0xb: {  	s26 =	sshrl.u32 s6, $0x1;
	s7 =	sadd.s32 s8, s7;
	s8 =	sadd.s32 s23, s9  }
0xc: {  	s6 =	ssub.s32 s6, s26;
	s7 =	sshrl.u32 s7, $0x3;
	s9 =	sshll.u32 s8, $0x4  }
0xd: {  	s20 =	sadd.s32 s2, s8;
	s21 =	smax.u32 s6, $0x1;
	s7 =	sadd.s32 s7, s1  }
0xe: {  	s1 =	sadd.s32 s9, s1;
	s9 =	sadd.s32 s10, s3;
	[dreg:$0x13] =	wrdreg s20  }
0xf: {  	[dreg:$0x14] =	wrdreg s21;
	s10 =	sadd.s32 $0x1000, s9  }
0x10: {  	s29 =	smul.u32 $0x5000, s12;
	s30 =	sadd.s32 $0x2000, s9;
	[dreg:$0x9] =	wrdreg s10  }
0x11: {  	s20 =	simm.s32 $0x50;
	s31 =	sadd.s32 $0x3000, s9;
	[dreg:$0xa] =	wrdreg s30  }
0x12: {  	s21 =	simm.s32 $0x10A0;
	s12 =	sadd.s32 $0x5000, s9;
	[dreg:$0xb] =	wrdreg s31  }
0x13: {  	s13 =	sadd.s32 $0x4000, s9;
	s14 =	sadd.s32 $0x6000, s9;
	[dreg:$0xc] =	wrdreg s12  }
0x14: {  	s15 =	sadd.s32 $0x17C00, s1;
	s17 =	sadd.s32 $0x18400, s1;
	[dreg:$0xd] =	wrdreg s14  }
0x15: {  	s18 =	sadd.s32 $0x18C00, s1;
	s19 =	sadd.s32 $0x19400, s1;
	[dreg:$0xe] =	wrdreg s15  }
0x16: {  	s1 =	sadd.s32 $0x19C00, s1;
	s24 =	sadd.s32 $0x3800, s7;
	[dreg:$0xf] =	wrdreg s17  }
0x17: {  	s25 =	sadd.s32 $0xD600, s7;
	s22 =	sadd.s32 $0x7000, s9;
	[dreg:$0x10] =	wrdreg s18  }
0x18: {  	s28 =	sadd.s32 $0x8000, s9;
	s23 =	sadd.s32 $0x9000, s9;
	[dreg:$0x11] =	wrdreg s19  }
0x19: {  	s26 =	sadd.s32 $0xA000, s9;
	s2 =	sadd.s32 $0xC000, s9;
	[dreg:$0x12] =	wrdreg s1  }
0x1a: {  	s7 =	sadd.s32 $0xF000, s9;
	s8 =	sadd.s32 $0x10000, s9;
	[dreg:$0x15] =	wrdreg s22  }
0x1b: {  	s11 =	sadd.s32 $0x12000, s9;
	s10 =	sshrl.u32 s29, $0x2;
	[dreg:$0x16] =	wrdreg s23  }
0x1c: {  	[dreg:$0x17] =	wrdreg s26;
	s29 =	sadd.s32 $0xB000, s9;
	s30 =	sadd.s32 $0xD000, s9  }
0x1d: {  	s31 =	sadd.s32 $0xE000, s9;
	s12 =	sadd.s32 $0x13000, s9;
	s14 =	simm.s32 $0x2  }
0x1e: {  	s15 =	simm.s32 $0x1B8A0;
	s17 =	simm.s32 $0x1CCA0;
	s18 =	simm.s32 $0x1000  }
0x1f: {  	s19 =	simm.s32 $0x1050;
	s22 =	simm.s32 $0x1;
	[dreg:$0x18] =	wrdreg s29  }
0x20: {  	s23 =	simm.s32 $0x38A0;
	s26 =	simm.s32 $0x0;
	[dreg:$0x19] =	wrdreg s30  }
0x21: {  	s16 =	sadd.s32 s10, s4;
	[dreg:$0x1a] =	wrdreg s31;
	s10 =	sadd.s32 $0x11000, s9  }
.LBB2_1:
0x22: {  	s1 =	rddreg [dreg:$0x6]  }
0x23: {  	[tilespmem:s5], [sflag:$0x2] =	stream.linear.gather [hbm4b:s1+s5], $0x1000, $0x38;
	[tilespmem:$0x1E320] =	vst v63  }
0x24: {  	_ =	swait.ge [sflag:s14], $0x1000  }
0x25: {  	[sflag:s14] =	ssyncset.done $0x0  }
0x26: {  	[sflag:s14] =	ssyncadd.s32 $0xFFFFF000  }
0x27: {  	[spmem:s9] =	stream.linear.scatter [tilespmem:s5], [sflag:$0x2], $0x1000, $0x38;
	[tilespmem:$0x1E320] =	vst v63  }
0x28: {  	_ =	swait.ge [sflag:s14], $0x1000  }
0x29: {  	[sflag:s14] =	ssyncset.done $0x0  }
0x2a: {  	s31 =	rddreg [dreg:$0x9];
	[sflag:s14] =	ssyncadd.s32 $0xFFFFF000  }
0x2b: {  	[spmem:s31] =	stream.linear.scatter [tilespmem:s5], [sflag:$0x2], $0x1000, $0x38;
	[tilespmem:$0x1E320] =	vst v63  }
0x2c: {  	_ =	swait.ge [sflag:s14], $0x1000  }
0x2d: {  	[sflag:s14] =	ssyncset.done $0x0  }
0x2e: {  	s6 =	rddreg [dreg:$0xa];
	[sflag:s14] =	ssyncadd.s32 $0xFFFFF000  }
0x2f: {  	[spmem:s6] =	stream.linear.scatter [tilespmem:s5], [sflag:$0x2], $0x1000, $0x38;
	[tilespmem:$0x1E320] =	vst v63  }
0x30: {  	_ =	swait.ge [sflag:s14], $0x1000  }
0x31: {  	[sflag:s14] =	ssyncset.done $0x0  }
0x32: {  	s31 =	rddreg [dreg:$0xb];
	[sflag:s14] =	ssyncadd.s32 $0xFFFFF000  }
0x33: {  	[spmem:s31] =	stream.linear.scatter [tilespmem:s5], [sflag:$0x2], $0x1000, $0x38;
	[tilespmem:$0x1E320] =	vst v63  }
0x34: {  	_ =	swait.ge [sflag:s14], $0x1000  }
0x35: {  	[sflag:s14] =	ssyncset.done $0x0  }
0x36: {  	[sflag:s14] =	ssyncadd.s32 $0xFFFFF000  }
0x37: {  	[spmem:s13] =	stream.linear.scatter [tilespmem:s5], [sflag:$0x2], $0x1000, $0x38;
	[tilespmem:$0x1E320] =	vst v63  }
0x38: {  	_ =	swait.ge [sflag:s14], $0x1000  }
0x39: {  	[sflag:s14] =	ssyncset.done $0x0  }
0x3a: {  	s6 =	rddreg [dreg:$0xc];
	[sflag:s14] =	ssyncadd.s32 $0xFFFFF000  }
0x3b: {  	[spmem:s6] =	stream.linear.scatter [tilespmem:s5], [sflag:$0x2], $0x1000, $0x38;
	[tilespmem:$0x1E320] =	vst v63  }
0x3c: {  	_ =	swait.ge [sflag:s14], $0x1000  }
0x3d: {  	[sflag:s14] =	ssyncset.done $0x0  }
0x3e: {  	s31 =	rddreg [dreg:$0xd];
	[sflag:s14] =	ssyncadd.s32 $0xFFFFF000  }
0x3f: {  	[spmem:s31] =	stream.linear.scatter [tilespmem:s5], [sflag:$0x2], $0x1000, $0x38;
	[tilespmem:$0x1E320] =	vst v63  }
0x40: {  	_ =	swait.ge [sflag:s14], $0x1000  }
0x41: {  	[sflag:s14] =	ssyncset.done $0x0  }
0x42: {  	s6 =	rddreg [dreg:$0x15];
	[sflag:s14] =	ssyncadd.s32 $0xFFFFF000  }
0x43: {  	[spmem:s6] =	stream.linear.scatter [tilespmem:s5], [sflag:$0x2], $0x1000, $0x38;
	[tilespmem:$0x1E320] =	vst v63  }
0x44: {  	_ =	swait.ge [sflag:s14], $0x1000  }
0x45: {  	[sflag:s14] =	ssyncset.done $0x0  }
0x46: {  	[sflag:s14] =	ssyncadd.s32 $0xFFFFF000  }
0x47: {  	[spmem:s28] =	stream.linear.scatter [tilespmem:s5], [sflag:$0x2], $0x1000, $0x38;
	[tilespmem:$0x1E320] =	vst v63  }
0x48: {  	_ =	swait.ge [sflag:s14], $0x1000  }
0x49: {  	[sflag:s14] =	ssyncset.done $0x0  }
0x4a: {  	s31 =	rddreg [dreg:$0x16];
	[sflag:s14] =	ssyncadd.s32 $0xFFFFF000  }
0x4b: {  	[spmem:s31] =	stream.linear.scatter [tilespmem:s5], [sflag:$0x2], $0x1000, $0x38;
	[tilespmem:$0x1E320] =	vst v63  }
0x4c: {  	_ =	swait.ge [sflag:s14], $0x1000  }
0x4d: {  	[sflag:s14] =	ssyncset.done $0x0  }
0x4e: {  	s6 =	rddreg [dreg:$0x17];
	[sflag:s14] =	ssyncadd.s32 $0xFFFFF000  }
0x4f: {  	[spmem:s6] =	stream.linear.scatter [tilespmem:s5], [sflag:$0x2], $0x1000, $0x38;
	[tilespmem:$0x1E320] =	vst v63  }
0x50: {  	_ =	swait.ge [sflag:s14], $0x1000  }
0x51: {  	[sflag:s14] =	ssyncset.done $0x0  }
0x52: {  	s31 =	rddreg [dreg:$0x18];
	[sflag:s14] =	ssyncadd.s32 $0xFFFFF000  }
0x53: {  	[spmem:s31] =	stream.linear.scatter [tilespmem:s5], [sflag:$0x2], $0x1000, $0x38;
	[tilespmem:$0x1E320] =	vst v63  }
0x54: {  	_ =	swait.ge [sflag:s14], $0x1000  }
0x55: {  	[sflag:s14] =	ssyncset.done $0x0  }
0x56: {  	[sflag:s14] =	ssyncadd.s32 $0xFFFFF000  }
0x57: {  	[spmem:s2] =	stream.linear.scatter [tilespmem:s5], [sflag:$0x2], $0x1000, $0x38;
	[tilespmem:$0x1E320] =	vst v63  }
0x58: {  	_ =	swait.ge [sflag:s14], $0x1000  }
0x59: {  	[sflag:s14] =	ssyncset.done $0x0  }
0x5a: {  	s6 =	rddreg [dreg:$0x19];
	[sflag:s14] =	ssyncadd.s32 $0xFFFFF000  }
0x5b: {  	[spmem:s6] =	stream.linear.scatter [tilespmem:s5], [sflag:$0x2], $0x1000, $0x38;
	[tilespmem:$0x1E320] =	vst v63  }
0x5c: {  	_ =	swait.ge [sflag:s14], $0x1000  }
0x5d: {  	[sflag:s14] =	ssyncset.done $0x0  }
0x5e: {  	s31 =	rddreg [dreg:$0x1a];
	[sflag:s14] =	ssyncadd.s32 $0xFFFFF000  }
0x5f: {  	[spmem:s31] =	stream.linear.scatter [tilespmem:s5], [sflag:$0x2], $0x1000, $0x38;
	[tilespmem:$0x1E320] =	vst v63  }
0x60: {  	_ =	swait.ge [sflag:s14], $0x1000  }
0x61: {  	[sflag:s14] =	ssyncset.done $0x0  }
0x62: {  	[sflag:s14] =	ssyncadd.s32 $0xFFFFF000  }
0x63: {  	[spmem:s7] =	stream.linear.scatter [tilespmem:s5], [sflag:$0x2], $0x1000, $0x38;
	[tilespmem:$0x1E320] =	vst v63  }
0x64: {  	_ =	swait.ge [sflag:s14], $0x1000  }
0x65: {  	[sflag:s14] =	ssyncset.done $0x0  }
0x66: {  	[sflag:s14] =	ssyncadd.s32 $0xFFFFF000  }
0x67: {  	[spmem:s8] =	stream.linear.scatter [tilespmem:s5], [sflag:$0x2], $0x1000, $0x38;
	[tilespmem:$0x1E320] =	vst v63  }
0x68: {  	_ =	swait.ge [sflag:s14], $0x1000  }
0x69: {  	[sflag:s14] =	ssyncset.done $0x0  }
0x6a: {  	[sflag:s14] =	ssyncadd.s32 $0xFFFFF000  }
0x6b: {  	[spmem:s10] =	stream.linear.scatter [tilespmem:s5], [sflag:$0x2], $0x1000, $0x38;
	[tilespmem:$0x1E320] =	vst v63  }
0x6c: {  	_ =	swait.ge [sflag:s14], $0x1000  }
0x6d: {  	[sflag:s14] =	ssyncset.done $0x0  }
0x6e: {  	[sflag:s14] =	ssyncadd.s32 $0xFFFFF000  }
0x6f: {  	[spmem:s11] =	stream.linear.scatter [tilespmem:s5], [sflag:$0x2], $0x1000, $0x38;
	[tilespmem:$0x1E320] =	vst v63  }
0x70: {  	_ =	swait.ge [sflag:s14], $0x1000  }
0x71: {  	[sflag:s14] =	ssyncset.done $0x0  }
0x72: {  	[sflag:s14] =	ssyncadd.s32 $0xFFFFF000  }
0x73: {  	[spmem:s12] =	stream.linear.scatter [tilespmem:s5], [sflag:$0x2], $0x1000, $0x38;
	[tilespmem:$0x1E320] =	vst v63  }
0x74: {  	_ =	swait.ge [sflag:s14], $0x1000  }
0x75: {  	[sflag:s14] =	ssyncset.done $0x0  }
0x76: {  	s6 =	rddreg [dreg:$0x7];
	[sflag:s14] =	ssyncadd.s32 $0xFFFFF000  }
0x77: {  	[tilespmem:s15], [sflag:$0x2] =	stream.linear.gather [hbm4b:s6+s5], $0x1400, $0x38;
	[tilespmem:$0x1E320] =	vst v63  }
0x78: {  	_ =	swait.ge [sflag:s14], $0x1400  }
0x79: {  	[sflag:s14] =	ssyncset.done $0x0  }
0x7a: {  	s31 =	rddreg [dreg:$0x8];
	[sflag:s14] =	ssyncadd.s32 $0xFFFFEC00  }
0x7b: {  	[tilespmem:s17], [sflag:$0x2] =	stream.linear.gather [hbm4b:s31+s5], $0x280, $0x38;
	[tilespmem:$0x1E320] =	vst v63  }
0x7c: {  	_ =	swait.ge [sflag:s14], $0x280  }
0x7d: {  	[sflag:s14] =	ssyncset.done $0x0  }
0x7e: {  	[sflag:s14] =	ssyncadd.s32 $0xFFFFFD80  }
0x7f: {  	[spmem:s16] =	stream.linear.scatter [tilespmem:s15], [sflag:$0x2], $0x1400, $0x38;
	[tilespmem:$0x1E320] =	vst v63  }
0x80: {  	_ =	swait.ge [sflag:s14], $0x1400  }
0x81: {  	[sflag:s14] =	ssyncset.done $0x0  }
0x82: {  	[sflag:s14] =	ssyncadd.s32 $0xFFFFEC00  }
0x83: {  	s29 =	sadd.s32 $0x0, s25;
	[bflag:$0x0] =	sbarrier.arrive $0xFFFF  }
0x84: {  	[tilespmem:s18], [sflag:$0x2] =	stream.linear.gather [hbm4b:s29+s5], $0x50, $0x38;
	[tilespmem:$0x1E320] =	vst v63  }
0x85: {  	_ =	swait.ge [sflag:s14], $0x50  }
0x86: {  	[sflag:s14] =	ssyncset.done $0x0  }
0x87: {  	s29 =	sadd.s32 $0x0, s24;
	[sflag:s14] =	ssyncadd.s32 $0xFFFFFFB0  }
0x88: {  	[tilespmem:s19], [sflag:$0x2] =	stream.linear.gather [hbm4b:s29+s5], $0x50, $0x38;
	[tilespmem:$0x1E320] =	vst v63  }
0x89: {  	_ =	swait.ge [sflag:s14], $0x50  }
0x8a: {  	[sflag:s14] =	ssyncset.done $0x0  }
0x8b: {  	[sflag:s14] =	ssyncadd.s32 $0xFFFFFFB0  }
0x8c: {  	[tilespmem:s21], [sflag:$0x1] =	stream.indirect.gather [hbm4b:s0+s20], $0x80, s18, s20, $0xb8;
	[tilespmem:$0x1E320] =	vst v63  }
0x8d: {  	_ =	swait.ge [sflag:s22], $0x2800  }
0x8e: {  	[sflag:s22] =	ssyncset.done $0x0  }
0x8f: {  	[sflag:s22] =	ssyncadd.s32 $0xFFFFD800  }
0x90: {  	[spmem:s3] =	stream.indirect.scatter.add.f32 [tilespmem:s21], [sflag:$0x2], $0x80, s19, s20, $0xb8;
	[tilespmem:$0x1E320] =	vst v63  }
0x91: {  	_ =	swait.ge [sflag:s14], $0x2800  }
0x92: {  	[sflag:s14] =	ssyncset.done $0x0  }
0x93: {  	[sflag:s14] =	ssyncadd.s32 $0xFFFFD800  }
0x94: {  	[spmem:s4] =	stream.indirect.scatter.add.f32 [tilespmem:s17], [sflag:$0x2], $0x8, s19, s20, $0xb8;
	[tilespmem:$0x1E320] =	vst v63  }
0x95: {  	_ =	swait.ge [sflag:s14], $0x280  }
0x96: {  	s30 =	simm.s32 $0x14;
	s29 =	simm.s32 $0xA;
	[sflag:s14] =	ssyncset.done $0x0  }
.LBB2_2:
0x97: {  	s31 =	sadd.s32 s29, s25  }
0x98: {  	[sflag:s14] =	ssyncadd.s32 $0xFFFFFD80;
	s1 =	smov.u32 s30;
	s6 =	sadd.s32 $0xA, s30  }
0x99: {  	[tilespmem:s18], [sflag:$0x2] =	stream.linear.gather [hbm4b:s31+s5], $0x50, $0x38;
	[tilespmem:$0x1E320] =	vst v63  }
0x9a: {  	p0 =	sne.s32 s30, $0x4D8;
	_ =	swait.ge [sflag:s14], $0x50  }
0x9b: {  	[sflag:s14] =	ssyncset.done $0x0  }
0x9c: {  	s30 =	sadd.s32 s29, s24;
	s29 =	smov.u32 s1;
	[sflag:s14] =	ssyncadd.s32 $0xFFFFFFB0  }
0x9d: {  	[tilespmem:s19], [sflag:$0x2] =	stream.linear.gather [hbm4b:s30+s5], $0x50, $0x38;
	[tilespmem:$0x1E320] =	vst v63  }
0x9e: {  	_ =	swait.ge [sflag:s14], $0x50  }
0x9f: {  	[sflag:s14] =	ssyncset.done $0x0  }
0xa0: {  	[sflag:s14] =	ssyncadd.s32 $0xFFFFFFB0  }
0xa1: {  	[tilespmem:s21], [sflag:$0x1] =	stream.indirect.gather [hbm4b:s0+s20], $0x80, s18, s20, $0xb8;
	[tilespmem:$0x1E320] =	vst v63  }
0xa2: {  	_ =	swait.ge [sflag:s22], $0x2800  }
0xa3: {  	[sflag:s22] =	ssyncset.done $0x0  }
0xa4: {  	[sflag:s22] =	ssyncadd.s32 $0xFFFFD800  }
0xa5: {  	[spmem:s3] =	stream.indirect.scatter.add.f32 [tilespmem:s21], [sflag:$0x2], $0x80, s19, s20, $0xb8;
	[tilespmem:$0x1E320] =	vst v63  }
0xa6: {  	_ =	swait.ge [sflag:s14], $0x2800  }
.Ltmp0:
0xa7: {  	[sflag:s14] =	ssyncset.done $0x0;
	(pc) =	sbr.rel @p0 .LBB2_2-.Ltmp0, $4  }
0xa8: {  	[sflag:s14] =	ssyncadd.s32 $0xFFFFD800  }
0xa9: {  	[spmem:s4] =	stream.indirect.scatter.add.f32 [tilespmem:s17], [sflag:$0x2], $0x8, s19, s20, $0xb8;
	[tilespmem:$0x1E320] =	vst v63  }
0xaa: {  	_ =	swait.ge [sflag:s14], $0x280  }
0xab: {  	s30 =	smov.u32 s6;
	[sflag:s14] =	ssyncset.done $0x0  }
0xac: {  	s1 =	sadd.s32 s29, s25;
	[sflag:s14] =	ssyncadd.s32 $0xFFFFFD80  }
0xad: {  	[tilespmem:s18], [sflag:$0x2] =	stream.linear.gather [hbm4b:s1+s5], $0x50, $0x38;
	[tilespmem:$0x1E320] =	vst v63  }
0xae: {  	_ =	swait.ge [sflag:s14], $0x50  }
0xaf: {  	[sflag:s14] =	ssyncset.done $0x0  }
0xb0: {  	s6 =	sadd.s32 s29, s24;
	[sflag:s14] =	ssyncadd.s32 $0xFFFFFFB0  }
0xb1: {  	[tilespmem:s19], [sflag:$0x2] =	stream.linear.gather [hbm4b:s6+s5], $0x50, $0x38;
	[tilespmem:$0x1E320] =	vst v63  }
0xb2: {  	_ =	swait.ge [sflag:s14], $0x50  }
0xb3: {  	[sflag:s14] =	ssyncset.done $0x0  }
0xb4: {  	[sflag:s14] =	ssyncadd.s32 $0xFFFFFFB0  }
0xb5: {  	[tilespmem:s21], [sflag:$0x1] =	stream.indirect.gather [hbm4b:s0+s20], $0x80, s18, s20, $0xb8;
	[tilespmem:$0x1E320] =	vst v63  }
0xb6: {  	_ =	swait.ge [sflag:s22], $0x2800  }
0xb7: {  	[sflag:s22] =	ssyncset.done $0x0  }
0xb8: {  	[sflag:s22] =	ssyncadd.s32 $0xFFFFD800  }
0xb9: {  	[spmem:s3] =	stream.indirect.scatter.add.f32 [tilespmem:s21], [sflag:$0x2], $0x80, s19, s20, $0xb8;
	[tilespmem:$0x1E320] =	vst v63  }
0xba: {  	_ =	swait.ge [sflag:s14], $0x2800  }
0xbb: {  	[sflag:s14] =	ssyncset.done $0x0  }
0xbc: {  	[sflag:s14] =	ssyncadd.s32 $0xFFFFD800  }
0xbd: {  	[spmem:s4] =	stream.indirect.scatter.add.f32 [tilespmem:s17], [sflag:$0x2], $0x8, s19, s20, $0xb8;
	[tilespmem:$0x1E320] =	vst v63  }
0xbe: {  	_ =	swait.ge [sflag:s14], $0x280  }
0xbf: {  	[sflag:s14] =	ssyncset.done $0x0  }
0xc0: {  	[sflag:s14] =	ssyncadd.s32 $0xFFFFFD80  }
0xc1: {  	[bflag:$0x0] =	sbarrier.arrive $0xFFFF  }
0xc2: {  	[tilespmem:s23], [sflag:$0x2] =	stream.linear.gather [spmem:s9], $0x4000, $0x38;
	[tilespmem:$0x1E320] =	vst v63  }
0xc3: {  	_ =	swait.ge [sflag:s14], $0x4000  }
0xc4: {  	[sflag:s14] =	ssyncset.done $0x0  }
0xc5: {  	s29 =	rddreg [dreg:$0xe];
	[sflag:s14] =	ssyncadd.s32 $0xFFFFC000  }
0xc6: {  	[hbm4b:s29+s5] =	stream.linear.scatter [tilespmem:s23], [sflag:$0x2], $0x4000, $0x38;
	[tilespmem:$0x1E320] =	vst v63  }
0xc7: {  	_ =	swait.ge [sflag:s14], $0x4000  }
0xc8: {  	[sflag:s14] =	ssyncset.done $0x0  }
0xc9: {  	[sflag:s14] =	ssyncadd.s32 $0xFFFFC000  }
0xca: {  	[tilespmem:s23], [sflag:$0x2] =	stream.linear.gather [spmem:s13], $0x4000, $0x38;
	[tilespmem:$0x1E320] =	vst v63  }
0xcb: {  	_ =	swait.ge [sflag:s14], $0x4000  }
0xcc: {  	[sflag:s14] =	ssyncset.done $0x0  }
0xcd: {  	s30 =	rddreg [dreg:$0xf];
	[sflag:s14] =	ssyncadd.s32 $0xFFFFC000  }
0xce: {  	[hbm4b:s30+s5] =	stream.linear.scatter [tilespmem:s23], [sflag:$0x2], $0x4000, $0x38;
	[tilespmem:$0x1E320] =	vst v63  }
0xcf: {  	_ =	swait.ge [sflag:s14], $0x4000  }
0xd0: {  	[sflag:s14] =	ssyncset.done $0x0  }
0xd1: {  	[sflag:s14] =	ssyncadd.s32 $0xFFFFC000  }
0xd2: {  	[tilespmem:s23], [sflag:$0x2] =	stream.linear.gather [spmem:s28], $0x4000, $0x38;
	[tilespmem:$0x1E320] =	vst v63  }
0xd3: {  	_ =	swait.ge [sflag:s14], $0x4000  }
0xd4: {  	[sflag:s14] =	ssyncset.done $0x0  }
0xd5: {  	s31 =	rddreg [dreg:$0x10];
	[sflag:s14] =	ssyncadd.s32 $0xFFFFC000  }
0xd6: {  	[hbm4b:s31+s5] =	stream.linear.scatter [tilespmem:s23], [sflag:$0x2], $0x4000, $0x38;
	[tilespmem:$0x1E320] =	vst v63  }
0xd7: {  	_ =	swait.ge [sflag:s14], $0x4000  }
0xd8: {  	[sflag:s14] =	ssyncset.done $0x0  }
0xd9: {  	[sflag:s14] =	ssyncadd.s32 $0xFFFFC000  }
0xda: {  	[tilespmem:s23], [sflag:$0x2] =	stream.linear.gather [spmem:s2], $0x4000, $0x38;
	[tilespmem:$0x1E320] =	vst v63  }
0xdb: {  	_ =	swait.ge [sflag:s14], $0x4000  }
0xdc: {  	[sflag:s14] =	ssyncset.done $0x0  }
0xdd: {  	s6 =	rddreg [dreg:$0x11];
	[sflag:s14] =	ssyncadd.s32 $0xFFFFC000  }
0xde: {  	[hbm4b:s6+s5] =	stream.linear.scatter [tilespmem:s23], [sflag:$0x2], $0x4000, $0x38;
	[tilespmem:$0x1E320] =	vst v63  }
0xdf: {  	_ =	swait.ge [sflag:s14], $0x4000  }
0xe0: {  	[sflag:s14] =	ssyncset.done $0x0  }
0xe1: {  	[sflag:s14] =	ssyncadd.s32 $0xFFFFC000  }
0xe2: {  	[tilespmem:s23], [sflag:$0x2] =	stream.linear.gather [spmem:s8], $0x4000, $0x38;
	[tilespmem:$0x1E320] =	vst v63  }
0xe3: {  	_ =	swait.ge [sflag:s14], $0x4000  }
0xe4: {  	[sflag:s14] =	ssyncset.done $0x0  }
0xe5: {  	s29 =	rddreg [dreg:$0x12];
	[sflag:s14] =	ssyncadd.s32 $0xFFFFC000  }
0xe6: {  	[hbm4b:s29+s5] =	stream.linear.scatter [tilespmem:s23], [sflag:$0x2], $0x4000, $0x38;
	[tilespmem:$0x1E320] =	vst v63  }
0xe7: {  	_ =	swait.ge [sflag:s14], $0x4000  }
0xe8: {  	[sflag:s14] =	ssyncset.done $0x0  }
0xe9: {  	[sflag:s14] =	ssyncadd.s32 $0xFFFFC000  }
0xea: {  	[tilespmem:s15], [sflag:$0x2] =	stream.linear.gather [spmem:s16], $0x1400, $0x38;
	[tilespmem:$0x1E320] =	vst v63  }
0xeb: {  	_ =	swait.ge [sflag:s14], $0x1400  }
0xec: {  	[sflag:s14] =	ssyncset.done $0x0  }
0xed: {  	s30 =	rddreg [dreg:$0x13];
	[sflag:s14] =	ssyncadd.s32 $0xFFFFEC00  }
0xee: {  	[hbm4b:s30+s5] =	stream.linear.scatter [tilespmem:s15], [sflag:$0x2], $0x1400, $0x38;
	[tilespmem:$0x1E320] =	vst v63  }
0xef: {  	_ =	swait.ge [sflag:s14], $0x1400  }
0xf0: {  	s26 =	sadd.s32 $0x1, s26;
	s31 =	rddreg [dreg:$0x14]  }
0xf1: {  	p0 =	sne.s32 s26, s31  }
.Ltmp1:
0xf2: {  	_ = 	snop;
	(pc) =	sbr.rel @p0 .LBB2_1-.Ltmp1, $3  }
0xf3: {  	_ =	sdelay $0x1  }
0xf4: {  	[sflag:s14] =	ssyncset.done $0x0  }
0xf5: {  	[sflag:s14] =	ssyncadd.s32 $0xFFFFEC00  }
0xf6: {  	_ =	sfence.sel $0x180000  }
0xf7: {  	[bflag:$0x0] =	sbarrier.arrive $0xFFFF  }
0xf8: {  	_ =	strace $0x90000047  }
0xf9: {  	s0 =	stileid.u32;
	[bflag:$0x2] =	sbarrier.arrive $0xFFFF  }
0xfa: {  	p0 =	sne.s32 s0, $0x0;
	s0 =	rddreg [dreg:$0x5]  }
0xfb: {  	s0 =	sadd.s32 @!p0 $0x100000, s0  }
0xfc: {  	[sflag:s0] =	ssyncadd.tile.s32 @!p0 $0x1;
	_ =	shalt  }
.Lfunc_end2:
_tile_overlayer_lowered:
.L_overlay_start_2:
0xfd: {  	(tag) =	ssettag $0x2  }
0xfe: {  	s0 =	rddreg [dreg:$0x0];
	s2 =	stileid.u32  }
0xff: {  	s1 =	rddreg [dreg:$0x1];
	p0 =	sne.s32 s2, $0x0  }
0x100: {  	s3 =	rddreg [dreg:$0x2];
	[bflag:$0x3] =	sbarrier.arrive $0xFFFF;
	s2 =	simm.s32 @!p0 $0x1C02  }
0x101: {  	[timem:s3], [sflag:s2] =	dma.local @!p0 [hbm:s0], s1  }
0x102: {  	s0 =	simm.s32 @!p0 $0x2  }
0x103: {  	_ =	swait.ge @!p0 [sflag:s0], s1  }
0x104: {  	s1 =	ssub.s32 @!p0 $0x0, s1;
	[sflag:s0] =	ssyncset.done @!p0 $0x0  }
0x105: {  	[sflag:s0] =	ssyncadd.s32 @!p0 s1  }
0x106: {  	[bflag:$0x3] =	sbarrier.arrive $0xFFFF  }
0x107: {  	_ =	shalt  }

</sc_bundles>
